<compile_context>
chip_gen: v7x
topology: tpu7x:2x2x1
jax: 0.10.2.dev20260603
libtpu: 0.0.44.dev20260713+nightly
codegen_flags: <defaults>
</compile_context>

<pallas_src>
import functools

import jax
import jax.numpy as jnp
from jax import lax
from jax.experimental import pallas as pl
from jax.experimental.pallas import tpu as pltpu
from jax.experimental.pallas import tpu_sc as plsc

_N = 10000
_E = 320000
_D = 128
_NC = 2
_NS = 16
_CPT = _D // (_NC * _NS)
_CH = 1280
_NCH = _E // _CH


def _sc_segment_max(xT, edge_index):
  mesh = plsc.VectorSubcoreMesh(
      core_axis_name="c", subcore_axis_name="s",
      num_cores=_NC, num_subcores=_NS)

  scratch = (
      [pltpu.VMEM((_N,), jnp.float32) for _ in range(_CPT)]
      + [pltpu.VMEM((_N,), jnp.float32) for _ in range(2 * _CPT)]
      + [pltpu.VMEM((2, _CH), jnp.int32) for _ in range(2)]
      + [pltpu.SemaphoreType.DMA, pltpu.SemaphoreType.DMA]
  )

  @functools.partial(
      pl.kernel, mesh=mesh,
      out_type=jax.ShapeDtypeStruct((_D, _N), jnp.float32),
      scratch_types=scratch,
      compiler_params=pltpu.CompilerParams(needs_layout_passes=False),
  )
  def body(xt_hbm, ei_hbm, out_hbm,
           xl0, xl1, xl2, xl3, ma0, ma1, ma2, ma3, mb0, mb1, mb2, mb3,
           eb0, eb1, sem0, sem1):
    xls = (xl0, xl1, xl2, xl3)
    banks = ((ma0, ma1, ma2, ma3), (mb0, mb1, mb2, mb3))
    ebufs = (eb0, eb1)
    sems = (sem0, sem1)

    wid = lax.axis_index("s") * _NC + lax.axis_index("c")
    c0 = wid * _CPT

    for j in range(_CPT):
      pltpu.sync_copy(xt_hbm.at[c0 + j], xls[j])

    neg = jnp.full((16,), -jnp.inf, dtype=jnp.float32)

    def ibody(i, carry):
      for mls in banks:
        for j in range(_CPT):
          mls[j][pl.ds(i * 16, 16)] = neg
      return carry

    lax.fori_loop(0, _N // 16, ibody, 0)

    def start(slot, ci):
      off = ci * _CH
      pltpu.async_copy(
          ei_hbm.at[:, pl.ds(off, _CH)], ebufs[slot], sems[slot])

    def wait(slot):
      pltpu.make_async_copy(
          ei_hbm.at[:, pl.ds(0, _CH)], ebufs[slot], sems[slot]).wait()

    def fixpoint2(dA, valsA, dB, valsB):
      p0 = jnp.full((16,), True)

      def cond(ps):
        return jnp.any(functools.reduce(lambda a, b: a | b, ps))

      def wbody(ps):
        olds = [plsc.load_gather(banks[0][j], [dA]) for j in range(_CPT)]
        olds += [plsc.load_gather(banks[1][j], [dB]) for j in range(_CPT)]
        news = [jnp.maximum(olds[j], valsA[j]) for j in range(_CPT)]
        news += [jnp.maximum(olds[_CPT + j], valsB[j]) for j in range(_CPT)]
        for j in range(_CPT):
          plsc.store_scatter(banks[0][j], [dA], news[j], mask=ps[j])
          plsc.store_scatter(banks[1][j], [dB], news[_CPT + j],
                             mask=ps[_CPT + j])
        chks = [plsc.load_gather(banks[0][j], [dA]) for j in range(_CPT)]
        chks += [plsc.load_gather(banks[1][j], [dB]) for j in range(_CPT)]
        out = [ps[j] & (chks[j] < valsA[j]) for j in range(_CPT)]
        out += [ps[_CPT + j] & (chks[_CPT + j] < valsB[j])
                for j in range(_CPT)]
        return tuple(out)

      lax.while_loop(cond, wbody, (p0,) * (2 * _CPT))

    _U = 8

    def process(ebuf):
      def gbody(it, carry):
        g0 = it * _U
        ds, valss, lasts = [], [], []
        for u in range(_U):
          s = ebuf[0, pl.ds((g0 + u) * 16, 16)]
          d = ebuf[1, pl.ds((g0 + u) * 16, 16)]
          _, last = plsc.scan_count(d)
          ds.append(d)
          lasts.append(last)
          valss.append(tuple(
              plsc.load_gather(xls[j], [s]) for j in range(_CPT)))
        all_unique = functools.reduce(lambda a, b: a & b, lasts)
        dup = jnp.any(jnp.logical_not(all_unique))

        def fast():
          for u in range(0, _U, 2):
            olds = [plsc.load_gather(banks[0][j], [ds[u]])
                    for j in range(_CPT)]
            olds += [plsc.load_gather(banks[1][j], [ds[u + 1]])
                     for j in range(_CPT)]
            news = [jnp.maximum(olds[j], valss[u][j]) for j in range(_CPT)]
            news += [jnp.maximum(olds[_CPT + j], valss[u + 1][j])
                     for j in range(_CPT)]
            for j in range(_CPT):
              plsc.store_scatter(banks[0][j], [ds[u]], news[j])
              plsc.store_scatter(banks[1][j], [ds[u + 1]], news[_CPT + j])

        def slow():
          for u in range(0, _U, 2):
            fixpoint2(ds[u], valss[u], ds[u + 1], valss[u + 1])

        lax.cond(dup, slow, fast)
        return carry

      lax.fori_loop(0, _CH // 16 // _U, gbody, 0)

    start(0, 0)

    def pbody(p, carry):
      base = 2 * p
      start(1, base + 1)
      wait(0)
      process(eb0)

      @pl.when(base + 2 < _NCH)
      def _():
        start(0, base + 2)

      wait(1)
      process(eb1)
      return carry

    lax.fori_loop(0, _NCH // 2, pbody, 0)

    def mbody(i, carry):
      sl = pl.ds(i * 16, 16)
      for j in range(_CPT):
        banks[0][j][sl] = jnp.maximum(banks[0][j][sl], banks[1][j][sl])
      return carry

    lax.fori_loop(0, _N // 16, mbody, 0)
    for j in range(_CPT):
      pltpu.sync_copy(banks[0][j], out_hbm.at[c0 + j])

  return body(xT, edge_index)


def _tc_mlp_body(xt_ref, mt_ref, w1_ref, w2_ref, b_ref, o_ref):
  xt = xt_ref[...]
  agg = mt_ref[...] - xt
  agg = jnp.where(agg < -10000.0, 0.0, agg)
  dn = (((0,), (1,)), ((), ()))
  acc = lax.dot_general(xt, w1_ref[...], dn,
                        preferred_element_type=jnp.float32)
  acc = acc + lax.dot_general(agg, w2_ref[...], dn,
                              preferred_element_type=jnp.float32)
  o_ref[...] = jnp.maximum(acc + b_ref[...], 0.0)


def _tc_mlp(xT, Mt, W1, W2, b2d):
  return pl.pallas_call(
      _tc_mlp_body,
      out_shape=jax.ShapeDtypeStruct((_N, _D), jnp.float32),
  )(xT, Mt, W1, W2, b2d)


def kernel(x, edge_index, W, b):
  xT = x.T
  Mt = _sc_segment_max(xT, edge_index)
  W1 = W[:, :_D]
  W2 = W[:, _D:]
  return _tc_mlp(xT, Mt, W1, W2, b.reshape(1, _D))

# --- scband reference (transcript-rebuilt; emitter-appended) ---
"""Pipeline reference for scband-mrconv-86517821214608 (READ-ONLY COPY).

The authoritative reference and input builder live on the scoring server;
editing this copy changes nothing except your own understanding.
"""

import jax, jax.numpy as jnp
import numpy as np

N = 10000
E = 320000
D_IN = 128
D_OUT = 128


def setup_inputs(seed: int = 0) -> dict:
    key = jax.random.key(seed)
    k1, k2, k3, k4 = jax.random.split(key, 4)
    x = jax.random.normal(k1, (N, D_IN), dtype=jnp.float32)
    edge_index = jax.random.randint(k2, (2, E), 0, N, dtype=jnp.int32)
    # MLP([in_channels*2, out_channels]) -> single Linear(2*D_IN, D_OUT) + ReLU
    W = jax.random.normal(k3, (D_OUT, 2 * D_IN), dtype=jnp.float32) * (1.0 / np.sqrt(2 * D_IN))
    b = jax.random.normal(k4, (D_OUT,), dtype=jnp.float32) * 0.01
    return {"x": x, "edge_index": edge_index, "W": W, "b": b}


def reference(x, edge_index, W, b):
    src = edge_index[0]
    dst = edge_index[1]
    # x_j - x_i per edge (gather)
    diff = jnp.take(x, src, axis=0) - jnp.take(x, dst, axis=0)
    # scatter-max aggregation over destination nodes
    agg = jax.ops.segment_max(diff, dst, num_segments=x.shape[0])
    # torch_scatter 'max' post-processing: out[out < -10000] = 0 (handles empty segments)
    agg = jnp.where(agg < -10000.0, 0.0, agg)
    h = jnp.concatenate([x, agg], axis=1)
    out = jax.nn.relu(h @ W.T + b)
    return out

if __name__ == "__main__":
    import jax
    _d = setup_inputs()
    print(jax.jit(kernel)(*tuple(_d.values())))

</pallas_src>

<mosaic_0001>
#map = affine_map<(d0, d1) -> (0, 0)>
module attributes {stable_mosaic.version = 14 : i64} {
  func.func @body(%arg0: i32, %arg1: i32, %arg2: memref<128x10000xf32, #tpu.memory_space<hbm>>, %arg3: memref<2x320000xi32, #tpu.memory_space<hbm>>, %arg4: memref<128x10000xf32, #tpu.memory_space<hbm>>, %arg5: memref<10000xf32, #tpu.memory_space<vmem>>, %arg6: memref<10000xf32, #tpu.memory_space<vmem>>, %arg7: memref<10000xf32, #tpu.memory_space<vmem>>, %arg8: memref<10000xf32, #tpu.memory_space<vmem>>, %arg9: memref<10000xf32, #tpu.memory_space<vmem>>, %arg10: memref<10000xf32, #tpu.memory_space<vmem>>, %arg11: memref<10000xf32, #tpu.memory_space<vmem>>, %arg12: memref<10000xf32, #tpu.memory_space<vmem>>, %arg13: memref<10000xf32, #tpu.memory_space<vmem>>, %arg14: memref<10000xf32, #tpu.memory_space<vmem>>, %arg15: memref<10000xf32, #tpu.memory_space<vmem>>, %arg16: memref<10000xf32, #tpu.memory_space<vmem>>, %arg17: memref<2x1280xi32, #tpu.memory_space<vmem>>, %arg18: memref<2x1280xi32, #tpu.memory_space<vmem>>, %arg19: memref<!tpu.dma_semaphore, #tpu.memory_space<semaphore_mem>>, %arg20: memref<!tpu.dma_semaphore, #tpu.memory_space<semaphore_mem>>) attributes {dimension_semantics = [#tpu.dimension_semantics<core_parallel>, #tpu.dimension_semantics<subcore_parallel>], iteration_bounds = array<i64: 2, 16>, scalar_prefetch = 0 : i64, scratch_operands = 16 : i64, tpu.core_type = #tpu.core_type<sc_vector_subcore>, window_params = [{transform_indices = #map}, {transform_indices = #map}, {transform_indices = #map}]} {
    %mul3A = arith.constant 2 : i32
    %mul3A_0 = arith.muli %arg1, %mul3A : i32
    %add3A = arith.addi %mul3A_0, %arg0 : i32
    %mul3A_1 = arith.constant 4 : i32
    %mul3A_2 = arith.muli %add3A, %mul3A_1 : i32
    %add3A_3 = arith.constant 0 : i32
    %add3A_4 = arith.addi %mul3A_2, %add3A_3 : i32
    "tpu.region"() ({
      %run_scoped3A = tpu.sem_alloc : memref<!tpu.dma_semaphore, #tpu.memory_space<semaphore_mem>>
      %dma_start3A_42 = arith.constant 0 : i32
      %dma_start3A_43 = tpu.memref_slice %arg2[%add3A_4, %dma_start3A_42] : memref<128x10000xf32, #tpu.memory_space<hbm>> -> memref<1x10000xf32, #tpu.memory_space<hbm>>
      %dma_start3A_44 = tpu.memref_squeeze %dma_start3A_43 : memref<1x10000xf32, #tpu.memory_space<hbm>> -> memref<10000xf32, #tpu.memory_space<hbm>>
      %dma_start3A_45 = arith.constant 0 : i32
      %dma_start3A_46 = tpu.memref_slice %arg2[%add3A_4, %dma_start3A_45] : memref<128x10000xf32, #tpu.memory_space<hbm>> -> memref<1x10000xf32, #tpu.memory_space<hbm>>
      %dma_start3A_47 = tpu.memref_squeeze %dma_start3A_46 : memref<1x10000xf32, #tpu.memory_space<hbm>> -> memref<10000xf32, #tpu.memory_space<hbm>>
      tpu.enqueue_dma source(%dma_start3A_47 : memref<10000xf32, #tpu.memory_space<hbm>>) target(%arg5 : memref<10000xf32, #tpu.memory_space<vmem>>) target_semaphore(%run_scoped3A : memref<!tpu.dma_semaphore, #tpu.memory_space<semaphore_mem>>)
      %dma_wait3A = arith.constant 0 : i32
      %dma_wait3A_48 = tpu.memref_slice %arg2[%add3A_4, %dma_wait3A] : memref<128x10000xf32, #tpu.memory_space<hbm>> -> memref<1x10000xf32, #tpu.memory_space<hbm>>
      %dma_wait3A_49 = tpu.memref_squeeze %dma_wait3A_48 : memref<1x10000xf32, #tpu.memory_space<hbm>> -> memref<10000xf32, #tpu.memory_space<hbm>>
      %dma_wait3A_50 = arith.constant 0 : i32
      %dma_wait3A_51 = tpu.memref_slice %arg2[%add3A_4, %dma_wait3A_50] : memref<128x10000xf32, #tpu.memory_space<hbm>> -> memref<1x10000xf32, #tpu.memory_space<hbm>>
      %dma_wait3A_52 = tpu.memref_squeeze %dma_wait3A_51 : memref<1x10000xf32, #tpu.memory_space<hbm>> -> memref<10000xf32, #tpu.memory_space<hbm>>
      tpu.wait_dma2 semaphore(%run_scoped3A : memref<!tpu.dma_semaphore, #tpu.memory_space<semaphore_mem>>) src(%dma_wait3A_52 : memref<10000xf32, #tpu.memory_space<hbm>>) dst(%arg5 : memref<10000xf32, #tpu.memory_space<vmem>>)
      tpu.yield
    }) : () -> ()
    %add3A_5 = arith.constant 1 : i32
    %add3A_6 = arith.addi %mul3A_2, %add3A_5 : i32
    "tpu.region"() ({
      %run_scoped3A = tpu.sem_alloc : memref<!tpu.dma_semaphore, #tpu.memory_space<semaphore_mem>>
      %dma_start3A_42 = arith.constant 0 : i32
      %dma_start3A_43 = tpu.memref_slice %arg2[%add3A_6, %dma_start3A_42] : memref<128x10000xf32, #tpu.memory_space<hbm>> -> memref<1x10000xf32, #tpu.memory_space<hbm>>
      %dma_start3A_44 = tpu.memref_squeeze %dma_start3A_43 : memref<1x10000xf32, #tpu.memory_space<hbm>> -> memref<10000xf32, #tpu.memory_space<hbm>>
      %dma_start3A_45 = arith.constant 0 : i32
      %dma_start3A_46 = tpu.memref_slice %arg2[%add3A_6, %dma_start3A_45] : memref<128x10000xf32, #tpu.memory_space<hbm>> -> memref<1x10000xf32, #tpu.memory_space<hbm>>
      %dma_start3A_47 = tpu.memref_squeeze %dma_start3A_46 : memref<1x10000xf32, #tpu.memory_space<hbm>> -> memref<10000xf32, #tpu.memory_space<hbm>>
      tpu.enqueue_dma source(%dma_start3A_47 : memref<10000xf32, #tpu.memory_space<hbm>>) target(%arg6 : memref<10000xf32, #tpu.memory_space<vmem>>) target_semaphore(%run_scoped3A : memref<!tpu.dma_semaphore, #tpu.memory_space<semaphore_mem>>)
      %dma_wait3A = arith.constant 0 : i32
      %dma_wait3A_48 = tpu.memref_slice %arg2[%add3A_6, %dma_wait3A] : memref<128x10000xf32, #tpu.memory_space<hbm>> -> memref<1x10000xf32, #tpu.memory_space<hbm>>
      %dma_wait3A_49 = tpu.memref_squeeze %dma_wait3A_48 : memref<1x10000xf32, #tpu.memory_space<hbm>> -> memref<10000xf32, #tpu.memory_space<hbm>>
      %dma_wait3A_50 = arith.constant 0 : i32
      %dma_wait3A_51 = tpu.memref_slice %arg2[%add3A_6, %dma_wait3A_50] : memref<128x10000xf32, #tpu.memory_space<hbm>> -> memref<1x10000xf32, #tpu.memory_space<hbm>>
      %dma_wait3A_52 = tpu.memref_squeeze %dma_wait3A_51 : memref<1x10000xf32, #tpu.memory_space<hbm>> -> memref<10000xf32, #tpu.memory_space<hbm>>
      tpu.wait_dma2 semaphore(%run_scoped3A : memref<!tpu.dma_semaphore, #tpu.memory_space<semaphore_mem>>) src(%dma_wait3A_52 : memref<10000xf32, #tpu.memory_space<hbm>>) dst(%arg6 : memref<10000xf32, #tpu.memory_space<vmem>>)
      tpu.yield
    }) : () -> ()
    %add3A_7 = arith.constant 2 : i32
    %add3A_8 = arith.addi %mul3A_2, %add3A_7 : i32
    "tpu.region"() ({
      %run_scoped3A = tpu.sem_alloc : memref<!tpu.dma_semaphore, #tpu.memory_space<semaphore_mem>>
      %dma_start3A_42 = arith.constant 0 : i32
      %dma_start3A_43 = tpu.memref_slice %arg2[%add3A_8, %dma_start3A_42] : memref<128x10000xf32, #tpu.memory_space<hbm>> -> memref<1x10000xf32, #tpu.memory_space<hbm>>
      %dma_start3A_44 = tpu.memref_squeeze %dma_start3A_43 : memref<1x10000xf32, #tpu.memory_space<hbm>> -> memref<10000xf32, #tpu.memory_space<hbm>>
      %dma_start3A_45 = arith.constant 0 : i32
      %dma_start3A_46 = tpu.memref_slice %arg2[%add3A_8, %dma_start3A_45] : memref<128x10000xf32, #tpu.memory_space<hbm>> -> memref<1x10000xf32, #tpu.memory_space<hbm>>
      %dma_start3A_47 = tpu.memref_squeeze %dma_start3A_46 : memref<1x10000xf32, #tpu.memory_space<hbm>> -> memref<10000xf32, #tpu.memory_space<hbm>>
      tpu.enqueue_dma source(%dma_start3A_47 : memref<10000xf32, #tpu.memory_space<hbm>>) target(%arg7 : memref<10000xf32, #tpu.memory_space<vmem>>) target_semaphore(%run_scoped3A : memref<!tpu.dma_semaphore, #tpu.memory_space<semaphore_mem>>)
      %dma_wait3A = arith.constant 0 : i32
      %dma_wait3A_48 = tpu.memref_slice %arg2[%add3A_8, %dma_wait3A] : memref<128x10000xf32, #tpu.memory_space<hbm>> -> memref<1x10000xf32, #tpu.memory_space<hbm>>
      %dma_wait3A_49 = tpu.memref_squeeze %dma_wait3A_48 : memref<1x10000xf32, #tpu.memory_space<hbm>> -> memref<10000xf32, #tpu.memory_space<hbm>>
      %dma_wait3A_50 = arith.constant 0 : i32
      %dma_wait3A_51 = tpu.memref_slice %arg2[%add3A_8, %dma_wait3A_50] : memref<128x10000xf32, #tpu.memory_space<hbm>> -> memref<1x10000xf32, #tpu.memory_space<hbm>>
      %dma_wait3A_52 = tpu.memref_squeeze %dma_wait3A_51 : memref<1x10000xf32, #tpu.memory_space<hbm>> -> memref<10000xf32, #tpu.memory_space<hbm>>
      tpu.wait_dma2 semaphore(%run_scoped3A : memref<!tpu.dma_semaphore, #tpu.memory_space<semaphore_mem>>) src(%dma_wait3A_52 : memref<10000xf32, #tpu.memory_space<hbm>>) dst(%arg7 : memref<10000xf32, #tpu.memory_space<vmem>>)
      tpu.yield
    }) : () -> ()
    %add3A_9 = arith.constant 3 : i32
    %add3A_10 = arith.addi %mul3A_2, %add3A_9 : i32
    "tpu.region"() ({
      %run_scoped3A = tpu.sem_alloc : memref<!tpu.dma_semaphore, #tpu.memory_space<semaphore_mem>>
      %dma_start3A_42 = arith.constant 0 : i32
      %dma_start3A_43 = tpu.memref_slice %arg2[%add3A_10, %dma_start3A_42] : memref<128x10000xf32, #tpu.memory_space<hbm>> -> memref<1x10000xf32, #tpu.memory_space<hbm>>
      %dma_start3A_44 = tpu.memref_squeeze %dma_start3A_43 : memref<1x10000xf32, #tpu.memory_space<hbm>> -> memref<10000xf32, #tpu.memory_space<hbm>>
      %dma_start3A_45 = arith.constant 0 : i32
      %dma_start3A_46 = tpu.memref_slice %arg2[%add3A_10, %dma_start3A_45] : memref<128x10000xf32, #tpu.memory_space<hbm>> -> memref<1x10000xf32, #tpu.memory_space<hbm>>
      %dma_start3A_47 = tpu.memref_squeeze %dma_start3A_46 : memref<1x10000xf32, #tpu.memory_space<hbm>> -> memref<10000xf32, #tpu.memory_space<hbm>>
      tpu.enqueue_dma source(%dma_start3A_47 : memref<10000xf32, #tpu.memory_space<hbm>>) target(%arg8 : memref<10000xf32, #tpu.memory_space<vmem>>) target_semaphore(%run_scoped3A : memref<!tpu.dma_semaphore, #tpu.memory_space<semaphore_mem>>)
      %dma_wait3A = arith.constant 0 : i32
      %dma_wait3A_48 = tpu.memref_slice %arg2[%add3A_10, %dma_wait3A] : memref<128x10000xf32, #tpu.memory_space<hbm>> -> memref<1x10000xf32, #tpu.memory_space<hbm>>
      %dma_wait3A_49 = tpu.memref_squeeze %dma_wait3A_48 : memref<1x10000xf32, #tpu.memory_space<hbm>> -> memref<10000xf32, #tpu.memory_space<hbm>>
      %dma_wait3A_50 = arith.constant 0 : i32
      %dma_wait3A_51 = tpu.memref_slice %arg2[%add3A_10, %dma_wait3A_50] : memref<128x10000xf32, #tpu.memory_space<hbm>> -> memref<1x10000xf32, #tpu.memory_space<hbm>>
      %dma_wait3A_52 = tpu.memref_squeeze %dma_wait3A_51 : memref<1x10000xf32, #tpu.memory_space<hbm>> -> memref<10000xf32, #tpu.memory_space<hbm>>
      tpu.wait_dma2 semaphore(%run_scoped3A : memref<!tpu.dma_semaphore, #tpu.memory_space<semaphore_mem>>) src(%dma_wait3A_52 : memref<10000xf32, #tpu.memory_space<hbm>>) dst(%arg8 : memref<10000xf32, #tpu.memory_space<vmem>>)
      tpu.yield
    }) : () -> ()
    %broadcast_in_dim3A = arith.constant 0xFF800000 : f32
    %broadcast_in_dim3A_11 = vector.broadcast %broadcast_in_dim3A : f32 to vector<16xf32>
    %scan3A = arith.constant 0 : i32
    %scan3A_12 = arith.constant 0 : i32
    %scan3A_13 = arith.constant 625 : i32
    %scan3A_14 = arith.addi %scan3A_12, %scan3A_13 : i32
    %scan3A_15 = arith.constant 1 : i32
    scf.for %scan3A_42 = %scan3A_12 to %scan3A_14 step %scan3A_15  : i32 {
      %mul3A_43 = arith.constant 16 : i32
      %mul3A_44 = arith.muli %scan3A_42, %mul3A_43 : i32
      %swap3A = arith.index_cast %mul3A_44 : i32 to index
      %swap3A_45 = tpu.vector_load %arg9[%swap3A] {strides = array<i32>} : memref<10000xf32, #tpu.memory_space<vmem>>, vector<16xf32>,
      tpu.vector_store %arg9[%swap3A], %broadcast_in_dim3A_11 {strides = array<i32>} : memref<10000xf32, #tpu.memory_space<vmem>>, vector<16xf32>,
      %mul3A_46 = arith.constant 16 : i32
      %mul3A_47 = arith.muli %scan3A_42, %mul3A_46 : i32
      %swap3A_48 = arith.index_cast %mul3A_47 : i32 to index
      %swap3A_49 = tpu.vector_load %arg10[%swap3A_48] {strides = array<i32>} : memref<10000xf32, #tpu.memory_space<vmem>>, vector<16xf32>,
      tpu.vector_store %arg10[%swap3A_48], %broadcast_in_dim3A_11 {strides = array<i32>} : memref<10000xf32, #tpu.memory_space<vmem>>, vector<16xf32>,
      %mul3A_50 = arith.constant 16 : i32
      %mul3A_51 = arith.muli %scan3A_42, %mul3A_50 : i32
      %swap3A_52 = arith.index_cast %mul3A_51 : i32 to index
      %swap3A_53 = tpu.vector_load %arg11[%swap3A_52] {strides = array<i32>} : memref<10000xf32, #tpu.memory_space<vmem>>, vector<16xf32>,
      tpu.vector_store %arg11[%swap3A_52], %broadcast_in_dim3A_11 {strides = array<i32>} : memref<10000xf32, #tpu.memory_space<vmem>>, vector<16xf32>,
      %mul3A_54 = arith.constant 16 : i32
      %mul3A_55 = arith.muli %scan3A_42, %mul3A_54 : i32
      %swap3A_56 = arith.index_cast %mul3A_55 : i32 to index
      %swap3A_57 = tpu.vector_load %arg12[%swap3A_56] {strides = array<i32>} : memref<10000xf32, #tpu.memory_space<vmem>>, vector<16xf32>,
      tpu.vector_store %arg12[%swap3A_56], %broadcast_in_dim3A_11 {strides = array<i32>} : memref<10000xf32, #tpu.memory_space<vmem>>, vector<16xf32>,
      %mul3A_58 = arith.constant 16 : i32
      %mul3A_59 = arith.muli %scan3A_42, %mul3A_58 : i32
      %swap3A_60 = arith.index_cast %mul3A_59 : i32 to index
      %swap3A_61 = tpu.vector_load %arg13[%swap3A_60] {strides = array<i32>} : memref<10000xf32, #tpu.memory_space<vmem>>, vector<16xf32>,
      tpu.vector_store %arg13[%swap3A_60], %broadcast_in_dim3A_11 {strides = array<i32>} : memref<10000xf32, #tpu.memory_space<vmem>>, vector<16xf32>,
      %mul3A_62 = arith.constant 16 : i32
      %mul3A_63 = arith.muli %scan3A_42, %mul3A_62 : i32
      %swap3A_64 = arith.index_cast %mul3A_63 : i32 to index
      %swap3A_65 = tpu.vector_load %arg14[%swap3A_64] {strides = array<i32>} : memref<10000xf32, #tpu.memory_space<vmem>>, vector<16xf32>,
      tpu.vector_store %arg14[%swap3A_64], %broadcast_in_dim3A_11 {strides = array<i32>} : memref<10000xf32, #tpu.memory_space<vmem>>, vector<16xf32>,
      %mul3A_66 = arith.constant 16 : i32
      %mul3A_67 = arith.muli %scan3A_42, %mul3A_66 : i32
      %swap3A_68 = arith.index_cast %mul3A_67 : i32 to index
      %swap3A_69 = tpu.vector_load %arg15[%swap3A_68] {strides = array<i32>} : memref<10000xf32, #tpu.memory_space<vmem>>, vector<16xf32>,
      tpu.vector_store %arg15[%swap3A_68], %broadcast_in_dim3A_11 {strides = array<i32>} : memref<10000xf32, #tpu.memory_space<vmem>>, vector<16xf32>,
      %mul3A_70 = arith.constant 16 : i32
      %mul3A_71 = arith.muli %scan3A_42, %mul3A_70 : i32
      %swap3A_72 = arith.index_cast %mul3A_71 : i32 to index
      %swap3A_73 = tpu.vector_load %arg16[%swap3A_72] {strides = array<i32>} : memref<10000xf32, #tpu.memory_space<vmem>>, vector<16xf32>,
      tpu.vector_store %arg16[%swap3A_72], %broadcast_in_dim3A_11 {strides = array<i32>} : memref<10000xf32, #tpu.memory_space<vmem>>, vector<16xf32>,
    }
    %scan3A_16 = arith.constant 625 : i32
    %dma_start3A = arith.constant 0 : i32
    %dma_start3A_17 = arith.constant 0 : i32
    %dma_start3A_18 = tpu.memref_slice %arg3[%dma_start3A, %dma_start3A_17] : memref<2x320000xi32, #tpu.memory_space<hbm>> -> memref<2x1280xi32, #tpu.memory_space<hbm>>
    %dma_start3A_19 = arith.constant 0 : i32
    %dma_start3A_20 = arith.constant 0 : i32
    %dma_start3A_21 = tpu.memref_slice %arg3[%dma_start3A_19, %dma_start3A_20] : memref<2x320000xi32, #tpu.memory_space<hbm>> -> memref<2x1280xi32, #tpu.memory_space<hbm>>
    tpu.enqueue_dma source(%dma_start3A_21 : memref<2x1280xi32, #tpu.memory_space<hbm>>) target(%arg17 : memref<2x1280xi32, #tpu.memory_space<vmem>>) target_semaphore(%arg19 : memref<!tpu.dma_semaphore, #tpu.memory_space<semaphore_mem>>)
    %scan3A_22 = arith.constant 0 : i32
    %scan3A_23 = arith.constant 0 : i32
    %scan3A_24 = arith.constant 125 : i32
    %scan3A_25 = arith.addi %scan3A_23, %scan3A_24 : i32
    %scan3A_26 = arith.constant 1 : i32
    scf.for %scan3A_42 = %scan3A_23 to %scan3A_25 step %scan3A_26  : i32 {
      %mul3A_43 = arith.constant 2 : i32
      %mul3A_44 = arith.muli %mul3A_43, %scan3A_42 : i32
      %add3A_45 = arith.constant 1 : i32
      %add3A_46 = arith.addi %mul3A_44, %add3A_45 : i32
      %mul3A_47 = arith.constant 1280 : i32
      %mul3A_48 = arith.muli %add3A_46, %mul3A_47 : i32
      %dma_start3A_49 = arith.constant 0 : i32
      %dma_start3A_50 = tpu.memref_slice %arg3[%dma_start3A_49, %mul3A_48] : memref<2x320000xi32, #tpu.memory_space<hbm>> -> memref<2x1280xi32, #tpu.memory_space<hbm>>
      %dma_start3A_51 = arith.constant 0 : i32
      %dma_start3A_52 = tpu.memref_slice %arg3[%dma_start3A_51, %mul3A_48] : memref<2x320000xi32, #tpu.memory_space<hbm>> -> memref<2x1280xi32, #tpu.memory_space<hbm>>
      tpu.enqueue_dma source(%dma_start3A_52 : memref<2x1280xi32, #tpu.memory_space<hbm>>) target(%arg18 : memref<2x1280xi32, #tpu.memory_space<vmem>>) target_semaphore(%arg20 : memref<!tpu.dma_semaphore, #tpu.memory_space<semaphore_mem>>)
      %dma_wait3A = arith.constant 0 : i32
      %dma_wait3A_53 = arith.constant 0 : i32
      %dma_wait3A_54 = tpu.memref_slice %arg3[%dma_wait3A, %dma_wait3A_53] : memref<2x320000xi32, #tpu.memory_space<hbm>> -> memref<2x1280xi32, #tpu.memory_space<hbm>>
      %dma_wait3A_55 = arith.constant 0 : i32
      %dma_wait3A_56 = arith.constant 0 : i32
      %dma_wait3A_57 = tpu.memref_slice %arg3[%dma_wait3A_55, %dma_wait3A_56] : memref<2x320000xi32, #tpu.memory_space<hbm>> -> memref<2x1280xi32, #tpu.memory_space<hbm>>
      tpu.wait_dma2 semaphore(%arg19 : memref<!tpu.dma_semaphore, #tpu.memory_space<semaphore_mem>>) src(%dma_wait3A_57 : memref<2x1280xi32, #tpu.memory_space<hbm>>) dst(%arg17 : memref<2x1280xi32, #tpu.memory_space<vmem>>)
      %scan3A_58 = arith.constant 0 : i32
      %scan3A_59 = arith.constant 0 : i32
      %scan3A_60 = arith.constant 10 : i32
      %scan3A_61 = arith.addi %scan3A_59, %scan3A_60 : i32
      %scan3A_62 = arith.constant 1 : i32
      scf.for %scan3A_80 = %scan3A_59 to %scan3A_61 step %scan3A_62  : i32 {
        %mul3A_81 = arith.constant 8 : i32
        %mul3A_82 = arith.muli %scan3A_80, %mul3A_81 : i32
        %add3A_83 = arith.constant 0 : i32
        %add3A_84 = arith.addi %mul3A_82, %add3A_83 : i32
        %mul3A_85 = arith.constant 16 : i32
        %mul3A_86 = arith.muli %add3A_84, %mul3A_85 : i32
        %get3A = arith.constant 0 : i32
        %get3A_87 = arith.index_cast %get3A : i32 to index
        %get3A_88 = arith.index_cast %mul3A_86 : i32 to index
        %get3A_89 = tpu.vector_load %arg17[%get3A_87, %get3A_88] {strides = array<i32>} : memref<2x1280xi32, #tpu.memory_space<vmem>>, vector<16xi32>,
        %add3A_90 = arith.constant 0 : i32
        %add3A_91 = arith.addi %mul3A_82, %add3A_90 : i32
        %mul3A_92 = arith.constant 16 : i32
        %mul3A_93 = arith.muli %add3A_91, %mul3A_92 : i32
        %get3A_94 = arith.constant 1 : i32
        %get3A_95 = arith.index_cast %get3A_94 : i32 to index
        %get3A_96 = arith.index_cast %mul3A_93 : i32 to index
        %get3A_97 = tpu.vector_load %arg17[%get3A_95, %get3A_96] {strides = array<i32>} : memref<2x1280xi32, #tpu.memory_space<vmem>>, vector<16xi32>,
        %broadcast_in_dim3A_98 = arith.constant true
        %broadcast_in_dim3A_99 = vector.broadcast %broadcast_in_dim3A_98 : i1 to vector<16xi1>
        %unique3A, %unique3A_100 = tpu.scan_count mask(%broadcast_in_dim3A_99 : vector<16xi1>) value(%get3A_97 : vector<16xi32>) : vector<16xi1>, vector<16xi32>
        %gather3A = tpu.vector_load_idx %arg5[%get3A_89] : memref<10000xf32, #tpu.memory_space<vmem>>[vector<16xi32>], vector<16xf32>,
        %gather3A_101 = tpu.vector_load_idx %arg6[%get3A_89] : memref<10000xf32, #tpu.memory_space<vmem>>[vector<16xi32>], vector<16xf32>,
        %gather3A_102 = tpu.vector_load_idx %arg7[%get3A_89] : memref<10000xf32, #tpu.memory_space<vmem>>[vector<16xi32>], vector<16xf32>,
        %gather3A_103 = tpu.vector_load_idx %arg8[%get3A_89] : memref<10000xf32, #tpu.memory_space<vmem>>[vector<16xi32>], vector<16xf32>,
        %add3A_104 = arith.constant 1 : i32
        %add3A_105 = arith.addi %mul3A_82, %add3A_104 : i32
        %mul3A_106 = arith.constant 16 : i32
        %mul3A_107 = arith.muli %add3A_105, %mul3A_106 : i32
        %get3A_108 = arith.constant 0 : i32
        %get3A_109 = arith.index_cast %get3A_108 : i32 to index
        %get3A_110 = arith.index_cast %mul3A_107 : i32 to index
        %get3A_111 = tpu.vector_load %arg17[%get3A_109, %get3A_110] {strides = array<i32>} : memref<2x1280xi32, #tpu.memory_space<vmem>>, vector<16xi32>,
        %add3A_112 = arith.constant 1 : i32
        %add3A_113 = arith.addi %mul3A_82, %add3A_112 : i32
        %mul3A_114 = arith.constant 16 : i32
        %mul3A_115 = arith.muli %add3A_113, %mul3A_114 : i32
        %get3A_116 = arith.constant 1 : i32
        %get3A_117 = arith.index_cast %get3A_116 : i32 to index
        %get3A_118 = arith.index_cast %mul3A_115 : i32 to index
        %get3A_119 = tpu.vector_load %arg17[%get3A_117, %get3A_118] {strides = array<i32>} : memref<2x1280xi32, #tpu.memory_space<vmem>>, vector<16xi32>,
        %broadcast_in_dim3A_120 = arith.constant true
        %broadcast_in_dim3A_121 = vector.broadcast %broadcast_in_dim3A_120 : i1 to vector<16xi1>
        %unique3A_122, %unique3A_123 = tpu.scan_count mask(%broadcast_in_dim3A_121 : vector<16xi1>) value(%get3A_119 : vector<16xi32>) : vector<16xi1>, vector<16xi32>
        %gather3A_124 = tpu.vector_load_idx %arg5[%get3A_111] : memref<10000xf32, #tpu.memory_space<vmem>>[vector<16xi32>], vector<16xf32>,
        %gather3A_125 = tpu.vector_load_idx %arg6[%get3A_111] : memref<10000xf32, #tpu.memory_space<vmem>>[vector<16xi32>], vector<16xf32>,
        %gather3A_126 = tpu.vector_load_idx %arg7[%get3A_111] : memref<10000xf32, #tpu.memory_space<vmem>>[vector<16xi32>], vector<16xf32>,
        %gather3A_127 = tpu.vector_load_idx %arg8[%get3A_111] : memref<10000xf32, #tpu.memory_space<vmem>>[vector<16xi32>], vector<16xf32>,
        %add3A_128 = arith.constant 2 : i32
        %add3A_129 = arith.addi %mul3A_82, %add3A_128 : i32
        %mul3A_130 = arith.constant 16 : i32
        %mul3A_131 = arith.muli %add3A_129, %mul3A_130 : i32
        %get3A_132 = arith.constant 0 : i32
        %get3A_133 = arith.index_cast %get3A_132 : i32 to index
        %get3A_134 = arith.index_cast %mul3A_131 : i32 to index
        %get3A_135 = tpu.vector_load %arg17[%get3A_133, %get3A_134] {strides = array<i32>} : memref<2x1280xi32, #tpu.memory_space<vmem>>, vector<16xi32>,
        %add3A_136 = arith.constant 2 : i32
        %add3A_137 = arith.addi %mul3A_82, %add3A_136 : i32
        %mul3A_138 = arith.constant 16 : i32
        %mul3A_139 = arith.muli %add3A_137, %mul3A_138 : i32
        %get3A_140 = arith.constant 1 : i32
        %get3A_141 = arith.index_cast %get3A_140 : i32 to index
        %get3A_142 = arith.index_cast %mul3A_139 : i32 to index
        %get3A_143 = tpu.vector_load %arg17[%get3A_141, %get3A_142] {strides = array<i32>} : memref<2x1280xi32, #tpu.memory_space<vmem>>, vector<16xi32>,
        %broadcast_in_dim3A_144 = arith.constant true
        %broadcast_in_dim3A_145 = vector.broadcast %broadcast_in_dim3A_144 : i1 to vector<16xi1>
        %unique3A_146, %unique3A_147 = tpu.scan_count mask(%broadcast_in_dim3A_145 : vector<16xi1>) value(%get3A_143 : vector<16xi32>) : vector<16xi1>, vector<16xi32>
        %gather3A_148 = tpu.vector_load_idx %arg5[%get3A_135] : memref<10000xf32, #tpu.memory_space<vmem>>[vector<16xi32>], vector<16xf32>,
        %gather3A_149 = tpu.vector_load_idx %arg6[%get3A_135] : memref<10000xf32, #tpu.memory_space<vmem>>[vector<16xi32>], vector<16xf32>,
        %gather3A_150 = tpu.vector_load_idx %arg7[%get3A_135] : memref<10000xf32, #tpu.memory_space<vmem>>[vector<16xi32>], vector<16xf32>,
        %gather3A_151 = tpu.vector_load_idx %arg8[%get3A_135] : memref<10000xf32, #tpu.memory_space<vmem>>[vector<16xi32>], vector<16xf32>,
        %add3A_152 = arith.constant 3 : i32
        %add3A_153 = arith.addi %mul3A_82, %add3A_152 : i32
        %mul3A_154 = arith.constant 16 : i32
        %mul3A_155 = arith.muli %add3A_153, %mul3A_154 : i32
        %get3A_156 = arith.constant 0 : i32
        %get3A_157 = arith.index_cast %get3A_156 : i32 to index
        %get3A_158 = arith.index_cast %mul3A_155 : i32 to index
        %get3A_159 = tpu.vector_load %arg17[%get3A_157, %get3A_158] {strides = array<i32>} : memref<2x1280xi32, #tpu.memory_space<vmem>>, vector<16xi32>,
        %add3A_160 = arith.constant 3 : i32
        %add3A_161 = arith.addi %mul3A_82, %add3A_160 : i32
        %mul3A_162 = arith.constant 16 : i32
        %mul3A_163 = arith.muli %add3A_161, %mul3A_162 : i32
        %get3A_164 = arith.constant 1 : i32
        %get3A_165 = arith.index_cast %get3A_164 : i32 to index
        %get3A_166 = arith.index_cast %mul3A_163 : i32 to index
        %get3A_167 = tpu.vector_load %arg17[%get3A_165, %get3A_166] {strides = array<i32>} : memref<2x1280xi32, #tpu.memory_space<vmem>>, vector<16xi32>,
        %broadcast_in_dim3A_168 = arith.constant true
        %broadcast_in_dim3A_169 = vector.broadcast %broadcast_in_dim3A_168 : i1 to vector<16xi1>
        %unique3A_170, %unique3A_171 = tpu.scan_count mask(%broadcast_in_dim3A_169 : vector<16xi1>) value(%get3A_167 : vector<16xi32>) : vector<16xi1>, vector<16xi32>
        %gather3A_172 = tpu.vector_load_idx %arg5[%get3A_159] : memref<10000xf32, #tpu.memory_space<vmem>>[vector<16xi32>], vector<16xf32>,
        %gather3A_173 = tpu.vector_load_idx %arg6[%get3A_159] : memref<10000xf32, #tpu.memory_space<vmem>>[vector<16xi32>], vector<16xf32>,
        %gather3A_174 = tpu.vector_load_idx %arg7[%get3A_159] : memref<10000xf32, #tpu.memory_space<vmem>>[vector<16xi32>], vector<16xf32>,
        %gather3A_175 = tpu.vector_load_idx %arg8[%get3A_159] : memref<10000xf32, #tpu.memory_space<vmem>>[vector<16xi32>], vector<16xf32>,
        %add3A_176 = arith.constant 4 : i32
        %add3A_177 = arith.addi %mul3A_82, %add3A_176 : i32
        %mul3A_178 = arith.constant 16 : i32
        %mul3A_179 = arith.muli %add3A_177, %mul3A_178 : i32
        %get3A_180 = arith.constant 0 : i32
        %get3A_181 = arith.index_cast %get3A_180 : i32 to index
        %get3A_182 = arith.index_cast %mul3A_179 : i32 to index
        %get3A_183 = tpu.vector_load %arg17[%get3A_181, %get3A_182] {strides = array<i32>} : memref<2x1280xi32, #tpu.memory_space<vmem>>, vector<16xi32>,
        %add3A_184 = arith.constant 4 : i32
        %add3A_185 = arith.addi %mul3A_82, %add3A_184 : i32
        %mul3A_186 = arith.constant 16 : i32
        %mul3A_187 = arith.muli %add3A_185, %mul3A_186 : i32
        %get3A_188 = arith.constant 1 : i32
        %get3A_189 = arith.index_cast %get3A_188 : i32 to index
        %get3A_190 = arith.index_cast %mul3A_187 : i32 to index
        %get3A_191 = tpu.vector_load %arg17[%get3A_189, %get3A_190] {strides = array<i32>} : memref<2x1280xi32, #tpu.memory_space<vmem>>, vector<16xi32>,
        %broadcast_in_dim3A_192 = arith.constant true
        %broadcast_in_dim3A_193 = vector.broadcast %broadcast_in_dim3A_192 : i1 to vector<16xi1>
        %unique3A_194, %unique3A_195 = tpu.scan_count mask(%broadcast_in_dim3A_193 : vector<16xi1>) value(%get3A_191 : vector<16xi32>) : vector<16xi1>, vector<16xi32>
        %gather3A_196 = tpu.vector_load_idx %arg5[%get3A_183] : memref<10000xf32, #tpu.memory_space<vmem>>[vector<16xi32>], vector<16xf32>,
        %gather3A_197 = tpu.vector_load_idx %arg6[%get3A_183] : memref<10000xf32, #tpu.memory_space<vmem>>[vector<16xi32>], vector<16xf32>,
        %gather3A_198 = tpu.vector_load_idx %arg7[%get3A_183] : memref<10000xf32, #tpu.memory_space<vmem>>[vector<16xi32>], vector<16xf32>,
        %gather3A_199 = tpu.vector_load_idx %arg8[%get3A_183] : memref<10000xf32, #tpu.memory_space<vmem>>[vector<16xi32>], vector<16xf32>,
        %add3A_200 = arith.constant 5 : i32
        %add3A_201 = arith.addi %mul3A_82, %add3A_200 : i32
        %mul3A_202 = arith.constant 16 : i32
        %mul3A_203 = arith.muli %add3A_201, %mul3A_202 : i32
        %get3A_204 = arith.constant 0 : i32
        %get3A_205 = arith.index_cast %get3A_204 : i32 to index
        %get3A_206 = arith.index_cast %mul3A_203 : i32 to index
        %get3A_207 = tpu.vector_load %arg17[%get3A_205, %get3A_206] {strides = array<i32>} : memref<2x1280xi32, #tpu.memory_space<vmem>>, vector<16xi32>,
        %add3A_208 = arith.constant 5 : i32
        %add3A_209 = arith.addi %mul3A_82, %add3A_208 : i32
        %mul3A_210 = arith.constant 16 : i32
        %mul3A_211 = arith.muli %add3A_209, %mul3A_210 : i32
        %get3A_212 = arith.constant 1 : i32
        %get3A_213 = arith.index_cast %get3A_212 : i32 to index
        %get3A_214 = arith.index_cast %mul3A_211 : i32 to index
        %get3A_215 = tpu.vector_load %arg17[%get3A_213, %get3A_214] {strides = array<i32>} : memref<2x1280xi32, #tpu.memory_space<vmem>>, vector<16xi32>,
        %broadcast_in_dim3A_216 = arith.constant true
        %broadcast_in_dim3A_217 = vector.broadcast %broadcast_in_dim3A_216 : i1 to vector<16xi1>
        %unique3A_218, %unique3A_219 = tpu.scan_count mask(%broadcast_in_dim3A_217 : vector<16xi1>) value(%get3A_215 : vector<16xi32>) : vector<16xi1>, vector<16xi32>
        %gather3A_220 = tpu.vector_load_idx %arg5[%get3A_207] : memref<10000xf32, #tpu.memory_space<vmem>>[vector<16xi32>], vector<16xf32>,
        %gather3A_221 = tpu.vector_load_idx %arg6[%get3A_207] : memref<10000xf32, #tpu.memory_space<vmem>>[vector<16xi32>], vector<16xf32>,
        %gather3A_222 = tpu.vector_load_idx %arg7[%get3A_207] : memref<10000xf32, #tpu.memory_space<vmem>>[vector<16xi32>], vector<16xf32>,
        %gather3A_223 = tpu.vector_load_idx %arg8[%get3A_207] : memref<10000xf32, #tpu.memory_space<vmem>>[vector<16xi32>], vector<16xf32>,
        %add3A_224 = arith.constant 6 : i32
        %add3A_225 = arith.addi %mul3A_82, %add3A_224 : i32
        %mul3A_226 = arith.constant 16 : i32
        %mul3A_227 = arith.muli %add3A_225, %mul3A_226 : i32
        %get3A_228 = arith.constant 0 : i32
        %get3A_229 = arith.index_cast %get3A_228 : i32 to index
        %get3A_230 = arith.index_cast %mul3A_227 : i32 to index
        %get3A_231 = tpu.vector_load %arg17[%get3A_229, %get3A_230] {strides = array<i32>} : memref<2x1280xi32, #tpu.memory_space<vmem>>, vector<16xi32>,
        %add3A_232 = arith.constant 6 : i32
        %add3A_233 = arith.addi %mul3A_82, %add3A_232 : i32
        %mul3A_234 = arith.constant 16 : i32
        %mul3A_235 = arith.muli %add3A_233, %mul3A_234 : i32
        %get3A_236 = arith.constant 1 : i32
        %get3A_237 = arith.index_cast %get3A_236 : i32 to index
        %get3A_238 = arith.index_cast %mul3A_235 : i32 to index
        %get3A_239 = tpu.vector_load %arg17[%get3A_237, %get3A_238] {strides = array<i32>} : memref<2x1280xi32, #tpu.memory_space<vmem>>, vector<16xi32>,
        %broadcast_in_dim3A_240 = arith.constant true
        %broadcast_in_dim3A_241 = vector.broadcast %broadcast_in_dim3A_240 : i1 to vector<16xi1>
        %unique3A_242, %unique3A_243 = tpu.scan_count mask(%broadcast_in_dim3A_241 : vector<16xi1>) value(%get3A_239 : vector<16xi32>) : vector<16xi1>, vector<16xi32>
        %gather3A_244 = tpu.vector_load_idx %arg5[%get3A_231] : memref<10000xf32, #tpu.memory_space<vmem>>[vector<16xi32>], vector<16xf32>,
        %gather3A_245 = tpu.vector_load_idx %arg6[%get3A_231] : memref<10000xf32, #tpu.memory_space<vmem>>[vector<16xi32>], vector<16xf32>,
        %gather3A_246 = tpu.vector_load_idx %arg7[%get3A_231] : memref<10000xf32, #tpu.memory_space<vmem>>[vector<16xi32>], vector<16xf32>,
        %gather3A_247 = tpu.vector_load_idx %arg8[%get3A_231] : memref<10000xf32, #tpu.memory_space<vmem>>[vector<16xi32>], vector<16xf32>,
        %add3A_248 = arith.constant 7 : i32
        %add3A_249 = arith.addi %mul3A_82, %add3A_248 : i32
        %mul3A_250 = arith.constant 16 : i32
        %mul3A_251 = arith.muli %add3A_249, %mul3A_250 : i32
        %get3A_252 = arith.constant 0 : i32
        %get3A_253 = arith.index_cast %get3A_252 : i32 to index
        %get3A_254 = arith.index_cast %mul3A_251 : i32 to index
        %get3A_255 = tpu.vector_load %arg17[%get3A_253, %get3A_254] {strides = array<i32>} : memref<2x1280xi32, #tpu.memory_space<vmem>>, vector<16xi32>,
        %add3A_256 = arith.constant 7 : i32
        %add3A_257 = arith.addi %mul3A_82, %add3A_256 : i32
        %mul3A_258 = arith.constant 16 : i32
        %mul3A_259 = arith.muli %add3A_257, %mul3A_258 : i32
        %get3A_260 = arith.constant 1 : i32
        %get3A_261 = arith.index_cast %get3A_260 : i32 to index
        %get3A_262 = arith.index_cast %mul3A_259 : i32 to index
        %get3A_263 = tpu.vector_load %arg17[%get3A_261, %get3A_262] {strides = array<i32>} : memref<2x1280xi32, #tpu.memory_space<vmem>>, vector<16xi32>,
        %broadcast_in_dim3A_264 = arith.constant true
        %broadcast_in_dim3A_265 = vector.broadcast %broadcast_in_dim3A_264 : i1 to vector<16xi1>
        %unique3A_266, %unique3A_267 = tpu.scan_count mask(%broadcast_in_dim3A_265 : vector<16xi1>) value(%get3A_263 : vector<16xi32>) : vector<16xi1>, vector<16xi32>
        %gather3A_268 = tpu.vector_load_idx %arg5[%get3A_255] : memref<10000xf32, #tpu.memory_space<vmem>>[vector<16xi32>], vector<16xf32>,
        %gather3A_269 = tpu.vector_load_idx %arg6[%get3A_255] : memref<10000xf32, #tpu.memory_space<vmem>>[vector<16xi32>], vector<16xf32>,
        %gather3A_270 = tpu.vector_load_idx %arg7[%get3A_255] : memref<10000xf32, #tpu.memory_space<vmem>>[vector<16xi32>], vector<16xf32>,
        %gather3A_271 = tpu.vector_load_idx %arg8[%get3A_255] : memref<10000xf32, #tpu.memory_space<vmem>>[vector<16xi32>], vector<16xf32>,
        %and3A = arith.andi %unique3A, %unique3A_122 : vector<16xi1>
        %and3A_272 = arith.andi %and3A, %unique3A_146 : vector<16xi1>
        %and3A_273 = arith.andi %and3A_272, %unique3A_170 : vector<16xi1>
        %and3A_274 = arith.andi %and3A_273, %unique3A_194 : vector<16xi1>
        %and3A_275 = arith.andi %and3A_274, %unique3A_218 : vector<16xi1>
        %and3A_276 = arith.andi %and3A_275, %unique3A_242 : vector<16xi1>
        %and3A_277 = arith.andi %and3A_276, %unique3A_266 : vector<16xi1>
        %not3A = arith.constant dense<true> : vector<16xi1>
        %not3A_278 = arith.xori %and3A_277, %not3A : vector<16xi1>
        %reduce_or3A = arith.constant 1.000000e+00 : f32
        %reduce_or3A_279 = arith.constant 0.000000e+00 : f32
        %reduce_or3A_280 = vector.broadcast %reduce_or3A : f32 to vector<16xf32>
        %reduce_or3A_281 = vector.broadcast %reduce_or3A_279 : f32 to vector<16xf32>
        %reduce_or3A_282 = arith.select %not3A_278, %reduce_or3A_280, %reduce_or3A_281 : vector<16xi1>, vector<16xf32>
        %reduce_or3A_283 = arith.constant true
        %reduce_or3A_284 = vector.broadcast %reduce_or3A_283 : i1 to vector<16xi1>
        %reduce_or3A_285 = tpu.scan <max>, %reduce_or3A_282 masked %reduce_or3A_284 : vector<16xf32>, vector<16xi1> -> vector<16xf32>
        %reduce_or3A_286 = vector.extract %reduce_or3A_285[15] : f32 from vector<16xf32>
        %reduce_or3A_287 = arith.constant 0.000000e+00 : f32
        %reduce_or3A_288 = arith.cmpf ogt, %reduce_or3A_286, %reduce_or3A_287 : f32
        %convert_element_type3A_289 = arith.extui %reduce_or3A_288 : i1 to i32
        %cond3A_290 = arith.constant 0 : i32
        %cond3A_291 = arith.cmpi ne, %convert_element_type3A_289, %cond3A_290 : i32
        scf.if %cond3A_291 {
          %broadcast_in_dim3A_292 = arith.constant true
          %broadcast_in_dim3A_293 = vector.broadcast %broadcast_in_dim3A_292 : i1 to vector<16xi1>
          %while3A:8 = scf.while (%while3A_303 = %broadcast_in_dim3A_293, %while3A_304 = %broadcast_in_dim3A_293, %while3A_305 = %broadcast_in_dim3A_293, %while3A_306 = %broadcast_in_dim3A_293, %while3A_307 = %broadcast_in_dim3A_293, %while3A_308 = %broadcast_in_dim3A_293, %while3A_309 = %broadcast_in_dim3A_293, %while3A_310 = %broadcast_in_dim3A_293) : (vector<16xi1>, vector<16xi1>, vector<16xi1>, vector<16xi1>, vector<16xi1>, vector<16xi1>, vector<16xi1>, vector<16xi1>) -> (vector<16xi1>, vector<16xi1>, vector<16xi1>, vector<16xi1>, vector<16xi1>, vector<16xi1>, vector<16xi1>, vector<16xi1>) {
            %or3A = arith.ori %while3A_303, %while3A_304 : vector<16xi1>
            %or3A_311 = arith.ori %or3A, %while3A_305 : vector<16xi1>
            %or3A_312 = arith.ori %or3A_311, %while3A_306 : vector<16xi1>
            %or3A_313 = arith.ori %or3A_312, %while3A_307 : vector<16xi1>
            %or3A_314 = arith.ori %or3A_313, %while3A_308 : vector<16xi1>
            %or3A_315 = arith.ori %or3A_314, %while3A_309 : vector<16xi1>
            %or3A_316 = arith.ori %or3A_315, %while3A_310 : vector<16xi1>
            %reduce_or3A_317 = arith.constant 1.000000e+00 : f32
            %reduce_or3A_318 = arith.constant 0.000000e+00 : f32
            %reduce_or3A_319 = vector.broadcast %reduce_or3A_317 : f32 to vector<16xf32>
            %reduce_or3A_320 = vector.broadcast %reduce_or3A_318 : f32 to vector<16xf32>
            %reduce_or3A_321 = arith.select %or3A_316, %reduce_or3A_319, %reduce_or3A_320 : vector<16xi1>, vector<16xf32>
            %reduce_or3A_322 = arith.constant true
            %reduce_or3A_323 = vector.broadcast %reduce_or3A_322 : i1 to vector<16xi1>
            %reduce_or3A_324 = tpu.scan <max>, %reduce_or3A_321 masked %reduce_or3A_323 : vector<16xf32>, vector<16xi1> -> vector<16xf32>
            %reduce_or3A_325 = vector.extract %reduce_or3A_324[15] : f32 from vector<16xf32>
            %reduce_or3A_326 = arith.constant 0.000000e+00 : f32
            %reduce_or3A_327 = arith.cmpf ogt, %reduce_or3A_325, %reduce_or3A_326 : f32
            scf.condition(%reduce_or3A_327) %while3A_303, %while3A_304, %while3A_305, %while3A_306, %while3A_307, %while3A_308, %while3A_309, %while3A_310 : vector<16xi1>, vector<16xi1>, vector<16xi1>, vector<16xi1>, vector<16xi1>, vector<16xi1>, vector<16xi1>, vector<16xi1>
          } do {
          ^bb0(%while3A_303: vector<16xi1>, %while3A_304: vector<16xi1>, %while3A_305: vector<16xi1>, %while3A_306: vector<16xi1>, %while3A_307: vector<16xi1>, %while3A_308: vector<16xi1>, %while3A_309: vector<16xi1>, %while3A_310: vector<16xi1>):
            %gather3A_311 = tpu.vector_load_idx %arg9[%get3A_97] : memref<10000xf32, #tpu.memory_space<vmem>>[vector<16xi32>], vector<16xf32>,
            %gather3A_312 = tpu.vector_load_idx %arg10[%get3A_97] : memref<10000xf32, #tpu.memory_space<vmem>>[vector<16xi32>], vector<16xf32>,
            %gather3A_313 = tpu.vector_load_idx %arg11[%get3A_97] : memref<10000xf32, #tpu.memory_space<vmem>>[vector<16xi32>], vector<16xf32>,
            %gather3A_314 = tpu.vector_load_idx %arg12[%get3A_97] : memref<10000xf32, #tpu.memory_space<vmem>>[vector<16xi32>], vector<16xf32>,
            %gather3A_315 = tpu.vector_load_idx %arg13[%get3A_119] : memref<10000xf32, #tpu.memory_space<vmem>>[vector<16xi32>], vector<16xf32>,
            %gather3A_316 = tpu.vector_load_idx %arg14[%get3A_119] : memref<10000xf32, #tpu.memory_space<vmem>>[vector<16xi32>], vector<16xf32>,
            %gather3A_317 = tpu.vector_load_idx %arg15[%get3A_119] : memref<10000xf32, #tpu.memory_space<vmem>>[vector<16xi32>], vector<16xf32>,
            %gather3A_318 = tpu.vector_load_idx %arg16[%get3A_119] : memref<10000xf32, #tpu.memory_space<vmem>>[vector<16xi32>], vector<16xf32>,
            %max3A = arith.maximumf %gather3A_311, %gather3A : vector<16xf32>
            %max3A_319 = arith.maximumf %gather3A_312, %gather3A_101 : vector<16xf32>
            %max3A_320 = arith.maximumf %gather3A_313, %gather3A_102 : vector<16xf32>
            %max3A_321 = arith.maximumf %gather3A_314, %gather3A_103 : vector<16xf32>
            %max3A_322 = arith.maximumf %gather3A_315, %gather3A_124 : vector<16xf32>
            %max3A_323 = arith.maximumf %gather3A_316, %gather3A_125 : vector<16xf32>
            %max3A_324 = arith.maximumf %gather3A_317, %gather3A_126 : vector<16xf32>
            %max3A_325 = arith.maximumf %gather3A_318, %gather3A_127 : vector<16xf32>
            tpu.vector_store_idx %arg9[%get3A_97], %max3A masked %while3A_303 : memref<10000xf32, #tpu.memory_space<vmem>>[vector<16xi32>], vector<16xf32>, vector<16xi1>
            tpu.vector_store_idx %arg13[%get3A_119], %max3A_322 masked %while3A_307 : memref<10000xf32, #tpu.memory_space<vmem>>[vector<16xi32>], vector<16xf32>, vector<16xi1>
            tpu.vector_store_idx %arg10[%get3A_97], %max3A_319 masked %while3A_304 : memref<10000xf32, #tpu.memory_space<vmem>>[vector<16xi32>], vector<16xf32>, vector<16xi1>
            tpu.vector_store_idx %arg14[%get3A_119], %max3A_323 masked %while3A_308 : memref<10000xf32, #tpu.memory_space<vmem>>[vector<16xi32>], vector<16xf32>, vector<16xi1>
            tpu.vector_store_idx %arg11[%get3A_97], %max3A_320 masked %while3A_305 : memref<10000xf32, #tpu.memory_space<vmem>>[vector<16xi32>], vector<16xf32>, vector<16xi1>
            tpu.vector_store_idx %arg15[%get3A_119], %max3A_324 masked %while3A_309 : memref<10000xf32, #tpu.memory_space<vmem>>[vector<16xi32>], vector<16xf32>, vector<16xi1>
            tpu.vector_store_idx %arg12[%get3A_97], %max3A_321 masked %while3A_306 : memref<10000xf32, #tpu.memory_space<vmem>>[vector<16xi32>], vector<16xf32>, vector<16xi1>
            tpu.vector_store_idx %arg16[%get3A_119], %max3A_325 masked %while3A_310 : memref<10000xf32, #tpu.memory_space<vmem>>[vector<16xi32>], vector<16xf32>, vector<16xi1>
            %gather3A_326 = tpu.vector_load_idx %arg9[%get3A_97] : memref<10000xf32, #tpu.memory_space<vmem>>[vector<16xi32>], vector<16xf32>,
            %gather3A_327 = tpu.vector_load_idx %arg10[%get3A_97] : memref<10000xf32, #tpu.memory_space<vmem>>[vector<16xi32>], vector<16xf32>,
            %gather3A_328 = tpu.vector_load_idx %arg11[%get3A_97] : memref<10000xf32, #tpu.memory_space<vmem>>[vector<16xi32>], vector<16xf32>,
            %gather3A_329 = tpu.vector_load_idx %arg12[%get3A_97] : memref<10000xf32, #tpu.memory_space<vmem>>[vector<16xi32>], vector<16xf32>,
            %gather3A_330 = tpu.vector_load_idx %arg13[%get3A_119] : memref<10000xf32, #tpu.memory_space<vmem>>[vector<16xi32>], vector<16xf32>,
            %gather3A_331 = tpu.vector_load_idx %arg14[%get3A_119] : memref<10000xf32, #tpu.memory_space<vmem>>[vector<16xi32>], vector<16xf32>,
            %gather3A_332 = tpu.vector_load_idx %arg15[%get3A_119] : memref<10000xf32, #tpu.memory_space<vmem>>[vector<16xi32>], vector<16xf32>,
            %gather3A_333 = tpu.vector_load_idx %arg16[%get3A_119] : memref<10000xf32, #tpu.memory_space<vmem>>[vector<16xi32>], vector<16xf32>,
            %lt3A_334 = arith.cmpf olt, %gather3A_326, %gather3A : vector<16xf32>
            %and3A_335 = arith.andi %while3A_303, %lt3A_334 : vector<16xi1>
            %lt3A_336 = arith.cmpf olt, %gather3A_327, %gather3A_101 : vector<16xf32>
            %and3A_337 = arith.andi %while3A_304, %lt3A_336 : vector<16xi1>
            %lt3A_338 = arith.cmpf olt, %gather3A_328, %gather3A_102 : vector<16xf32>
            %and3A_339 = arith.andi %while3A_305, %lt3A_338 : vector<16xi1>
            %lt3A_340 = arith.cmpf olt, %gather3A_329, %gather3A_103 : vector<16xf32>
            %and3A_341 = arith.andi %while3A_306, %lt3A_340 : vector<16xi1>
            %lt3A_342 = arith.cmpf olt, %gather3A_330, %gather3A_124 : vector<16xf32>
            %and3A_343 = arith.andi %while3A_307, %lt3A_342 : vector<16xi1>
            %lt3A_344 = arith.cmpf olt, %gather3A_331, %gather3A_125 : vector<16xf32>
            %and3A_345 = arith.andi %while3A_308, %lt3A_344 : vector<16xi1>
            %lt3A_346 = arith.cmpf olt, %gather3A_332, %gather3A_126 : vector<16xf32>
            %and3A_347 = arith.andi %while3A_309, %lt3A_346 : vector<16xi1>
            %lt3A_348 = arith.cmpf olt, %gather3A_333, %gather3A_127 : vector<16xf32>
            %and3A_349 = arith.andi %while3A_310, %lt3A_348 : vector<16xi1>
            scf.yield %and3A_335, %and3A_337, %and3A_339, %and3A_341, %and3A_343, %and3A_345, %and3A_347, %and3A_349 : vector<16xi1>, vector<16xi1>, vector<16xi1>, vector<16xi1>, vector<16xi1>, vector<16xi1>, vector<16xi1>, vector<16xi1>
          }
          %broadcast_in_dim3A_294 = arith.constant true
          %broadcast_in_dim3A_295 = vector.broadcast %broadcast_in_dim3A_294 : i1 to vector<16xi1>
          %while3A_296:8 = scf.while (%while3A_303 = %broadcast_in_dim3A_295, %while3A_304 = %broadcast_in_dim3A_295, %while3A_305 = %broadcast_in_dim3A_295, %while3A_306 = %broadcast_in_dim3A_295, %while3A_307 = %broadcast_in_dim3A_295, %while3A_308 = %broadcast_in_dim3A_295, %while3A_309 = %broadcast_in_dim3A_295, %while3A_310 = %broadcast_in_dim3A_295) : (vector<16xi1>, vector<16xi1>, vector<16xi1>, vector<16xi1>, vector<16xi1>, vector<16xi1>, vector<16xi1>, vector<16xi1>) -> (vector<16xi1>, vector<16xi1>, vector<16xi1>, vector<16xi1>, vector<16xi1>, vector<16xi1>, vector<16xi1>, vector<16xi1>) {
            %or3A = arith.ori %while3A_303, %while3A_304 : vector<16xi1>
            %or3A_311 = arith.ori %or3A, %while3A_305 : vector<16xi1>
            %or3A_312 = arith.ori %or3A_311, %while3A_306 : vector<16xi1>
            %or3A_313 = arith.ori %or3A_312, %while3A_307 : vector<16xi1>
            %or3A_314 = arith.ori %or3A_313, %while3A_308 : vector<16xi1>
            %or3A_315 = arith.ori %or3A_314, %while3A_309 : vector<16xi1>
            %or3A_316 = arith.ori %or3A_315, %while3A_310 : vector<16xi1>
            %reduce_or3A_317 = arith.constant 1.000000e+00 : f32
            %reduce_or3A_318 = arith.constant 0.000000e+00 : f32
            %reduce_or3A_319 = vector.broadcast %reduce_or3A_317 : f32 to vector<16xf32>
            %reduce_or3A_320 = vector.broadcast %reduce_or3A_318 : f32 to vector<16xf32>
            %reduce_or3A_321 = arith.select %or3A_316, %reduce_or3A_319, %reduce_or3A_320 : vector<16xi1>, vector<16xf32>
            %reduce_or3A_322 = arith.constant true
            %reduce_or3A_323 = vector.broadcast %reduce_or3A_322 : i1 to vector<16xi1>
            %reduce_or3A_324 = tpu.scan <max>, %reduce_or3A_321 masked %reduce_or3A_323 : vector<16xf32>, vector<16xi1> -> vector<16xf32>
            %reduce_or3A_325 = vector.extract %reduce_or3A_324[15] : f32 from vector<16xf32>
            %reduce_or3A_326 = arith.constant 0.000000e+00 : f32
            %reduce_or3A_327 = arith.cmpf ogt, %reduce_or3A_325, %reduce_or3A_326 : f32
            scf.condition(%reduce_or3A_327) %while3A_303, %while3A_304, %while3A_305, %while3A_306, %while3A_307, %while3A_308, %while3A_309, %while3A_310 : vector<16xi1>, vector<16xi1>, vector<16xi1>, vector<16xi1>, vector<16xi1>, vector<16xi1>, vector<16xi1>, vector<16xi1>
          } do {
          ^bb0(%while3A_303: vector<16xi1>, %while3A_304: vector<16xi1>, %while3A_305: vector<16xi1>, %while3A_306: vector<16xi1>, %while3A_307: vector<16xi1>, %while3A_308: vector<16xi1>, %while3A_309: vector<16xi1>, %while3A_310: vector<16xi1>):
            %gather3A_311 = tpu.vector_load_idx %arg9[%get3A_143] : memref<10000xf32, #tpu.memory_space<vmem>>[vector<16xi32>], vector<16xf32>,
            %gather3A_312 = tpu.vector_load_idx %arg10[%get3A_143] : memref<10000xf32, #tpu.memory_space<vmem>>[vector<16xi32>], vector<16xf32>,
            %gather3A_313 = tpu.vector_load_idx %arg11[%get3A_143] : memref<10000xf32, #tpu.memory_space<vmem>>[vector<16xi32>], vector<16xf32>,
            %gather3A_314 = tpu.vector_load_idx %arg12[%get3A_143] : memref<10000xf32, #tpu.memory_space<vmem>>[vector<16xi32>], vector<16xf32>,
            %gather3A_315 = tpu.vector_load_idx %arg13[%get3A_167] : memref<10000xf32, #tpu.memory_space<vmem>>[vector<16xi32>], vector<16xf32>,
            %gather3A_316 = tpu.vector_load_idx %arg14[%get3A_167] : memref<10000xf32, #tpu.memory_space<vmem>>[vector<16xi32>], vector<16xf32>,
            %gather3A_317 = tpu.vector_load_idx %arg15[%get3A_167] : memref<10000xf32, #tpu.memory_space<vmem>>[vector<16xi32>], vector<16xf32>,
            %gather3A_318 = tpu.vector_load_idx %arg16[%get3A_167] : memref<10000xf32, #tpu.memory_space<vmem>>[vector<16xi32>], vector<16xf32>,
            %max3A = arith.maximumf %gather3A_311, %gather3A_148 : vector<16xf32>
            %max3A_319 = arith.maximumf %gather3A_312, %gather3A_149 : vector<16xf32>
            %max3A_320 = arith.maximumf %gather3A_313, %gather3A_150 : vector<16xf32>
            %max3A_321 = arith.maximumf %gather3A_314, %gather3A_151 : vector<16xf32>
            %max3A_322 = arith.maximumf %gather3A_315, %gather3A_172 : vector<16xf32>
            %max3A_323 = arith.maximumf %gather3A_316, %gather3A_173 : vector<16xf32>
            %max3A_324 = arith.maximumf %gather3A_317, %gather3A_174 : vector<16xf32>
            %max3A_325 = arith.maximumf %gather3A_318, %gather3A_175 : vector<16xf32>
            tpu.vector_store_idx %arg9[%get3A_143], %max3A masked %while3A_303 : memref<10000xf32, #tpu.memory_space<vmem>>[vector<16xi32>], vector<16xf32>, vector<16xi1>
            tpu.vector_store_idx %arg13[%get3A_167], %max3A_322 masked %while3A_307 : memref<10000xf32, #tpu.memory_space<vmem>>[vector<16xi32>], vector<16xf32>, vector<16xi1>
            tpu.vector_store_idx %arg10[%get3A_143], %max3A_319 masked %while3A_304 : memref<10000xf32, #tpu.memory_space<vmem>>[vector<16xi32>], vector<16xf32>, vector<16xi1>
            tpu.vector_store_idx %arg14[%get3A_167], %max3A_323 masked %while3A_308 : memref<10000xf32, #tpu.memory_space<vmem>>[vector<16xi32>], vector<16xf32>, vector<16xi1>
            tpu.vector_store_idx %arg11[%get3A_143], %max3A_320 masked %while3A_305 : memref<10000xf32, #tpu.memory_space<vmem>>[vector<16xi32>], vector<16xf32>, vector<16xi1>
            tpu.vector_store_idx %arg15[%get3A_167], %max3A_324 masked %while3A_309 : memref<10000xf32, #tpu.memory_space<vmem>>[vector<16xi32>], vector<16xf32>, vector<16xi1>
            tpu.vector_store_idx %arg12[%get3A_143], %max3A_321 masked %while3A_306 : memref<10000xf32, #tpu.memory_space<vmem>>[vector<16xi32>], vector<16xf32>, vector<16xi1>
            tpu.vector_store_idx %arg16[%get3A_167], %max3A_325 masked %while3A_310 : memref<10000xf32, #tpu.memory_space<vmem>>[vector<16xi32>], vector<16xf32>, vector<16xi1>
            %gather3A_326 = tpu.vector_load_idx %arg9[%get3A_143] : memref<10000xf32, #tpu.memory_space<vmem>>[vector<16xi32>], vector<16xf32>,
            %gather3A_327 = tpu.vector_load_idx %arg10[%get3A_143] : memref<10000xf32, #tpu.memory_space<vmem>>[vector<16xi32>], vector<16xf32>,
            %gather3A_328 = tpu.vector_load_idx %arg11[%get3A_143] : memref<10000xf32, #tpu.memory_space<vmem>>[vector<16xi32>], vector<16xf32>,
            %gather3A_329 = tpu.vector_load_idx %arg12[%get3A_143] : memref<10000xf32, #tpu.memory_space<vmem>>[vector<16xi32>], vector<16xf32>,
            %gather3A_330 = tpu.vector_load_idx %arg13[%get3A_167] : memref<10000xf32, #tpu.memory_space<vmem>>[vector<16xi32>], vector<16xf32>,
            %gather3A_331 = tpu.vector_load_idx %arg14[%get3A_167] : memref<10000xf32, #tpu.memory_space<vmem>>[vector<16xi32>], vector<16xf32>,
            %gather3A_332 = tpu.vector_load_idx %arg15[%get3A_167] : memref<10000xf32, #tpu.memory_space<vmem>>[vector<16xi32>], vector<16xf32>,
            %gather3A_333 = tpu.vector_load_idx %arg16[%get3A_167] : memref<10000xf32, #tpu.memory_space<vmem>>[vector<16xi32>], vector<16xf32>,
            %lt3A_334 = arith.cmpf olt, %gather3A_326, %gather3A_148 : vector<16xf32>
            %and3A_335 = arith.andi %while3A_303, %lt3A_334 : vector<16xi1>
            %lt3A_336 = arith.cmpf olt, %gather3A_327, %gather3A_149 : vector<16xf32>
            %and3A_337 = arith.andi %while3A_304, %lt3A_336 : vector<16xi1>
            %lt3A_338 = arith.cmpf olt, %gather3A_328, %gather3A_150 : vector<16xf32>
            %and3A_339 = arith.andi %while3A_305, %lt3A_338 : vector<16xi1>
            %lt3A_340 = arith.cmpf olt, %gather3A_329, %gather3A_151 : vector<16xf32>
            %and3A_341 = arith.andi %while3A_306, %lt3A_340 : vector<16xi1>
            %lt3A_342 = arith.cmpf olt, %gather3A_330, %gather3A_172 : vector<16xf32>
            %and3A_343 = arith.andi %while3A_307, %lt3A_342 : vector<16xi1>
            %lt3A_344 = arith.cmpf olt, %gather3A_331, %gather3A_173 : vector<16xf32>
            %and3A_345 = arith.andi %while3A_308, %lt3A_344 : vector<16xi1>
            %lt3A_346 = arith.cmpf olt, %gather3A_332, %gather3A_174 : vector<16xf32>
            %and3A_347 = arith.andi %while3A_309, %lt3A_346 : vector<16xi1>
            %lt3A_348 = arith.cmpf olt, %gather3A_333, %gather3A_175 : vector<16xf32>
            %and3A_349 = arith.andi %while3A_310, %lt3A_348 : vector<16xi1>
            scf.yield %and3A_335, %and3A_337, %and3A_339, %and3A_341, %and3A_343, %and3A_345, %and3A_347, %and3A_349 : vector<16xi1>, vector<16xi1>, vector<16xi1>, vector<16xi1>, vector<16xi1>, vector<16xi1>, vector<16xi1>, vector<16xi1>
          }
          %broadcast_in_dim3A_297 = arith.constant true
          %broadcast_in_dim3A_298 = vector.broadcast %broadcast_in_dim3A_297 : i1 to vector<16xi1>
          %while3A_299:8 = scf.while (%while3A_303 = %broadcast_in_dim3A_298, %while3A_304 = %broadcast_in_dim3A_298, %while3A_305 = %broadcast_in_dim3A_298, %while3A_306 = %broadcast_in_dim3A_298, %while3A_307 = %broadcast_in_dim3A_298, %while3A_308 = %broadcast_in_dim3A_298, %while3A_309 = %broadcast_in_dim3A_298, %while3A_310 = %broadcast_in_dim3A_298) : (vector<16xi1>, vector<16xi1>, vector<16xi1>, vector<16xi1>, vector<16xi1>, vector<16xi1>, vector<16xi1>, vector<16xi1>) -> (vector<16xi1>, vector<16xi1>, vector<16xi1>, vector<16xi1>, vector<16xi1>, vector<16xi1>, vector<16xi1>, vector<16xi1>) {
            %or3A = arith.ori %while3A_303, %while3A_304 : vector<16xi1>
            %or3A_311 = arith.ori %or3A, %while3A_305 : vector<16xi1>
            %or3A_312 = arith.ori %or3A_311, %while3A_306 : vector<16xi1>
            %or3A_313 = arith.ori %or3A_312, %while3A_307 : vector<16xi1>
            %or3A_314 = arith.ori %or3A_313, %while3A_308 : vector<16xi1>
            %or3A_315 = arith.ori %or3A_314, %while3A_309 : vector<16xi1>
            %or3A_316 = arith.ori %or3A_315, %while3A_310 : vector<16xi1>
            %reduce_or3A_317 = arith.constant 1.000000e+00 : f32
            %reduce_or3A_318 = arith.constant 0.000000e+00 : f32
            %reduce_or3A_319 = vector.broadcast %reduce_or3A_317 : f32 to vector<16xf32>
            %reduce_or3A_320 = vector.broadcast %reduce_or3A_318 : f32 to vector<16xf32>
            %reduce_or3A_321 = arith.select %or3A_316, %reduce_or3A_319, %reduce_or3A_320 : vector<16xi1>, vector<16xf32>
            %reduce_or3A_322 = arith.constant true
            %reduce_or3A_323 = vector.broadcast %reduce_or3A_322 : i1 to vector<16xi1>
            %reduce_or3A_324 = tpu.scan <max>, %reduce_or3A_321 masked %reduce_or3A_323 : vector<16xf32>, vector<16xi1> -> vector<16xf32>
            %reduce_or3A_325 = vector.extract %reduce_or3A_324[15] : f32 from vector<16xf32>
            %reduce_or3A_326 = arith.constant 0.000000e+00 : f32
            %reduce_or3A_327 = arith.cmpf ogt, %reduce_or3A_325, %reduce_or3A_326 : f32
            scf.condition(%reduce_or3A_327) %while3A_303, %while3A_304, %while3A_305, %while3A_306, %while3A_307, %while3A_308, %while3A_309, %while3A_310 : vector<16xi1>, vector<16xi1>, vector<16xi1>, vector<16xi1>, vector<16xi1>, vector<16xi1>, vector<16xi1>, vector<16xi1>
          } do {
          ^bb0(%while3A_303: vector<16xi1>, %while3A_304: vector<16xi1>, %while3A_305: vector<16xi1>, %while3A_306: vector<16xi1>, %while3A_307: vector<16xi1>, %while3A_308: vector<16xi1>, %while3A_309: vector<16xi1>, %while3A_310: vector<16xi1>):
            %gather3A_311 = tpu.vector_load_idx %arg9[%get3A_191] : memref<10000xf32, #tpu.memory_space<vmem>>[vector<16xi32>], vector<16xf32>,
            %gather3A_312 = tpu.vector_load_idx %arg10[%get3A_191] : memref<10000xf32, #tpu.memory_space<vmem>>[vector<16xi32>], vector<16xf32>,
            %gather3A_313 = tpu.vector_load_idx %arg11[%get3A_191] : memref<10000xf32, #tpu.memory_space<vmem>>[vector<16xi32>], vector<16xf32>,
            %gather3A_314 = tpu.vector_load_idx %arg12[%get3A_191] : memref<10000xf32, #tpu.memory_space<vmem>>[vector<16xi32>], vector<16xf32>,
            %gather3A_315 = tpu.vector_load_idx %arg13[%get3A_215] : memref<10000xf32, #tpu.memory_space<vmem>>[vector<16xi32>], vector<16xf32>,
            %gather3A_316 = tpu.vector_load_idx %arg14[%get3A_215] : memref<10000xf32, #tpu.memory_space<vmem>>[vector<16xi32>], vector<16xf32>,
            %gather3A_317 = tpu.vector_load_idx %arg15[%get3A_215] : memref<10000xf32, #tpu.memory_space<vmem>>[vector<16xi32>], vector<16xf32>,
            %gather3A_318 = tpu.vector_load_idx %arg16[%get3A_215] : memref<10000xf32, #tpu.memory_space<vmem>>[vector<16xi32>], vector<16xf32>,
            %max3A = arith.maximumf %gather3A_311, %gather3A_196 : vector<16xf32>
            %max3A_319 = arith.maximumf %gather3A_312, %gather3A_197 : vector<16xf32>
            %max3A_320 = arith.maximumf %gather3A_313, %gather3A_198 : vector<16xf32>
            %max3A_321 = arith.maximumf %gather3A_314, %gather3A_199 : vector<16xf32>
            %max3A_322 = arith.maximumf %gather3A_315, %gather3A_220 : vector<16xf32>
            %max3A_323 = arith.maximumf %gather3A_316, %gather3A_221 : vector<16xf32>
            %max3A_324 = arith.maximumf %gather3A_317, %gather3A_222 : vector<16xf32>
            %max3A_325 = arith.maximumf %gather3A_318, %gather3A_223 : vector<16xf32>
            tpu.vector_store_idx %arg9[%get3A_191], %max3A masked %while3A_303 : memref<10000xf32, #tpu.memory_space<vmem>>[vector<16xi32>], vector<16xf32>, vector<16xi1>
            tpu.vector_store_idx %arg13[%get3A_215], %max3A_322 masked %while3A_307 : memref<10000xf32, #tpu.memory_space<vmem>>[vector<16xi32>], vector<16xf32>, vector<16xi1>
            tpu.vector_store_idx %arg10[%get3A_191], %max3A_319 masked %while3A_304 : memref<10000xf32, #tpu.memory_space<vmem>>[vector<16xi32>], vector<16xf32>, vector<16xi1>
            tpu.vector_store_idx %arg14[%get3A_215], %max3A_323 masked %while3A_308 : memref<10000xf32, #tpu.memory_space<vmem>>[vector<16xi32>], vector<16xf32>, vector<16xi1>
            tpu.vector_store_idx %arg11[%get3A_191], %max3A_320 masked %while3A_305 : memref<10000xf32, #tpu.memory_space<vmem>>[vector<16xi32>], vector<16xf32>, vector<16xi1>
            tpu.vector_store_idx %arg15[%get3A_215], %max3A_324 masked %while3A_309 : memref<10000xf32, #tpu.memory_space<vmem>>[vector<16xi32>], vector<16xf32>, vector<16xi1>
            tpu.vector_store_idx %arg12[%get3A_191], %max3A_321 masked %while3A_306 : memref<10000xf32, #tpu.memory_space<vmem>>[vector<16xi32>], vector<16xf32>, vector<16xi1>
            tpu.vector_store_idx %arg16[%get3A_215], %max3A_325 masked %while3A_310 : memref<10000xf32, #tpu.memory_space<vmem>>[vector<16xi32>], vector<16xf32>, vector<16xi1>
            %gather3A_326 = tpu.vector_load_idx %arg9[%get3A_191] : memref<10000xf32, #tpu.memory_space<vmem>>[vector<16xi32>], vector<16xf32>,
            %gather3A_327 = tpu.vector_load_idx %arg10[%get3A_191] : memref<10000xf32, #tpu.memory_space<vmem>>[vector<16xi32>], vector<16xf32>,
            %gather3A_328 = tpu.vector_load_idx %arg11[%get3A_191] : memref<10000xf32, #tpu.memory_space<vmem>>[vector<16xi32>], vector<16xf32>,
            %gather3A_329 = tpu.vector_load_idx %arg12[%get3A_191] : memref<10000xf32, #tpu.memory_space<vmem>>[vector<16xi32>], vector<16xf32>,
            %gather3A_330 = tpu.vector_load_idx %arg13[%get3A_215] : memref<10000xf32, #tpu.memory_space<vmem>>[vector<16xi32>], vector<16xf32>,
            %gather3A_331 = tpu.vector_load_idx %arg14[%get3A_215] : memref<10000xf32, #tpu.memory_space<vmem>>[vector<16xi32>], vector<16xf32>,
            %gather3A_332 = tpu.vector_load_idx %arg15[%get3A_215] : memref<10000xf32, #tpu.memory_space<vmem>>[vector<16xi32>], vector<16xf32>,
            %gather3A_333 = tpu.vector_load_idx %arg16[%get3A_215] : memref<10000xf32, #tpu.memory_space<vmem>>[vector<16xi32>], vector<16xf32>,
            %lt3A_334 = arith.cmpf olt, %gather3A_326, %gather3A_196 : vector<16xf32>
            %and3A_335 = arith.andi %while3A_303, %lt3A_334 : vector<16xi1>
            %lt3A_336 = arith.cmpf olt, %gather3A_327, %gather3A_197 : vector<16xf32>
            %and3A_337 = arith.andi %while3A_304, %lt3A_336 : vector<16xi1>
            %lt3A_338 = arith.cmpf olt, %gather3A_328, %gather3A_198 : vector<16xf32>
            %and3A_339 = arith.andi %while3A_305, %lt3A_338 : vector<16xi1>
            %lt3A_340 = arith.cmpf olt, %gather3A_329, %gather3A_199 : vector<16xf32>
            %and3A_341 = arith.andi %while3A_306, %lt3A_340 : vector<16xi1>
            %lt3A_342 = arith.cmpf olt, %gather3A_330, %gather3A_220 : vector<16xf32>
            %and3A_343 = arith.andi %while3A_307, %lt3A_342 : vector<16xi1>
            %lt3A_344 = arith.cmpf olt, %gather3A_331, %gather3A_221 : vector<16xf32>
            %and3A_345 = arith.andi %while3A_308, %lt3A_344 : vector<16xi1>
            %lt3A_346 = arith.cmpf olt, %gather3A_332, %gather3A_222 : vector<16xf32>
            %and3A_347 = arith.andi %while3A_309, %lt3A_346 : vector<16xi1>
            %lt3A_348 = arith.cmpf olt, %gather3A_333, %gather3A_223 : vector<16xf32>
            %and3A_349 = arith.andi %while3A_310, %lt3A_348 : vector<16xi1>
            scf.yield %and3A_335, %and3A_337, %and3A_339, %and3A_341, %and3A_343, %and3A_345, %and3A_347, %and3A_349 : vector<16xi1>, vector<16xi1>, vector<16xi1>, vector<16xi1>, vector<16xi1>, vector<16xi1>, vector<16xi1>, vector<16xi1>
          }
          %broadcast_in_dim3A_300 = arith.constant true
          %broadcast_in_dim3A_301 = vector.broadcast %broadcast_in_dim3A_300 : i1 to vector<16xi1>
          %while3A_302:8 = scf.while (%while3A_303 = %broadcast_in_dim3A_301, %while3A_304 = %broadcast_in_dim3A_301, %while3A_305 = %broadcast_in_dim3A_301, %while3A_306 = %broadcast_in_dim3A_301, %while3A_307 = %broadcast_in_dim3A_301, %while3A_308 = %broadcast_in_dim3A_301, %while3A_309 = %broadcast_in_dim3A_301, %while3A_310 = %broadcast_in_dim3A_301) : (vector<16xi1>, vector<16xi1>, vector<16xi1>, vector<16xi1>, vector<16xi1>, vector<16xi1>, vector<16xi1>, vector<16xi1>) -> (vector<16xi1>, vector<16xi1>, vector<16xi1>, vector<16xi1>, vector<16xi1>, vector<16xi1>, vector<16xi1>, vector<16xi1>) {
            %or3A = arith.ori %while3A_303, %while3A_304 : vector<16xi1>
            %or3A_311 = arith.ori %or3A, %while3A_305 : vector<16xi1>
            %or3A_312 = arith.ori %or3A_311, %while3A_306 : vector<16xi1>
            %or3A_313 = arith.ori %or3A_312, %while3A_307 : vector<16xi1>
            %or3A_314 = arith.ori %or3A_313, %while3A_308 : vector<16xi1>
            %or3A_315 = arith.ori %or3A_314, %while3A_309 : vector<16xi1>
            %or3A_316 = arith.ori %or3A_315, %while3A_310 : vector<16xi1>
            %reduce_or3A_317 = arith.constant 1.000000e+00 : f32
            %reduce_or3A_318 = arith.constant 0.000000e+00 : f32
            %reduce_or3A_319 = vector.broadcast %reduce_or3A_317 : f32 to vector<16xf32>
            %reduce_or3A_320 = vector.broadcast %reduce_or3A_318 : f32 to vector<16xf32>
            %reduce_or3A_321 = arith.select %or3A_316, %reduce_or3A_319, %reduce_or3A_320 : vector<16xi1>, vector<16xf32>
            %reduce_or3A_322 = arith.constant true
            %reduce_or3A_323 = vector.broadcast %reduce_or3A_322 : i1 to vector<16xi1>
            %reduce_or3A_324 = tpu.scan <max>, %reduce_or3A_321 masked %reduce_or3A_323 : vector<16xf32>, vector<16xi1> -> vector<16xf32>
            %reduce_or3A_325 = vector.extract %reduce_or3A_324[15] : f32 from vector<16xf32>
            %reduce_or3A_326 = arith.constant 0.000000e+00 : f32
            %reduce_or3A_327 = arith.cmpf ogt, %reduce_or3A_325, %reduce_or3A_326 : f32
            scf.condition(%reduce_or3A_327) %while3A_303, %while3A_304, %while3A_305, %while3A_306, %while3A_307, %while3A_308, %while3A_309, %while3A_310 : vector<16xi1>, vector<16xi1>, vector<16xi1>, vector<16xi1>, vector<16xi1>, vector<16xi1>, vector<16xi1>, vector<16xi1>
          } do {
          ^bb0(%while3A_303: vector<16xi1>, %while3A_304: vector<16xi1>, %while3A_305: vector<16xi1>, %while3A_306: vector<16xi1>, %while3A_307: vector<16xi1>, %while3A_308: vector<16xi1>, %while3A_309: vector<16xi1>, %while3A_310: vector<16xi1>):
            %gather3A_311 = tpu.vector_load_idx %arg9[%get3A_239] : memref<10000xf32, #tpu.memory_space<vmem>>[vector<16xi32>], vector<16xf32>,
            %gather3A_312 = tpu.vector_load_idx %arg10[%get3A_239] : memref<10000xf32, #tpu.memory_space<vmem>>[vector<16xi32>], vector<16xf32>,
            %gather3A_313 = tpu.vector_load_idx %arg11[%get3A_239] : memref<10000xf32, #tpu.memory_space<vmem>>[vector<16xi32>], vector<16xf32>,
            %gather3A_314 = tpu.vector_load_idx %arg12[%get3A_239] : memref<10000xf32, #tpu.memory_space<vmem>>[vector<16xi32>], vector<16xf32>,
            %gather3A_315 = tpu.vector_load_idx %arg13[%get3A_263] : memref<10000xf32, #tpu.memory_space<vmem>>[vector<16xi32>], vector<16xf32>,
            %gather3A_316 = tpu.vector_load_idx %arg14[%get3A_263] : memref<10000xf32, #tpu.memory_space<vmem>>[vector<16xi32>], vector<16xf32>,
            %gather3A_317 = tpu.vector_load_idx %arg15[%get3A_263] : memref<10000xf32, #tpu.memory_space<vmem>>[vector<16xi32>], vector<16xf32>,
            %gather3A_318 = tpu.vector_load_idx %arg16[%get3A_263] : memref<10000xf32, #tpu.memory_space<vmem>>[vector<16xi32>], vector<16xf32>,
            %max3A = arith.maximumf %gather3A_311, %gather3A_244 : vector<16xf32>
            %max3A_319 = arith.maximumf %gather3A_312, %gather3A_245 : vector<16xf32>
            %max3A_320 = arith.maximumf %gather3A_313, %gather3A_246 : vector<16xf32>
            %max3A_321 = arith.maximumf %gather3A_314, %gather3A_247 : vector<16xf32>
            %max3A_322 = arith.maximumf %gather3A_315, %gather3A_268 : vector<16xf32>
            %max3A_323 = arith.maximumf %gather3A_316, %gather3A_269 : vector<16xf32>
            %max3A_324 = arith.maximumf %gather3A_317, %gather3A_270 : vector<16xf32>
            %max3A_325 = arith.maximumf %gather3A_318, %gather3A_271 : vector<16xf32>
            tpu.vector_store_idx %arg9[%get3A_239], %max3A masked %while3A_303 : memref<10000xf32, #tpu.memory_space<vmem>>[vector<16xi32>], vector<16xf32>, vector<16xi1>
            tpu.vector_store_idx %arg13[%get3A_263], %max3A_322 masked %while3A_307 : memref<10000xf32, #tpu.memory_space<vmem>>[vector<16xi32>], vector<16xf32>, vector<16xi1>
            tpu.vector_store_idx %arg10[%get3A_239], %max3A_319 masked %while3A_304 : memref<10000xf32, #tpu.memory_space<vmem>>[vector<16xi32>], vector<16xf32>, vector<16xi1>
            tpu.vector_store_idx %arg14[%get3A_263], %max3A_323 masked %while3A_308 : memref<10000xf32, #tpu.memory_space<vmem>>[vector<16xi32>], vector<16xf32>, vector<16xi1>
            tpu.vector_store_idx %arg11[%get3A_239], %max3A_320 masked %while3A_305 : memref<10000xf32, #tpu.memory_space<vmem>>[vector<16xi32>], vector<16xf32>, vector<16xi1>
            tpu.vector_store_idx %arg15[%get3A_263], %max3A_324 masked %while3A_309 : memref<10000xf32, #tpu.memory_space<vmem>>[vector<16xi32>], vector<16xf32>, vector<16xi1>
            tpu.vector_store_idx %arg12[%get3A_239], %max3A_321 masked %while3A_306 : memref<10000xf32, #tpu.memory_space<vmem>>[vector<16xi32>], vector<16xf32>, vector<16xi1>
            tpu.vector_store_idx %arg16[%get3A_263], %max3A_325 masked %while3A_310 : memref<10000xf32, #tpu.memory_space<vmem>>[vector<16xi32>], vector<16xf32>, vector<16xi1>
            %gather3A_326 = tpu.vector_load_idx %arg9[%get3A_239] : memref<10000xf32, #tpu.memory_space<vmem>>[vector<16xi32>], vector<16xf32>,
            %gather3A_327 = tpu.vector_load_idx %arg10[%get3A_239] : memref<10000xf32, #tpu.memory_space<vmem>>[vector<16xi32>], vector<16xf32>,
            %gather3A_328 = tpu.vector_load_idx %arg11[%get3A_239] : memref<10000xf32, #tpu.memory_space<vmem>>[vector<16xi32>], vector<16xf32>,
            %gather3A_329 = tpu.vector_load_idx %arg12[%get3A_239] : memref<10000xf32, #tpu.memory_space<vmem>>[vector<16xi32>], vector<16xf32>,
            %gather3A_330 = tpu.vector_load_idx %arg13[%get3A_263] : memref<10000xf32, #tpu.memory_space<vmem>>[vector<16xi32>], vector<16xf32>,
            %gather3A_331 = tpu.vector_load_idx %arg14[%get3A_263] : memref<10000xf32, #tpu.memory_space<vmem>>[vector<16xi32>], vector<16xf32>,
            %gather3A_332 = tpu.vector_load_idx %arg15[%get3A_263] : memref<10000xf32, #tpu.memory_space<vmem>>[vector<16xi32>], vector<16xf32>,
            %gather3A_333 = tpu.vector_load_idx %arg16[%get3A_263] : memref<10000xf32, #tpu.memory_space<vmem>>[vector<16xi32>], vector<16xf32>,
            %lt3A_334 = arith.cmpf olt, %gather3A_326, %gather3A_244 : vector<16xf32>
            %and3A_335 = arith.andi %while3A_303, %lt3A_334 : vector<16xi1>
            %lt3A_336 = arith.cmpf olt, %gather3A_327, %gather3A_245 : vector<16xf32>
            %and3A_337 = arith.andi %while3A_304, %lt3A_336 : vector<16xi1>
            %lt3A_338 = arith.cmpf olt, %gather3A_328, %gather3A_246 : vector<16xf32>
            %and3A_339 = arith.andi %while3A_305, %lt3A_338 : vector<16xi1>
            %lt3A_340 = arith.cmpf olt, %gather3A_329, %gather3A_247 : vector<16xf32>
            %and3A_341 = arith.andi %while3A_306, %lt3A_340 : vector<16xi1>
            %lt3A_342 = arith.cmpf olt, %gather3A_330, %gather3A_268 : vector<16xf32>
            %and3A_343 = arith.andi %while3A_307, %lt3A_342 : vector<16xi1>
            %lt3A_344 = arith.cmpf olt, %gather3A_331, %gather3A_269 : vector<16xf32>
            %and3A_345 = arith.andi %while3A_308, %lt3A_344 : vector<16xi1>
            %lt3A_346 = arith.cmpf olt, %gather3A_332, %gather3A_270 : vector<16xf32>
            %and3A_347 = arith.andi %while3A_309, %lt3A_346 : vector<16xi1>
            %lt3A_348 = arith.cmpf olt, %gather3A_333, %gather3A_271 : vector<16xf32>
            %and3A_349 = arith.andi %while3A_310, %lt3A_348 : vector<16xi1>
            scf.yield %and3A_335, %and3A_337, %and3A_339, %and3A_341, %and3A_343, %and3A_345, %and3A_347, %and3A_349 : vector<16xi1>, vector<16xi1>, vector<16xi1>, vector<16xi1>, vector<16xi1>, vector<16xi1>, vector<16xi1>, vector<16xi1>
          }
        } else {
          %gather3A_292 = tpu.vector_load_idx %arg9[%get3A_97] : memref<10000xf32, #tpu.memory_space<vmem>>[vector<16xi32>], vector<16xf32>,
          %gather3A_293 = tpu.vector_load_idx %arg10[%get3A_97] : memref<10000xf32, #tpu.memory_space<vmem>>[vector<16xi32>], vector<16xf32>,
          %gather3A_294 = tpu.vector_load_idx %arg11[%get3A_97] : memref<10000xf32, #tpu.memory_space<vmem>>[vector<16xi32>], vector<16xf32>,
          %gather3A_295 = tpu.vector_load_idx %arg12[%get3A_97] : memref<10000xf32, #tpu.memory_space<vmem>>[vector<16xi32>], vector<16xf32>,
          %gather3A_296 = tpu.vector_load_idx %arg13[%get3A_119] : memref<10000xf32, #tpu.memory_space<vmem>>[vector<16xi32>], vector<16xf32>,
          %gather3A_297 = tpu.vector_load_idx %arg14[%get3A_119] : memref<10000xf32, #tpu.memory_space<vmem>>[vector<16xi32>], vector<16xf32>,
          %gather3A_298 = tpu.vector_load_idx %arg15[%get3A_119] : memref<10000xf32, #tpu.memory_space<vmem>>[vector<16xi32>], vector<16xf32>,
          %gather3A_299 = tpu.vector_load_idx %arg16[%get3A_119] : memref<10000xf32, #tpu.memory_space<vmem>>[vector<16xi32>], vector<16xf32>,
          %max3A = arith.maximumf %gather3A_292, %gather3A : vector<16xf32>
          %max3A_300 = arith.maximumf %gather3A_293, %gather3A_101 : vector<16xf32>
          %max3A_301 = arith.maximumf %gather3A_294, %gather3A_102 : vector<16xf32>
          %max3A_302 = arith.maximumf %gather3A_295, %gather3A_103 : vector<16xf32>
          %max3A_303 = arith.maximumf %gather3A_296, %gather3A_124 : vector<16xf32>
          %max3A_304 = arith.maximumf %gather3A_297, %gather3A_125 : vector<16xf32>
          %max3A_305 = arith.maximumf %gather3A_298, %gather3A_126 : vector<16xf32>
          %max3A_306 = arith.maximumf %gather3A_299, %gather3A_127 : vector<16xf32>
          tpu.vector_store_idx %arg9[%get3A_97], %max3A : memref<10000xf32, #tpu.memory_space<vmem>>[vector<16xi32>], vector<16xf32>,
          tpu.vector_store_idx %arg13[%get3A_119], %max3A_303 : memref<10000xf32, #tpu.memory_space<vmem>>[vector<16xi32>], vector<16xf32>,
          tpu.vector_store_idx %arg10[%get3A_97], %max3A_300 : memref<10000xf32, #tpu.memory_space<vmem>>[vector<16xi32>], vector<16xf32>,
          tpu.vector_store_idx %arg14[%get3A_119], %max3A_304 : memref<10000xf32, #tpu.memory_space<vmem>>[vector<16xi32>], vector<16xf32>,
          tpu.vector_store_idx %arg11[%get3A_97], %max3A_301 : memref<10000xf32, #tpu.memory_space<vmem>>[vector<16xi32>], vector<16xf32>,
          tpu.vector_store_idx %arg15[%get3A_119], %max3A_305 : memref<10000xf32, #tpu.memory_space<vmem>>[vector<16xi32>], vector<16xf32>,
          tpu.vector_store_idx %arg12[%get3A_97], %max3A_302 : memref<10000xf32, #tpu.memory_space<vmem>>[vector<16xi32>], vector<16xf32>,
          tpu.vector_store_idx %arg16[%get3A_119], %max3A_306 : memref<10000xf32, #tpu.memory_space<vmem>>[vector<16xi32>], vector<16xf32>,
          %gather3A_307 = tpu.vector_load_idx %arg9[%get3A_143] : memref<10000xf32, #tpu.memory_space<vmem>>[vector<16xi32>], vector<16xf32>,
          %gather3A_308 = tpu.vector_load_idx %arg10[%get3A_143] : memref<10000xf32, #tpu.memory_space<vmem>>[vector<16xi32>], vector<16xf32>,
          %gather3A_309 = tpu.vector_load_idx %arg11[%get3A_143] : memref<10000xf32, #tpu.memory_space<vmem>>[vector<16xi32>], vector<16xf32>,
          %gather3A_310 = tpu.vector_load_idx %arg12[%get3A_143] : memref<10000xf32, #tpu.memory_space<vmem>>[vector<16xi32>], vector<16xf32>,
          %gather3A_311 = tpu.vector_load_idx %arg13[%get3A_167] : memref<10000xf32, #tpu.memory_space<vmem>>[vector<16xi32>], vector<16xf32>,
          %gather3A_312 = tpu.vector_load_idx %arg14[%get3A_167] : memref<10000xf32, #tpu.memory_space<vmem>>[vector<16xi32>], vector<16xf32>,
          %gather3A_313 = tpu.vector_load_idx %arg15[%get3A_167] : memref<10000xf32, #tpu.memory_space<vmem>>[vector<16xi32>], vector<16xf32>,
          %gather3A_314 = tpu.vector_load_idx %arg16[%get3A_167] : memref<10000xf32, #tpu.memory_space<vmem>>[vector<16xi32>], vector<16xf32>,
          %max3A_315 = arith.maximumf %gather3A_307, %gather3A_148 : vector<16xf32>
          %max3A_316 = arith.maximumf %gather3A_308, %gather3A_149 : vector<16xf32>
          %max3A_317 = arith.maximumf %gather3A_309, %gather3A_150 : vector<16xf32>
          %max3A_318 = arith.maximumf %gather3A_310, %gather3A_151 : vector<16xf32>
          %max3A_319 = arith.maximumf %gather3A_311, %gather3A_172 : vector<16xf32>
          %max3A_320 = arith.maximumf %gather3A_312, %gather3A_173 : vector<16xf32>
          %max3A_321 = arith.maximumf %gather3A_313, %gather3A_174 : vector<16xf32>
          %max3A_322 = arith.maximumf %gather3A_314, %gather3A_175 : vector<16xf32>
          tpu.vector_store_idx %arg9[%get3A_143], %max3A_315 : memref<10000xf32, #tpu.memory_space<vmem>>[vector<16xi32>], vector<16xf32>,
          tpu.vector_store_idx %arg13[%get3A_167], %max3A_319 : memref<10000xf32, #tpu.memory_space<vmem>>[vector<16xi32>], vector<16xf32>,
          tpu.vector_store_idx %arg10[%get3A_143], %max3A_316 : memref<10000xf32, #tpu.memory_space<vmem>>[vector<16xi32>], vector<16xf32>,
          tpu.vector_store_idx %arg14[%get3A_167], %max3A_320 : memref<10000xf32, #tpu.memory_space<vmem>>[vector<16xi32>], vector<16xf32>,
          tpu.vector_store_idx %arg11[%get3A_143], %max3A_317 : memref<10000xf32, #tpu.memory_space<vmem>>[vector<16xi32>], vector<16xf32>,
          tpu.vector_store_idx %arg15[%get3A_167], %max3A_321 : memref<10000xf32, #tpu.memory_space<vmem>>[vector<16xi32>], vector<16xf32>,
          tpu.vector_store_idx %arg12[%get3A_143], %max3A_318 : memref<10000xf32, #tpu.memory_space<vmem>>[vector<16xi32>], vector<16xf32>,
          tpu.vector_store_idx %arg16[%get3A_167], %max3A_322 : memref<10000xf32, #tpu.memory_space<vmem>>[vector<16xi32>], vector<16xf32>,
          %gather3A_323 = tpu.vector_load_idx %arg9[%get3A_191] : memref<10000xf32, #tpu.memory_space<vmem>>[vector<16xi32>], vector<16xf32>,
          %gather3A_324 = tpu.vector_load_idx %arg10[%get3A_191] : memref<10000xf32, #tpu.memory_space<vmem>>[vector<16xi32>], vector<16xf32>,
          %gather3A_325 = tpu.vector_load_idx %arg11[%get3A_191] : memref<10000xf32, #tpu.memory_space<vmem>>[vector<16xi32>], vector<16xf32>,
          %gather3A_326 = tpu.vector_load_idx %arg12[%get3A_191] : memref<10000xf32, #tpu.memory_space<vmem>>[vector<16xi32>], vector<16xf32>,
          %gather3A_327 = tpu.vector_load_idx %arg13[%get3A_215] : memref<10000xf32, #tpu.memory_space<vmem>>[vector<16xi32>], vector<16xf32>,
          %gather3A_328 = tpu.vector_load_idx %arg14[%get3A_215] : memref<10000xf32, #tpu.memory_space<vmem>>[vector<16xi32>], vector<16xf32>,
          %gather3A_329 = tpu.vector_load_idx %arg15[%get3A_215] : memref<10000xf32, #tpu.memory_space<vmem>>[vector<16xi32>], vector<16xf32>,
          %gather3A_330 = tpu.vector_load_idx %arg16[%get3A_215] : memref<10000xf32, #tpu.memory_space<vmem>>[vector<16xi32>], vector<16xf32>,
          %max3A_331 = arith.maximumf %gather3A_323, %gather3A_196 : vector<16xf32>
          %max3A_332 = arith.maximumf %gather3A_324, %gather3A_197 : vector<16xf32>
          %max3A_333 = arith.maximumf %gather3A_325, %gather3A_198 : vector<16xf32>
          %max3A_334 = arith.maximumf %gather3A_326, %gather3A_199 : vector<16xf32>
          %max3A_335 = arith.maximumf %gather3A_327, %gather3A_220 : vector<16xf32>
          %max3A_336 = arith.maximumf %gather3A_328, %gather3A_221 : vector<16xf32>
          %max3A_337 = arith.maximumf %gather3A_329, %gather3A_222 : vector<16xf32>
          %max3A_338 = arith.maximumf %gather3A_330, %gather3A_223 : vector<16xf32>
          tpu.vector_store_idx %arg9[%get3A_191], %max3A_331 : memref<10000xf32, #tpu.memory_space<vmem>>[vector<16xi32>], vector<16xf32>,
          tpu.vector_store_idx %arg13[%get3A_215], %max3A_335 : memref<10000xf32, #tpu.memory_space<vmem>>[vector<16xi32>], vector<16xf32>,
          tpu.vector_store_idx %arg10[%get3A_191], %max3A_332 : memref<10000xf32, #tpu.memory_space<vmem>>[vector<16xi32>], vector<16xf32>,
          tpu.vector_store_idx %arg14[%get3A_215], %max3A_336 : memref<10000xf32, #tpu.memory_space<vmem>>[vector<16xi32>], vector<16xf32>,
          tpu.vector_store_idx %arg11[%get3A_191], %max3A_333 : memref<10000xf32, #tpu.memory_space<vmem>>[vector<16xi32>], vector<16xf32>,
          tpu.vector_store_idx %arg15[%get3A_215], %max3A_337 : memref<10000xf32, #tpu.memory_space<vmem>>[vector<16xi32>], vector<16xf32>,
          tpu.vector_store_idx %arg12[%get3A_191], %max3A_334 : memref<10000xf32, #tpu.memory_space<vmem>>[vector<16xi32>], vector<16xf32>,
          tpu.vector_store_idx %arg16[%get3A_215], %max3A_338 : memref<10000xf32, #tpu.memory_space<vmem>>[vector<16xi32>], vector<16xf32>,
          %gather3A_339 = tpu.vector_load_idx %arg9[%get3A_239] : memref<10000xf32, #tpu.memory_space<vmem>>[vector<16xi32>], vector<16xf32>,
          %gather3A_340 = tpu.vector_load_idx %arg10[%get3A_239] : memref<10000xf32, #tpu.memory_space<vmem>>[vector<16xi32>], vector<16xf32>,
          %gather3A_341 = tpu.vector_load_idx %arg11[%get3A_239] : memref<10000xf32, #tpu.memory_space<vmem>>[vector<16xi32>], vector<16xf32>,
          %gather3A_342 = tpu.vector_load_idx %arg12[%get3A_239] : memref<10000xf32, #tpu.memory_space<vmem>>[vector<16xi32>], vector<16xf32>,
          %gather3A_343 = tpu.vector_load_idx %arg13[%get3A_263] : memref<10000xf32, #tpu.memory_space<vmem>>[vector<16xi32>], vector<16xf32>,
          %gather3A_344 = tpu.vector_load_idx %arg14[%get3A_263] : memref<10000xf32, #tpu.memory_space<vmem>>[vector<16xi32>], vector<16xf32>,
          %gather3A_345 = tpu.vector_load_idx %arg15[%get3A_263] : memref<10000xf32, #tpu.memory_space<vmem>>[vector<16xi32>], vector<16xf32>,
          %gather3A_346 = tpu.vector_load_idx %arg16[%get3A_263] : memref<10000xf32, #tpu.memory_space<vmem>>[vector<16xi32>], vector<16xf32>,
          %max3A_347 = arith.maximumf %gather3A_339, %gather3A_244 : vector<16xf32>
          %max3A_348 = arith.maximumf %gather3A_340, %gather3A_245 : vector<16xf32>
          %max3A_349 = arith.maximumf %gather3A_341, %gather3A_246 : vector<16xf32>
          %max3A_350 = arith.maximumf %gather3A_342, %gather3A_247 : vector<16xf32>
          %max3A_351 = arith.maximumf %gather3A_343, %gather3A_268 : vector<16xf32>
          %max3A_352 = arith.maximumf %gather3A_344, %gather3A_269 : vector<16xf32>
          %max3A_353 = arith.maximumf %gather3A_345, %gather3A_270 : vector<16xf32>
          %max3A_354 = arith.maximumf %gather3A_346, %gather3A_271 : vector<16xf32>
          tpu.vector_store_idx %arg9[%get3A_239], %max3A_347 : memref<10000xf32, #tpu.memory_space<vmem>>[vector<16xi32>], vector<16xf32>,
          tpu.vector_store_idx %arg13[%get3A_263], %max3A_351 : memref<10000xf32, #tpu.memory_space<vmem>>[vector<16xi32>], vector<16xf32>,
          tpu.vector_store_idx %arg10[%get3A_239], %max3A_348 : memref<10000xf32, #tpu.memory_space<vmem>>[vector<16xi32>], vector<16xf32>,
          tpu.vector_store_idx %arg14[%get3A_263], %max3A_352 : memref<10000xf32, #tpu.memory_space<vmem>>[vector<16xi32>], vector<16xf32>,
          tpu.vector_store_idx %arg11[%get3A_239], %max3A_349 : memref<10000xf32, #tpu.memory_space<vmem>>[vector<16xi32>], vector<16xf32>,
          tpu.vector_store_idx %arg15[%get3A_263], %max3A_353 : memref<10000xf32, #tpu.memory_space<vmem>>[vector<16xi32>], vector<16xf32>,
          tpu.vector_store_idx %arg12[%get3A_239], %max3A_350 : memref<10000xf32, #tpu.memory_space<vmem>>[vector<16xi32>], vector<16xf32>,
          tpu.vector_store_idx %arg16[%get3A_263], %max3A_354 : memref<10000xf32, #tpu.memory_space<vmem>>[vector<16xi32>], vector<16xf32>,
        }
      }
      %scan3A_63 = arith.constant 10 : i32
      %add3A_64 = arith.constant 2 : i32
      %add3A_65 = arith.addi %mul3A_44, %add3A_64 : i32
      %lt3A = arith.constant 250 : i32
      %lt3A_66 = arith.cmpi slt, %add3A_65, %lt3A : i32
      %convert_element_type3A = arith.extui %lt3A_66 : i1 to i32
      %cond3A = arith.constant 0 : i32
      %cond3A_67 = arith.cmpi ne, %convert_element_type3A, %cond3A : i32
      scf.if %cond3A_67 {
        %add3A_80 = arith.constant 2 : i32
        %add3A_81 = arith.addi %mul3A_44, %add3A_80 : i32
        %mul3A_82 = arith.constant 1280 : i32
        %mul3A_83 = arith.muli %add3A_81, %mul3A_82 : i32
        %dma_start3A_84 = arith.constant 0 : i32
        %dma_start3A_85 = tpu.memref_slice %arg3[%dma_start3A_84, %mul3A_83] : memref<2x320000xi32, #tpu.memory_space<hbm>> -> memref<2x1280xi32, #tpu.memory_space<hbm>>
        %dma_start3A_86 = arith.constant 0 : i32
        %dma_start3A_87 = tpu.memref_slice %arg3[%dma_start3A_86, %mul3A_83] : memref<2x320000xi32, #tpu.memory_space<hbm>> -> memref<2x1280xi32, #tpu.memory_space<hbm>>
        tpu.enqueue_dma source(%dma_start3A_87 : memref<2x1280xi32, #tpu.memory_space<hbm>>) target(%arg17 : memref<2x1280xi32, #tpu.memory_space<vmem>>) target_semaphore(%arg19 : memref<!tpu.dma_semaphore, #tpu.memory_space<semaphore_mem>>)
      } else {
      }
      %dma_wait3A_68 = arith.constant 0 : i32
      %dma_wait3A_69 = arith.constant 0 : i32
      %dma_wait3A_70 = tpu.memref_slice %arg3[%dma_wait3A_68, %dma_wait3A_69] : memref<2x320000xi32, #tpu.memory_space<hbm>> -> memref<2x1280xi32, #tpu.memory_space<hbm>>
      %dma_wait3A_71 = arith.constant 0 : i32
      %dma_wait3A_72 = arith.constant 0 : i32
      %dma_wait3A_73 = tpu.memref_slice %arg3[%dma_wait3A_71, %dma_wait3A_72] : memref<2x320000xi32, #tpu.memory_space<hbm>> -> memref<2x1280xi32, #tpu.memory_space<hbm>>
      tpu.wait_dma2 semaphore(%arg20 : memref<!tpu.dma_semaphore, #tpu.memory_space<semaphore_mem>>) src(%dma_wait3A_73 : memref<2x1280xi32, #tpu.memory_space<hbm>>) dst(%arg18 : memref<2x1280xi32, #tpu.memory_space<vmem>>)
      %scan3A_74 = arith.constant 0 : i32
      %scan3A_75 = arith.constant 0 : i32
      %scan3A_76 = arith.constant 10 : i32
      %scan3A_77 = arith.addi %scan3A_75, %scan3A_76 : i32
      %scan3A_78 = arith.constant 1 : i32
      scf.for %scan3A_80 = %scan3A_75 to %scan3A_77 step %scan3A_78  : i32 {
        %mul3A_81 = arith.constant 8 : i32
        %mul3A_82 = arith.muli %scan3A_80, %mul3A_81 : i32
        %add3A_83 = arith.constant 0 : i32
        %add3A_84 = arith.addi %mul3A_82, %add3A_83 : i32
        %mul3A_85 = arith.constant 16 : i32
        %mul3A_86 = arith.muli %add3A_84, %mul3A_85 : i32
        %get3A = arith.constant 0 : i32
        %get3A_87 = arith.index_cast %get3A : i32 to index
        %get3A_88 = arith.index_cast %mul3A_86 : i32 to index
        %get3A_89 = tpu.vector_load %arg18[%get3A_87, %get3A_88] {strides = array<i32>} : memref<2x1280xi32, #tpu.memory_space<vmem>>, vector<16xi32>,
        %add3A_90 = arith.constant 0 : i32
        %add3A_91 = arith.addi %mul3A_82, %add3A_90 : i32
        %mul3A_92 = arith.constant 16 : i32
        %mul3A_93 = arith.muli %add3A_91, %mul3A_92 : i32
        %get3A_94 = arith.constant 1 : i32
        %get3A_95 = arith.index_cast %get3A_94 : i32 to index
        %get3A_96 = arith.index_cast %mul3A_93 : i32 to index
        %get3A_97 = tpu.vector_load %arg18[%get3A_95, %get3A_96] {strides = array<i32>} : memref<2x1280xi32, #tpu.memory_space<vmem>>, vector<16xi32>,
        %broadcast_in_dim3A_98 = arith.constant true
        %broadcast_in_dim3A_99 = vector.broadcast %broadcast_in_dim3A_98 : i1 to vector<16xi1>
        %unique3A, %unique3A_100 = tpu.scan_count mask(%broadcast_in_dim3A_99 : vector<16xi1>) value(%get3A_97 : vector<16xi32>) : vector<16xi1>, vector<16xi32>
        %gather3A = tpu.vector_load_idx %arg5[%get3A_89] : memref<10000xf32, #tpu.memory_space<vmem>>[vector<16xi32>], vector<16xf32>,
        %gather3A_101 = tpu.vector_load_idx %arg6[%get3A_89] : memref<10000xf32, #tpu.memory_space<vmem>>[vector<16xi32>], vector<16xf32>,
        %gather3A_102 = tpu.vector_load_idx %arg7[%get3A_89] : memref<10000xf32, #tpu.memory_space<vmem>>[vector<16xi32>], vector<16xf32>,
        %gather3A_103 = tpu.vector_load_idx %arg8[%get3A_89] : memref<10000xf32, #tpu.memory_space<vmem>>[vector<16xi32>], vector<16xf32>,
        %add3A_104 = arith.constant 1 : i32
        %add3A_105 = arith.addi %mul3A_82, %add3A_104 : i32
        %mul3A_106 = arith.constant 16 : i32
        %mul3A_107 = arith.muli %add3A_105, %mul3A_106 : i32
        %get3A_108 = arith.constant 0 : i32
        %get3A_109 = arith.index_cast %get3A_108 : i32 to index
        %get3A_110 = arith.index_cast %mul3A_107 : i32 to index
        %get3A_111 = tpu.vector_load %arg18[%get3A_109, %get3A_110] {strides = array<i32>} : memref<2x1280xi32, #tpu.memory_space<vmem>>, vector<16xi32>,
        %add3A_112 = arith.constant 1 : i32
        %add3A_113 = arith.addi %mul3A_82, %add3A_112 : i32
        %mul3A_114 = arith.constant 16 : i32
        %mul3A_115 = arith.muli %add3A_113, %mul3A_114 : i32
        %get3A_116 = arith.constant 1 : i32
        %get3A_117 = arith.index_cast %get3A_116 : i32 to index
        %get3A_118 = arith.index_cast %mul3A_115 : i32 to index
        %get3A_119 = tpu.vector_load %arg18[%get3A_117, %get3A_118] {strides = array<i32>} : memref<2x1280xi32, #tpu.memory_space<vmem>>, vector<16xi32>,
        %broadcast_in_dim3A_120 = arith.constant true
        %broadcast_in_dim3A_121 = vector.broadcast %broadcast_in_dim3A_120 : i1 to vector<16xi1>
        %unique3A_122, %unique3A_123 = tpu.scan_count mask(%broadcast_in_dim3A_121 : vector<16xi1>) value(%get3A_119 : vector<16xi32>) : vector<16xi1>, vector<16xi32>
        %gather3A_124 = tpu.vector_load_idx %arg5[%get3A_111] : memref<10000xf32, #tpu.memory_space<vmem>>[vector<16xi32>], vector<16xf32>,
        %gather3A_125 = tpu.vector_load_idx %arg6[%get3A_111] : memref<10000xf32, #tpu.memory_space<vmem>>[vector<16xi32>], vector<16xf32>,
        %gather3A_126 = tpu.vector_load_idx %arg7[%get3A_111] : memref<10000xf32, #tpu.memory_space<vmem>>[vector<16xi32>], vector<16xf32>,
        %gather3A_127 = tpu.vector_load_idx %arg8[%get3A_111] : memref<10000xf32, #tpu.memory_space<vmem>>[vector<16xi32>], vector<16xf32>,
        %add3A_128 = arith.constant 2 : i32
        %add3A_129 = arith.addi %mul3A_82, %add3A_128 : i32
        %mul3A_130 = arith.constant 16 : i32
        %mul3A_131 = arith.muli %add3A_129, %mul3A_130 : i32
        %get3A_132 = arith.constant 0 : i32
        %get3A_133 = arith.index_cast %get3A_132 : i32 to index
        %get3A_134 = arith.index_cast %mul3A_131 : i32 to index
        %get3A_135 = tpu.vector_load %arg18[%get3A_133, %get3A_134] {strides = array<i32>} : memref<2x1280xi32, #tpu.memory_space<vmem>>, vector<16xi32>,
        %add3A_136 = arith.constant 2 : i32
        %add3A_137 = arith.addi %mul3A_82, %add3A_136 : i32
        %mul3A_138 = arith.constant 16 : i32
        %mul3A_139 = arith.muli %add3A_137, %mul3A_138 : i32
        %get3A_140 = arith.constant 1 : i32
        %get3A_141 = arith.index_cast %get3A_140 : i32 to index
        %get3A_142 = arith.index_cast %mul3A_139 : i32 to index
        %get3A_143 = tpu.vector_load %arg18[%get3A_141, %get3A_142] {strides = array<i32>} : memref<2x1280xi32, #tpu.memory_space<vmem>>, vector<16xi32>,
        %broadcast_in_dim3A_144 = arith.constant true
        %broadcast_in_dim3A_145 = vector.broadcast %broadcast_in_dim3A_144 : i1 to vector<16xi1>
        %unique3A_146, %unique3A_147 = tpu.scan_count mask(%broadcast_in_dim3A_145 : vector<16xi1>) value(%get3A_143 : vector<16xi32>) : vector<16xi1>, vector<16xi32>
        %gather3A_148 = tpu.vector_load_idx %arg5[%get3A_135] : memref<10000xf32, #tpu.memory_space<vmem>>[vector<16xi32>], vector<16xf32>,
        %gather3A_149 = tpu.vector_load_idx %arg6[%get3A_135] : memref<10000xf32, #tpu.memory_space<vmem>>[vector<16xi32>], vector<16xf32>,
        %gather3A_150 = tpu.vector_load_idx %arg7[%get3A_135] : memref<10000xf32, #tpu.memory_space<vmem>>[vector<16xi32>], vector<16xf32>,
        %gather3A_151 = tpu.vector_load_idx %arg8[%get3A_135] : memref<10000xf32, #tpu.memory_space<vmem>>[vector<16xi32>], vector<16xf32>,
        %add3A_152 = arith.constant 3 : i32
        %add3A_153 = arith.addi %mul3A_82, %add3A_152 : i32
        %mul3A_154 = arith.constant 16 : i32
        %mul3A_155 = arith.muli %add3A_153, %mul3A_154 : i32
        %get3A_156 = arith.constant 0 : i32
        %get3A_157 = arith.index_cast %get3A_156 : i32 to index
        %get3A_158 = arith.index_cast %mul3A_155 : i32 to index
        %get3A_159 = tpu.vector_load %arg18[%get3A_157, %get3A_158] {strides = array<i32>} : memref<2x1280xi32, #tpu.memory_space<vmem>>, vector<16xi32>,
        %add3A_160 = arith.constant 3 : i32
        %add3A_161 = arith.addi %mul3A_82, %add3A_160 : i32
        %mul3A_162 = arith.constant 16 : i32
        %mul3A_163 = arith.muli %add3A_161, %mul3A_162 : i32
        %get3A_164 = arith.constant 1 : i32
        %get3A_165 = arith.index_cast %get3A_164 : i32 to index
        %get3A_166 = arith.index_cast %mul3A_163 : i32 to index
        %get3A_167 = tpu.vector_load %arg18[%get3A_165, %get3A_166] {strides = array<i32>} : memref<2x1280xi32, #tpu.memory_space<vmem>>, vector<16xi32>,
        %broadcast_in_dim3A_168 = arith.constant true
        %broadcast_in_dim3A_169 = vector.broadcast %broadcast_in_dim3A_168 : i1 to vector<16xi1>
        %unique3A_170, %unique3A_171 = tpu.scan_count mask(%broadcast_in_dim3A_169 : vector<16xi1>) value(%get3A_167 : vector<16xi32>) : vector<16xi1>, vector<16xi32>
        %gather3A_172 = tpu.vector_load_idx %arg5[%get3A_159] : memref<10000xf32, #tpu.memory_space<vmem>>[vector<16xi32>], vector<16xf32>,
        %gather3A_173 = tpu.vector_load_idx %arg6[%get3A_159] : memref<10000xf32, #tpu.memory_space<vmem>>[vector<16xi32>], vector<16xf32>,
        %gather3A_174 = tpu.vector_load_idx %arg7[%get3A_159] : memref<10000xf32, #tpu.memory_space<vmem>>[vector<16xi32>], vector<16xf32>,
        %gather3A_175 = tpu.vector_load_idx %arg8[%get3A_159] : memref<10000xf32, #tpu.memory_space<vmem>>[vector<16xi32>], vector<16xf32>,
        %add3A_176 = arith.constant 4 : i32
        %add3A_177 = arith.addi %mul3A_82, %add3A_176 : i32
        %mul3A_178 = arith.constant 16 : i32
        %mul3A_179 = arith.muli %add3A_177, %mul3A_178 : i32
        %get3A_180 = arith.constant 0 : i32
        %get3A_181 = arith.index_cast %get3A_180 : i32 to index
        %get3A_182 = arith.index_cast %mul3A_179 : i32 to index
        %get3A_183 = tpu.vector_load %arg18[%get3A_181, %get3A_182] {strides = array<i32>} : memref<2x1280xi32, #tpu.memory_space<vmem>>, vector<16xi32>,
        %add3A_184 = arith.constant 4 : i32
        %add3A_185 = arith.addi %mul3A_82, %add3A_184 : i32
        %mul3A_186 = arith.constant 16 : i32
        %mul3A_187 = arith.muli %add3A_185, %mul3A_186 : i32
        %get3A_188 = arith.constant 1 : i32
        %get3A_189 = arith.index_cast %get3A_188 : i32 to index
        %get3A_190 = arith.index_cast %mul3A_187 : i32 to index
        %get3A_191 = tpu.vector_load %arg18[%get3A_189, %get3A_190] {strides = array<i32>} : memref<2x1280xi32, #tpu.memory_space<vmem>>, vector<16xi32>,
        %broadcast_in_dim3A_192 = arith.constant true
        %broadcast_in_dim3A_193 = vector.broadcast %broadcast_in_dim3A_192 : i1 to vector<16xi1>
        %unique3A_194, %unique3A_195 = tpu.scan_count mask(%broadcast_in_dim3A_193 : vector<16xi1>) value(%get3A_191 : vector<16xi32>) : vector<16xi1>, vector<16xi32>
        %gather3A_196 = tpu.vector_load_idx %arg5[%get3A_183] : memref<10000xf32, #tpu.memory_space<vmem>>[vector<16xi32>], vector<16xf32>,
        %gather3A_197 = tpu.vector_load_idx %arg6[%get3A_183] : memref<10000xf32, #tpu.memory_space<vmem>>[vector<16xi32>], vector<16xf32>,
        %gather3A_198 = tpu.vector_load_idx %arg7[%get3A_183] : memref<10000xf32, #tpu.memory_space<vmem>>[vector<16xi32>], vector<16xf32>,
        %gather3A_199 = tpu.vector_load_idx %arg8[%get3A_183] : memref<10000xf32, #tpu.memory_space<vmem>>[vector<16xi32>], vector<16xf32>,
        %add3A_200 = arith.constant 5 : i32
        %add3A_201 = arith.addi %mul3A_82, %add3A_200 : i32
        %mul3A_202 = arith.constant 16 : i32
        %mul3A_203 = arith.muli %add3A_201, %mul3A_202 : i32
        %get3A_204 = arith.constant 0 : i32
        %get3A_205 = arith.index_cast %get3A_204 : i32 to index
        %get3A_206 = arith.index_cast %mul3A_203 : i32 to index
        %get3A_207 = tpu.vector_load %arg18[%get3A_205, %get3A_206] {strides = array<i32>} : memref<2x1280xi32, #tpu.memory_space<vmem>>, vector<16xi32>,
        %add3A_208 = arith.constant 5 : i32
        %add3A_209 = arith.addi %mul3A_82, %add3A_208 : i32
        %mul3A_210 = arith.constant 16 : i32
        %mul3A_211 = arith.muli %add3A_209, %mul3A_210 : i32
        %get3A_212 = arith.constant 1 : i32
        %get3A_213 = arith.index_cast %get3A_212 : i32 to index
        %get3A_214 = arith.index_cast %mul3A_211 : i32 to index
        %get3A_215 = tpu.vector_load %arg18[%get3A_213, %get3A_214] {strides = array<i32>} : memref<2x1280xi32, #tpu.memory_space<vmem>>, vector<16xi32>,
        %broadcast_in_dim3A_216 = arith.constant true
        %broadcast_in_dim3A_217 = vector.broadcast %broadcast_in_dim3A_216 : i1 to vector<16xi1>
        %unique3A_218, %unique3A_219 = tpu.scan_count mask(%broadcast_in_dim3A_217 : vector<16xi1>) value(%get3A_215 : vector<16xi32>) : vector<16xi1>, vector<16xi32>
        %gather3A_220 = tpu.vector_load_idx %arg5[%get3A_207] : memref<10000xf32, #tpu.memory_space<vmem>>[vector<16xi32>], vector<16xf32>,
        %gather3A_221 = tpu.vector_load_idx %arg6[%get3A_207] : memref<10000xf32, #tpu.memory_space<vmem>>[vector<16xi32>], vector<16xf32>,
        %gather3A_222 = tpu.vector_load_idx %arg7[%get3A_207] : memref<10000xf32, #tpu.memory_space<vmem>>[vector<16xi32>], vector<16xf32>,
        %gather3A_223 = tpu.vector_load_idx %arg8[%get3A_207] : memref<10000xf32, #tpu.memory_space<vmem>>[vector<16xi32>], vector<16xf32>,
        %add3A_224 = arith.constant 6 : i32
        %add3A_225 = arith.addi %mul3A_82, %add3A_224 : i32
        %mul3A_226 = arith.constant 16 : i32
        %mul3A_227 = arith.muli %add3A_225, %mul3A_226 : i32
        %get3A_228 = arith.constant 0 : i32
        %get3A_229 = arith.index_cast %get3A_228 : i32 to index
        %get3A_230 = arith.index_cast %mul3A_227 : i32 to index
        %get3A_231 = tpu.vector_load %arg18[%get3A_229, %get3A_230] {strides = array<i32>} : memref<2x1280xi32, #tpu.memory_space<vmem>>, vector<16xi32>,
        %add3A_232 = arith.constant 6 : i32
        %add3A_233 = arith.addi %mul3A_82, %add3A_232 : i32
        %mul3A_234 = arith.constant 16 : i32
        %mul3A_235 = arith.muli %add3A_233, %mul3A_234 : i32
        %get3A_236 = arith.constant 1 : i32
        %get3A_237 = arith.index_cast %get3A_236 : i32 to index
        %get3A_238 = arith.index_cast %mul3A_235 : i32 to index
        %get3A_239 = tpu.vector_load %arg18[%get3A_237, %get3A_238] {strides = array<i32>} : memref<2x1280xi32, #tpu.memory_space<vmem>>, vector<16xi32>,
        %broadcast_in_dim3A_240 = arith.constant true
        %broadcast_in_dim3A_241 = vector.broadcast %broadcast_in_dim3A_240 : i1 to vector<16xi1>
        %unique3A_242, %unique3A_243 = tpu.scan_count mask(%broadcast_in_dim3A_241 : vector<16xi1>) value(%get3A_239 : vector<16xi32>) : vector<16xi1>, vector<16xi32>
        %gather3A_244 = tpu.vector_load_idx %arg5[%get3A_231] : memref<10000xf32, #tpu.memory_space<vmem>>[vector<16xi32>], vector<16xf32>,
        %gather3A_245 = tpu.vector_load_idx %arg6[%get3A_231] : memref<10000xf32, #tpu.memory_space<vmem>>[vector<16xi32>], vector<16xf32>,
        %gather3A_246 = tpu.vector_load_idx %arg7[%get3A_231] : memref<10000xf32, #tpu.memory_space<vmem>>[vector<16xi32>], vector<16xf32>,
        %gather3A_247 = tpu.vector_load_idx %arg8[%get3A_231] : memref<10000xf32, #tpu.memory_space<vmem>>[vector<16xi32>], vector<16xf32>,
        %add3A_248 = arith.constant 7 : i32
        %add3A_249 = arith.addi %mul3A_82, %add3A_248 : i32
        %mul3A_250 = arith.constant 16 : i32
        %mul3A_251 = arith.muli %add3A_249, %mul3A_250 : i32
        %get3A_252 = arith.constant 0 : i32
        %get3A_253 = arith.index_cast %get3A_252 : i32 to index
        %get3A_254 = arith.index_cast %mul3A_251 : i32 to index
        %get3A_255 = tpu.vector_load %arg18[%get3A_253, %get3A_254] {strides = array<i32>} : memref<2x1280xi32, #tpu.memory_space<vmem>>, vector<16xi32>,
        %add3A_256 = arith.constant 7 : i32
        %add3A_257 = arith.addi %mul3A_82, %add3A_256 : i32
        %mul3A_258 = arith.constant 16 : i32
        %mul3A_259 = arith.muli %add3A_257, %mul3A_258 : i32
        %get3A_260 = arith.constant 1 : i32
        %get3A_261 = arith.index_cast %get3A_260 : i32 to index
        %get3A_262 = arith.index_cast %mul3A_259 : i32 to index
        %get3A_263 = tpu.vector_load %arg18[%get3A_261, %get3A_262] {strides = array<i32>} : memref<2x1280xi32, #tpu.memory_space<vmem>>, vector<16xi32>,
        %broadcast_in_dim3A_264 = arith.constant true
        %broadcast_in_dim3A_265 = vector.broadcast %broadcast_in_dim3A_264 : i1 to vector<16xi1>
        %unique3A_266, %unique3A_267 = tpu.scan_count mask(%broadcast_in_dim3A_265 : vector<16xi1>) value(%get3A_263 : vector<16xi32>) : vector<16xi1>, vector<16xi32>
        %gather3A_268 = tpu.vector_load_idx %arg5[%get3A_255] : memref<10000xf32, #tpu.memory_space<vmem>>[vector<16xi32>], vector<16xf32>,
        %gather3A_269 = tpu.vector_load_idx %arg6[%get3A_255] : memref<10000xf32, #tpu.memory_space<vmem>>[vector<16xi32>], vector<16xf32>,
        %gather3A_270 = tpu.vector_load_idx %arg7[%get3A_255] : memref<10000xf32, #tpu.memory_space<vmem>>[vector<16xi32>], vector<16xf32>,
        %gather3A_271 = tpu.vector_load_idx %arg8[%get3A_255] : memref<10000xf32, #tpu.memory_space<vmem>>[vector<16xi32>], vector<16xf32>,
        %and3A = arith.andi %unique3A, %unique3A_122 : vector<16xi1>
        %and3A_272 = arith.andi %and3A, %unique3A_146 : vector<16xi1>
        %and3A_273 = arith.andi %and3A_272, %unique3A_170 : vector<16xi1>
        %and3A_274 = arith.andi %and3A_273, %unique3A_194 : vector<16xi1>
        %and3A_275 = arith.andi %and3A_274, %unique3A_218 : vector<16xi1>
        %and3A_276 = arith.andi %and3A_275, %unique3A_242 : vector<16xi1>
        %and3A_277 = arith.andi %and3A_276, %unique3A_266 : vector<16xi1>
        %not3A = arith.constant dense<true> : vector<16xi1>
        %not3A_278 = arith.xori %and3A_277, %not3A : vector<16xi1>
        %reduce_or3A = arith.constant 1.000000e+00 : f32
        %reduce_or3A_279 = arith.constant 0.000000e+00 : f32
        %reduce_or3A_280 = vector.broadcast %reduce_or3A : f32 to vector<16xf32>
        %reduce_or3A_281 = vector.broadcast %reduce_or3A_279 : f32 to vector<16xf32>
        %reduce_or3A_282 = arith.select %not3A_278, %reduce_or3A_280, %reduce_or3A_281 : vector<16xi1>, vector<16xf32>
        %reduce_or3A_283 = arith.constant true
        %reduce_or3A_284 = vector.broadcast %reduce_or3A_283 : i1 to vector<16xi1>
        %reduce_or3A_285 = tpu.scan <max>, %reduce_or3A_282 masked %reduce_or3A_284 : vector<16xf32>, vector<16xi1> -> vector<16xf32>
        %reduce_or3A_286 = vector.extract %reduce_or3A_285[15] : f32 from vector<16xf32>
        %reduce_or3A_287 = arith.constant 0.000000e+00 : f32
        %reduce_or3A_288 = arith.cmpf ogt, %reduce_or3A_286, %reduce_or3A_287 : f32
        %convert_element_type3A_289 = arith.extui %reduce_or3A_288 : i1 to i32
        %cond3A_290 = arith.constant 0 : i32
        %cond3A_291 = arith.cmpi ne, %convert_element_type3A_289, %cond3A_290 : i32
        scf.if %cond3A_291 {
          %broadcast_in_dim3A_292 = arith.constant true
          %broadcast_in_dim3A_293 = vector.broadcast %broadcast_in_dim3A_292 : i1 to vector<16xi1>
          %while3A:8 = scf.while (%while3A_303 = %broadcast_in_dim3A_293, %while3A_304 = %broadcast_in_dim3A_293, %while3A_305 = %broadcast_in_dim3A_293, %while3A_306 = %broadcast_in_dim3A_293, %while3A_307 = %broadcast_in_dim3A_293, %while3A_308 = %broadcast_in_dim3A_293, %while3A_309 = %broadcast_in_dim3A_293, %while3A_310 = %broadcast_in_dim3A_293) : (vector<16xi1>, vector<16xi1>, vector<16xi1>, vector<16xi1>, vector<16xi1>, vector<16xi1>, vector<16xi1>, vector<16xi1>) -> (vector<16xi1>, vector<16xi1>, vector<16xi1>, vector<16xi1>, vector<16xi1>, vector<16xi1>, vector<16xi1>, vector<16xi1>) {
            %or3A = arith.ori %while3A_303, %while3A_304 : vector<16xi1>
            %or3A_311 = arith.ori %or3A, %while3A_305 : vector<16xi1>
            %or3A_312 = arith.ori %or3A_311, %while3A_306 : vector<16xi1>
            %or3A_313 = arith.ori %or3A_312, %while3A_307 : vector<16xi1>
            %or3A_314 = arith.ori %or3A_313, %while3A_308 : vector<16xi1>
            %or3A_315 = arith.ori %or3A_314, %while3A_309 : vector<16xi1>
            %or3A_316 = arith.ori %or3A_315, %while3A_310 : vector<16xi1>
            %reduce_or3A_317 = arith.constant 1.000000e+00 : f32
            %reduce_or3A_318 = arith.constant 0.000000e+00 : f32
            %reduce_or3A_319 = vector.broadcast %reduce_or3A_317 : f32 to vector<16xf32>
            %reduce_or3A_320 = vector.broadcast %reduce_or3A_318 : f32 to vector<16xf32>
            %reduce_or3A_321 = arith.select %or3A_316, %reduce_or3A_319, %reduce_or3A_320 : vector<16xi1>, vector<16xf32>
            %reduce_or3A_322 = arith.constant true
            %reduce_or3A_323 = vector.broadcast %reduce_or3A_322 : i1 to vector<16xi1>
            %reduce_or3A_324 = tpu.scan <max>, %reduce_or3A_321 masked %reduce_or3A_323 : vector<16xf32>, vector<16xi1> -> vector<16xf32>
            %reduce_or3A_325 = vector.extract %reduce_or3A_324[15] : f32 from vector<16xf32>
            %reduce_or3A_326 = arith.constant 0.000000e+00 : f32
            %reduce_or3A_327 = arith.cmpf ogt, %reduce_or3A_325, %reduce_or3A_326 : f32
            scf.condition(%reduce_or3A_327) %while3A_303, %while3A_304, %while3A_305, %while3A_306, %while3A_307, %while3A_308, %while3A_309, %while3A_310 : vector<16xi1>, vector<16xi1>, vector<16xi1>, vector<16xi1>, vector<16xi1>, vector<16xi1>, vector<16xi1>, vector<16xi1>
          } do {
          ^bb0(%while3A_303: vector<16xi1>, %while3A_304: vector<16xi1>, %while3A_305: vector<16xi1>, %while3A_306: vector<16xi1>, %while3A_307: vector<16xi1>, %while3A_308: vector<16xi1>, %while3A_309: vector<16xi1>, %while3A_310: vector<16xi1>):
            %gather3A_311 = tpu.vector_load_idx %arg9[%get3A_97] : memref<10000xf32, #tpu.memory_space<vmem>>[vector<16xi32>], vector<16xf32>,
            %gather3A_312 = tpu.vector_load_idx %arg10[%get3A_97] : memref<10000xf32, #tpu.memory_space<vmem>>[vector<16xi32>], vector<16xf32>,
            %gather3A_313 = tpu.vector_load_idx %arg11[%get3A_97] : memref<10000xf32, #tpu.memory_space<vmem>>[vector<16xi32>], vector<16xf32>,
            %gather3A_314 = tpu.vector_load_idx %arg12[%get3A_97] : memref<10000xf32, #tpu.memory_space<vmem>>[vector<16xi32>], vector<16xf32>,
            %gather3A_315 = tpu.vector_load_idx %arg13[%get3A_119] : memref<10000xf32, #tpu.memory_space<vmem>>[vector<16xi32>], vector<16xf32>,
            %gather3A_316 = tpu.vector_load_idx %arg14[%get3A_119] : memref<10000xf32, #tpu.memory_space<vmem>>[vector<16xi32>], vector<16xf32>,
            %gather3A_317 = tpu.vector_load_idx %arg15[%get3A_119] : memref<10000xf32, #tpu.memory_space<vmem>>[vector<16xi32>], vector<16xf32>,
            %gather3A_318 = tpu.vector_load_idx %arg16[%get3A_119] : memref<10000xf32, #tpu.memory_space<vmem>>[vector<16xi32>], vector<16xf32>,
            %max3A = arith.maximumf %gather3A_311, %gather3A : vector<16xf32>
            %max3A_319 = arith.maximumf %gather3A_312, %gather3A_101 : vector<16xf32>
            %max3A_320 = arith.maximumf %gather3A_313, %gather3A_102 : vector<16xf32>
            %max3A_321 = arith.maximumf %gather3A_314, %gather3A_103 : vector<16xf32>
            %max3A_322 = arith.maximumf %gather3A_315, %gather3A_124 : vector<16xf32>
            %max3A_323 = arith.maximumf %gather3A_316, %gather3A_125 : vector<16xf32>
            %max3A_324 = arith.maximumf %gather3A_317, %gather3A_126 : vector<16xf32>
            %max3A_325 = arith.maximumf %gather3A_318, %gather3A_127 : vector<16xf32>
            tpu.vector_store_idx %arg9[%get3A_97], %max3A masked %while3A_303 : memref<10000xf32, #tpu.memory_space<vmem>>[vector<16xi32>], vector<16xf32>, vector<16xi1>
            tpu.vector_store_idx %arg13[%get3A_119], %max3A_322 masked %while3A_307 : memref<10000xf32, #tpu.memory_space<vmem>>[vector<16xi32>], vector<16xf32>, vector<16xi1>
            tpu.vector_store_idx %arg10[%get3A_97], %max3A_319 masked %while3A_304 : memref<10000xf32, #tpu.memory_space<vmem>>[vector<16xi32>], vector<16xf32>, vector<16xi1>
            tpu.vector_store_idx %arg14[%get3A_119], %max3A_323 masked %while3A_308 : memref<10000xf32, #tpu.memory_space<vmem>>[vector<16xi32>], vector<16xf32>, vector<16xi1>
            tpu.vector_store_idx %arg11[%get3A_97], %max3A_320 masked %while3A_305 : memref<10000xf32, #tpu.memory_space<vmem>>[vector<16xi32>], vector<16xf32>, vector<16xi1>
            tpu.vector_store_idx %arg15[%get3A_119], %max3A_324 masked %while3A_309 : memref<10000xf32, #tpu.memory_space<vmem>>[vector<16xi32>], vector<16xf32>, vector<16xi1>
            tpu.vector_store_idx %arg12[%get3A_97], %max3A_321 masked %while3A_306 : memref<10000xf32, #tpu.memory_space<vmem>>[vector<16xi32>], vector<16xf32>, vector<16xi1>
            tpu.vector_store_idx %arg16[%get3A_119], %max3A_325 masked %while3A_310 : memref<10000xf32, #tpu.memory_space<vmem>>[vector<16xi32>], vector<16xf32>, vector<16xi1>
            %gather3A_326 = tpu.vector_load_idx %arg9[%get3A_97] : memref<10000xf32, #tpu.memory_space<vmem>>[vector<16xi32>], vector<16xf32>,
            %gather3A_327 = tpu.vector_load_idx %arg10[%get3A_97] : memref<10000xf32, #tpu.memory_space<vmem>>[vector<16xi32>], vector<16xf32>,
            %gather3A_328 = tpu.vector_load_idx %arg11[%get3A_97] : memref<10000xf32, #tpu.memory_space<vmem>>[vector<16xi32>], vector<16xf32>,
            %gather3A_329 = tpu.vector_load_idx %arg12[%get3A_97] : memref<10000xf32, #tpu.memory_space<vmem>>[vector<16xi32>], vector<16xf32>,
            %gather3A_330 = tpu.vector_load_idx %arg13[%get3A_119] : memref<10000xf32, #tpu.memory_space<vmem>>[vector<16xi32>], vector<16xf32>,
            %gather3A_331 = tpu.vector_load_idx %arg14[%get3A_119] : memref<10000xf32, #tpu.memory_space<vmem>>[vector<16xi32>], vector<16xf32>,
            %gather3A_332 = tpu.vector_load_idx %arg15[%get3A_119] : memref<10000xf32, #tpu.memory_space<vmem>>[vector<16xi32>], vector<16xf32>,
            %gather3A_333 = tpu.vector_load_idx %arg16[%get3A_119] : memref<10000xf32, #tpu.memory_space<vmem>>[vector<16xi32>], vector<16xf32>,
            %lt3A_334 = arith.cmpf olt, %gather3A_326, %gather3A : vector<16xf32>
            %and3A_335 = arith.andi %while3A_303, %lt3A_334 : vector<16xi1>
            %lt3A_336 = arith.cmpf olt, %gather3A_327, %gather3A_101 : vector<16xf32>
            %and3A_337 = arith.andi %while3A_304, %lt3A_336 : vector<16xi1>
            %lt3A_338 = arith.cmpf olt, %gather3A_328, %gather3A_102 : vector<16xf32>
            %and3A_339 = arith.andi %while3A_305, %lt3A_338 : vector<16xi1>
            %lt3A_340 = arith.cmpf olt, %gather3A_329, %gather3A_103 : vector<16xf32>
            %and3A_341 = arith.andi %while3A_306, %lt3A_340 : vector<16xi1>
            %lt3A_342 = arith.cmpf olt, %gather3A_330, %gather3A_124 : vector<16xf32>
            %and3A_343 = arith.andi %while3A_307, %lt3A_342 : vector<16xi1>
            %lt3A_344 = arith.cmpf olt, %gather3A_331, %gather3A_125 : vector<16xf32>
            %and3A_345 = arith.andi %while3A_308, %lt3A_344 : vector<16xi1>
            %lt3A_346 = arith.cmpf olt, %gather3A_332, %gather3A_126 : vector<16xf32>
            %and3A_347 = arith.andi %while3A_309, %lt3A_346 : vector<16xi1>
            %lt3A_348 = arith.cmpf olt, %gather3A_333, %gather3A_127 : vector<16xf32>
            %and3A_349 = arith.andi %while3A_310, %lt3A_348 : vector<16xi1>
            scf.yield %and3A_335, %and3A_337, %and3A_339, %and3A_341, %and3A_343, %and3A_345, %and3A_347, %and3A_349 : vector<16xi1>, vector<16xi1>, vector<16xi1>, vector<16xi1>, vector<16xi1>, vector<16xi1>, vector<16xi1>, vector<16xi1>
          }
          %broadcast_in_dim3A_294 = arith.constant true
          %broadcast_in_dim3A_295 = vector.broadcast %broadcast_in_dim3A_294 : i1 to vector<16xi1>
          %while3A_296:8 = scf.while (%while3A_303 = %broadcast_in_dim3A_295, %while3A_304 = %broadcast_in_dim3A_295, %while3A_305 = %broadcast_in_dim3A_295, %while3A_306 = %broadcast_in_dim3A_295, %while3A_307 = %broadcast_in_dim3A_295, %while3A_308 = %broadcast_in_dim3A_295, %while3A_309 = %broadcast_in_dim3A_295, %while3A_310 = %broadcast_in_dim3A_295) : (vector<16xi1>, vector<16xi1>, vector<16xi1>, vector<16xi1>, vector<16xi1>, vector<16xi1>, vector<16xi1>, vector<16xi1>) -> (vector<16xi1>, vector<16xi1>, vector<16xi1>, vector<16xi1>, vector<16xi1>, vector<16xi1>, vector<16xi1>, vector<16xi1>) {
            %or3A = arith.ori %while3A_303, %while3A_304 : vector<16xi1>
            %or3A_311 = arith.ori %or3A, %while3A_305 : vector<16xi1>
            %or3A_312 = arith.ori %or3A_311, %while3A_306 : vector<16xi1>
            %or3A_313 = arith.ori %or3A_312, %while3A_307 : vector<16xi1>
            %or3A_314 = arith.ori %or3A_313, %while3A_308 : vector<16xi1>
            %or3A_315 = arith.ori %or3A_314, %while3A_309 : vector<16xi1>
            %or3A_316 = arith.ori %or3A_315, %while3A_310 : vector<16xi1>
            %reduce_or3A_317 = arith.constant 1.000000e+00 : f32
            %reduce_or3A_318 = arith.constant 0.000000e+00 : f32
            %reduce_or3A_319 = vector.broadcast %reduce_or3A_317 : f32 to vector<16xf32>
            %reduce_or3A_320 = vector.broadcast %reduce_or3A_318 : f32 to vector<16xf32>
            %reduce_or3A_321 = arith.select %or3A_316, %reduce_or3A_319, %reduce_or3A_320 : vector<16xi1>, vector<16xf32>
            %reduce_or3A_322 = arith.constant true
            %reduce_or3A_323 = vector.broadcast %reduce_or3A_322 : i1 to vector<16xi1>
            %reduce_or3A_324 = tpu.scan <max>, %reduce_or3A_321 masked %reduce_or3A_323 : vector<16xf32>, vector<16xi1> -> vector<16xf32>
            %reduce_or3A_325 = vector.extract %reduce_or3A_324[15] : f32 from vector<16xf32>
            %reduce_or3A_326 = arith.constant 0.000000e+00 : f32
            %reduce_or3A_327 = arith.cmpf ogt, %reduce_or3A_325, %reduce_or3A_326 : f32
            scf.condition(%reduce_or3A_327) %while3A_303, %while3A_304, %while3A_305, %while3A_306, %while3A_307, %while3A_308, %while3A_309, %while3A_310 : vector<16xi1>, vector<16xi1>, vector<16xi1>, vector<16xi1>, vector<16xi1>, vector<16xi1>, vector<16xi1>, vector<16xi1>
          } do {
          ^bb0(%while3A_303: vector<16xi1>, %while3A_304: vector<16xi1>, %while3A_305: vector<16xi1>, %while3A_306: vector<16xi1>, %while3A_307: vector<16xi1>, %while3A_308: vector<16xi1>, %while3A_309: vector<16xi1>, %while3A_310: vector<16xi1>):
            %gather3A_311 = tpu.vector_load_idx %arg9[%get3A_143] : memref<10000xf32, #tpu.memory_space<vmem>>[vector<16xi32>], vector<16xf32>,
            %gather3A_312 = tpu.vector_load_idx %arg10[%get3A_143] : memref<10000xf32, #tpu.memory_space<vmem>>[vector<16xi32>], vector<16xf32>,
            %gather3A_313 = tpu.vector_load_idx %arg11[%get3A_143] : memref<10000xf32, #tpu.memory_space<vmem>>[vector<16xi32>], vector<16xf32>,
            %gather3A_314 = tpu.vector_load_idx %arg12[%get3A_143] : memref<10000xf32, #tpu.memory_space<vmem>>[vector<16xi32>], vector<16xf32>,
            %gather3A_315 = tpu.vector_load_idx %arg13[%get3A_167] : memref<10000xf32, #tpu.memory_space<vmem>>[vector<16xi32>], vector<16xf32>,
            %gather3A_316 = tpu.vector_load_idx %arg14[%get3A_167] : memref<10000xf32, #tpu.memory_space<vmem>>[vector<16xi32>], vector<16xf32>,
            %gather3A_317 = tpu.vector_load_idx %arg15[%get3A_167] : memref<10000xf32, #tpu.memory_space<vmem>>[vector<16xi32>], vector<16xf32>,
            %gather3A_318 = tpu.vector_load_idx %arg16[%get3A_167] : memref<10000xf32, #tpu.memory_space<vmem>>[vector<16xi32>], vector<16xf32>,
            %max3A = arith.maximumf %gather3A_311, %gather3A_148 : vector<16xf32>
            %max3A_319 = arith.maximumf %gather3A_312, %gather3A_149 : vector<16xf32>
            %max3A_320 = arith.maximumf %gather3A_313, %gather3A_150 : vector<16xf32>
            %max3A_321 = arith.maximumf %gather3A_314, %gather3A_151 : vector<16xf32>
            %max3A_322 = arith.maximumf %gather3A_315, %gather3A_172 : vector<16xf32>
            %max3A_323 = arith.maximumf %gather3A_316, %gather3A_173 : vector<16xf32>
            %max3A_324 = arith.maximumf %gather3A_317, %gather3A_174 : vector<16xf32>
            %max3A_325 = arith.maximumf %gather3A_318, %gather3A_175 : vector<16xf32>
            tpu.vector_store_idx %arg9[%get3A_143], %max3A masked %while3A_303 : memref<10000xf32, #tpu.memory_space<vmem>>[vector<16xi32>], vector<16xf32>, vector<16xi1>
            tpu.vector_store_idx %arg13[%get3A_167], %max3A_322 masked %while3A_307 : memref<10000xf32, #tpu.memory_space<vmem>>[vector<16xi32>], vector<16xf32>, vector<16xi1>
            tpu.vector_store_idx %arg10[%get3A_143], %max3A_319 masked %while3A_304 : memref<10000xf32, #tpu.memory_space<vmem>>[vector<16xi32>], vector<16xf32>, vector<16xi1>
            tpu.vector_store_idx %arg14[%get3A_167], %max3A_323 masked %while3A_308 : memref<10000xf32, #tpu.memory_space<vmem>>[vector<16xi32>], vector<16xf32>, vector<16xi1>
            tpu.vector_store_idx %arg11[%get3A_143], %max3A_320 masked %while3A_305 : memref<10000xf32, #tpu.memory_space<vmem>>[vector<16xi32>], vector<16xf32>, vector<16xi1>
            tpu.vector_store_idx %arg15[%get3A_167], %max3A_324 masked %while3A_309 : memref<10000xf32, #tpu.memory_space<vmem>>[vector<16xi32>], vector<16xf32>, vector<16xi1>
            tpu.vector_store_idx %arg12[%get3A_143], %max3A_321 masked %while3A_306 : memref<10000xf32, #tpu.memory_space<vmem>>[vector<16xi32>], vector<16xf32>, vector<16xi1>
            tpu.vector_store_idx %arg16[%get3A_167], %max3A_325 masked %while3A_310 : memref<10000xf32, #tpu.memory_space<vmem>>[vector<16xi32>], vector<16xf32>, vector<16xi1>
            %gather3A_326 = tpu.vector_load_idx %arg9[%get3A_143] : memref<10000xf32, #tpu.memory_space<vmem>>[vector<16xi32>], vector<16xf32>,
            %gather3A_327 = tpu.vector_load_idx %arg10[%get3A_143] : memref<10000xf32, #tpu.memory_space<vmem>>[vector<16xi32>], vector<16xf32>,
            %gather3A_328 = tpu.vector_load_idx %arg11[%get3A_143] : memref<10000xf32, #tpu.memory_space<vmem>>[vector<16xi32>], vector<16xf32>,
            %gather3A_329 = tpu.vector_load_idx %arg12[%get3A_143] : memref<10000xf32, #tpu.memory_space<vmem>>[vector<16xi32>], vector<16xf32>,
            %gather3A_330 = tpu.vector_load_idx %arg13[%get3A_167] : memref<10000xf32, #tpu.memory_space<vmem>>[vector<16xi32>], vector<16xf32>,
            %gather3A_331 = tpu.vector_load_idx %arg14[%get3A_167] : memref<10000xf32, #tpu.memory_space<vmem>>[vector<16xi32>], vector<16xf32>,
            %gather3A_332 = tpu.vector_load_idx %arg15[%get3A_167] : memref<10000xf32, #tpu.memory_space<vmem>>[vector<16xi32>], vector<16xf32>,
            %gather3A_333 = tpu.vector_load_idx %arg16[%get3A_167] : memref<10000xf32, #tpu.memory_space<vmem>>[vector<16xi32>], vector<16xf32>,
            %lt3A_334 = arith.cmpf olt, %gather3A_326, %gather3A_148 : vector<16xf32>
            %and3A_335 = arith.andi %while3A_303, %lt3A_334 : vector<16xi1>
            %lt3A_336 = arith.cmpf olt, %gather3A_327, %gather3A_149 : vector<16xf32>
            %and3A_337 = arith.andi %while3A_304, %lt3A_336 : vector<16xi1>
            %lt3A_338 = arith.cmpf olt, %gather3A_328, %gather3A_150 : vector<16xf32>
            %and3A_339 = arith.andi %while3A_305, %lt3A_338 : vector<16xi1>
            %lt3A_340 = arith.cmpf olt, %gather3A_329, %gather3A_151 : vector<16xf32>
            %and3A_341 = arith.andi %while3A_306, %lt3A_340 : vector<16xi1>
            %lt3A_342 = arith.cmpf olt, %gather3A_330, %gather3A_172 : vector<16xf32>
            %and3A_343 = arith.andi %while3A_307, %lt3A_342 : vector<16xi1>
            %lt3A_344 = arith.cmpf olt, %gather3A_331, %gather3A_173 : vector<16xf32>
            %and3A_345 = arith.andi %while3A_308, %lt3A_344 : vector<16xi1>
            %lt3A_346 = arith.cmpf olt, %gather3A_332, %gather3A_174 : vector<16xf32>
            %and3A_347 = arith.andi %while3A_309, %lt3A_346 : vector<16xi1>
            %lt3A_348 = arith.cmpf olt, %gather3A_333, %gather3A_175 : vector<16xf32>
            %and3A_349 = arith.andi %while3A_310, %lt3A_348 : vector<16xi1>
            scf.yield %and3A_335, %and3A_337, %and3A_339, %and3A_341, %and3A_343, %and3A_345, %and3A_347, %and3A_349 : vector<16xi1>, vector<16xi1>, vector<16xi1>, vector<16xi1>, vector<16xi1>, vector<16xi1>, vector<16xi1>, vector<16xi1>
          }
          %broadcast_in_dim3A_297 = arith.constant true
          %broadcast_in_dim3A_298 = vector.broadcast %broadcast_in_dim3A_297 : i1 to vector<16xi1>
          %while3A_299:8 = scf.while (%while3A_303 = %broadcast_in_dim3A_298, %while3A_304 = %broadcast_in_dim3A_298, %while3A_305 = %broadcast_in_dim3A_298, %while3A_306 = %broadcast_in_dim3A_298, %while3A_307 = %broadcast_in_dim3A_298, %while3A_308 = %broadcast_in_dim3A_298, %while3A_309 = %broadcast_in_dim3A_298, %while3A_310 = %broadcast_in_dim3A_298) : (vector<16xi1>, vector<16xi1>, vector<16xi1>, vector<16xi1>, vector<16xi1>, vector<16xi1>, vector<16xi1>, vector<16xi1>) -> (vector<16xi1>, vector<16xi1>, vector<16xi1>, vector<16xi1>, vector<16xi1>, vector<16xi1>, vector<16xi1>, vector<16xi1>) {
            %or3A = arith.ori %while3A_303, %while3A_304 : vector<16xi1>
            %or3A_311 = arith.ori %or3A, %while3A_305 : vector<16xi1>
            %or3A_312 = arith.ori %or3A_311, %while3A_306 : vector<16xi1>
            %or3A_313 = arith.ori %or3A_312, %while3A_307 : vector<16xi1>
            %or3A_314 = arith.ori %or3A_313, %while3A_308 : vector<16xi1>
            %or3A_315 = arith.ori %or3A_314, %while3A_309 : vector<16xi1>
            %or3A_316 = arith.ori %or3A_315, %while3A_310 : vector<16xi1>
            %reduce_or3A_317 = arith.constant 1.000000e+00 : f32
            %reduce_or3A_318 = arith.constant 0.000000e+00 : f32
            %reduce_or3A_319 = vector.broadcast %reduce_or3A_317 : f32 to vector<16xf32>
            %reduce_or3A_320 = vector.broadcast %reduce_or3A_318 : f32 to vector<16xf32>
            %reduce_or3A_321 = arith.select %or3A_316, %reduce_or3A_319, %reduce_or3A_320 : vector<16xi1>, vector<16xf32>
            %reduce_or3A_322 = arith.constant true
            %reduce_or3A_323 = vector.broadcast %reduce_or3A_322 : i1 to vector<16xi1>
            %reduce_or3A_324 = tpu.scan <max>, %reduce_or3A_321 masked %reduce_or3A_323 : vector<16xf32>, vector<16xi1> -> vector<16xf32>
            %reduce_or3A_325 = vector.extract %reduce_or3A_324[15] : f32 from vector<16xf32>
            %reduce_or3A_326 = arith.constant 0.000000e+00 : f32
            %reduce_or3A_327 = arith.cmpf ogt, %reduce_or3A_325, %reduce_or3A_326 : f32
            scf.condition(%reduce_or3A_327) %while3A_303, %while3A_304, %while3A_305, %while3A_306, %while3A_307, %while3A_308, %while3A_309, %while3A_310 : vector<16xi1>, vector<16xi1>, vector<16xi1>, vector<16xi1>, vector<16xi1>, vector<16xi1>, vector<16xi1>, vector<16xi1>
          } do {
          ^bb0(%while3A_303: vector<16xi1>, %while3A_304: vector<16xi1>, %while3A_305: vector<16xi1>, %while3A_306: vector<16xi1>, %while3A_307: vector<16xi1>, %while3A_308: vector<16xi1>, %while3A_309: vector<16xi1>, %while3A_310: vector<16xi1>):
            %gather3A_311 = tpu.vector_load_idx %arg9[%get3A_191] : memref<10000xf32, #tpu.memory_space<vmem>>[vector<16xi32>], vector<16xf32>,
            %gather3A_312 = tpu.vector_load_idx %arg10[%get3A_191] : memref<10000xf32, #tpu.memory_space<vmem>>[vector<16xi32>], vector<16xf32>,
            %gather3A_313 = tpu.vector_load_idx %arg11[%get3A_191] : memref<10000xf32, #tpu.memory_space<vmem>>[vector<16xi32>], vector<16xf32>,
            %gather3A_314 = tpu.vector_load_idx %arg12[%get3A_191] : memref<10000xf32, #tpu.memory_space<vmem>>[vector<16xi32>], vector<16xf32>,
            %gather3A_315 = tpu.vector_load_idx %arg13[%get3A_215] : memref<10000xf32, #tpu.memory_space<vmem>>[vector<16xi32>], vector<16xf32>,
            %gather3A_316 = tpu.vector_load_idx %arg14[%get3A_215] : memref<10000xf32, #tpu.memory_space<vmem>>[vector<16xi32>], vector<16xf32>,
            %gather3A_317 = tpu.vector_load_idx %arg15[%get3A_215] : memref<10000xf32, #tpu.memory_space<vmem>>[vector<16xi32>], vector<16xf32>,
            %gather3A_318 = tpu.vector_load_idx %arg16[%get3A_215] : memref<10000xf32, #tpu.memory_space<vmem>>[vector<16xi32>], vector<16xf32>,
            %max3A = arith.maximumf %gather3A_311, %gather3A_196 : vector<16xf32>
            %max3A_319 = arith.maximumf %gather3A_312, %gather3A_197 : vector<16xf32>
            %max3A_320 = arith.maximumf %gather3A_313, %gather3A_198 : vector<16xf32>
            %max3A_321 = arith.maximumf %gather3A_314, %gather3A_199 : vector<16xf32>
            %max3A_322 = arith.maximumf %gather3A_315, %gather3A_220 : vector<16xf32>
            %max3A_323 = arith.maximumf %gather3A_316, %gather3A_221 : vector<16xf32>
            %max3A_324 = arith.maximumf %gather3A_317, %gather3A_222 : vector<16xf32>
            %max3A_325 = arith.maximumf %gather3A_318, %gather3A_223 : vector<16xf32>
            tpu.vector_store_idx %arg9[%get3A_191], %max3A masked %while3A_303 : memref<10000xf32, #tpu.memory_space<vmem>>[vector<16xi32>], vector<16xf32>, vector<16xi1>
            tpu.vector_store_idx %arg13[%get3A_215], %max3A_322 masked %while3A_307 : memref<10000xf32, #tpu.memory_space<vmem>>[vector<16xi32>], vector<16xf32>, vector<16xi1>
            tpu.vector_store_idx %arg10[%get3A_191], %max3A_319 masked %while3A_304 : memref<10000xf32, #tpu.memory_space<vmem>>[vector<16xi32>], vector<16xf32>, vector<16xi1>
            tpu.vector_store_idx %arg14[%get3A_215], %max3A_323 masked %while3A_308 : memref<10000xf32, #tpu.memory_space<vmem>>[vector<16xi32>], vector<16xf32>, vector<16xi1>
            tpu.vector_store_idx %arg11[%get3A_191], %max3A_320 masked %while3A_305 : memref<10000xf32, #tpu.memory_space<vmem>>[vector<16xi32>], vector<16xf32>, vector<16xi1>
            tpu.vector_store_idx %arg15[%get3A_215], %max3A_324 masked %while3A_309 : memref<10000xf32, #tpu.memory_space<vmem>>[vector<16xi32>], vector<16xf32>, vector<16xi1>
            tpu.vector_store_idx %arg12[%get3A_191], %max3A_321 masked %while3A_306 : memref<10000xf32, #tpu.memory_space<vmem>>[vector<16xi32>], vector<16xf32>, vector<16xi1>
            tpu.vector_store_idx %arg16[%get3A_215], %max3A_325 masked %while3A_310 : memref<10000xf32, #tpu.memory_space<vmem>>[vector<16xi32>], vector<16xf32>, vector<16xi1>
            %gather3A_326 = tpu.vector_load_idx %arg9[%get3A_191] : memref<10000xf32, #tpu.memory_space<vmem>>[vector<16xi32>], vector<16xf32>,
            %gather3A_327 = tpu.vector_load_idx %arg10[%get3A_191] : memref<10000xf32, #tpu.memory_space<vmem>>[vector<16xi32>], vector<16xf32>,
            %gather3A_328 = tpu.vector_load_idx %arg11[%get3A_191] : memref<10000xf32, #tpu.memory_space<vmem>>[vector<16xi32>], vector<16xf32>,
            %gather3A_329 = tpu.vector_load_idx %arg12[%get3A_191] : memref<10000xf32, #tpu.memory_space<vmem>>[vector<16xi32>], vector<16xf32>,
            %gather3A_330 = tpu.vector_load_idx %arg13[%get3A_215] : memref<10000xf32, #tpu.memory_space<vmem>>[vector<16xi32>], vector<16xf32>,
            %gather3A_331 = tpu.vector_load_idx %arg14[%get3A_215] : memref<10000xf32, #tpu.memory_space<vmem>>[vector<16xi32>], vector<16xf32>,
            %gather3A_332 = tpu.vector_load_idx %arg15[%get3A_215] : memref<10000xf32, #tpu.memory_space<vmem>>[vector<16xi32>], vector<16xf32>,
            %gather3A_333 = tpu.vector_load_idx %arg16[%get3A_215] : memref<10000xf32, #tpu.memory_space<vmem>>[vector<16xi32>], vector<16xf32>,
            %lt3A_334 = arith.cmpf olt, %gather3A_326, %gather3A_196 : vector<16xf32>
            %and3A_335 = arith.andi %while3A_303, %lt3A_334 : vector<16xi1>
            %lt3A_336 = arith.cmpf olt, %gather3A_327, %gather3A_197 : vector<16xf32>
            %and3A_337 = arith.andi %while3A_304, %lt3A_336 : vector<16xi1>
            %lt3A_338 = arith.cmpf olt, %gather3A_328, %gather3A_198 : vector<16xf32>
            %and3A_339 = arith.andi %while3A_305, %lt3A_338 : vector<16xi1>
            %lt3A_340 = arith.cmpf olt, %gather3A_329, %gather3A_199 : vector<16xf32>
            %and3A_341 = arith.andi %while3A_306, %lt3A_340 : vector<16xi1>
            %lt3A_342 = arith.cmpf olt, %gather3A_330, %gather3A_220 : vector<16xf32>
            %and3A_343 = arith.andi %while3A_307, %lt3A_342 : vector<16xi1>
            %lt3A_344 = arith.cmpf olt, %gather3A_331, %gather3A_221 : vector<16xf32>
            %and3A_345 = arith.andi %while3A_308, %lt3A_344 : vector<16xi1>
            %lt3A_346 = arith.cmpf olt, %gather3A_332, %gather3A_222 : vector<16xf32>
            %and3A_347 = arith.andi %while3A_309, %lt3A_346 : vector<16xi1>
            %lt3A_348 = arith.cmpf olt, %gather3A_333, %gather3A_223 : vector<16xf32>
            %and3A_349 = arith.andi %while3A_310, %lt3A_348 : vector<16xi1>
            scf.yield %and3A_335, %and3A_337, %and3A_339, %and3A_341, %and3A_343, %and3A_345, %and3A_347, %and3A_349 : vector<16xi1>, vector<16xi1>, vector<16xi1>, vector<16xi1>, vector<16xi1>, vector<16xi1>, vector<16xi1>, vector<16xi1>
          }
          %broadcast_in_dim3A_300 = arith.constant true
          %broadcast_in_dim3A_301 = vector.broadcast %broadcast_in_dim3A_300 : i1 to vector<16xi1>
          %while3A_302:8 = scf.while (%while3A_303 = %broadcast_in_dim3A_301, %while3A_304 = %broadcast_in_dim3A_301, %while3A_305 = %broadcast_in_dim3A_301, %while3A_306 = %broadcast_in_dim3A_301, %while3A_307 = %broadcast_in_dim3A_301, %while3A_308 = %broadcast_in_dim3A_301, %while3A_309 = %broadcast_in_dim3A_301, %while3A_310 = %broadcast_in_dim3A_301) : (vector<16xi1>, vector<16xi1>, vector<16xi1>, vector<16xi1>, vector<16xi1>, vector<16xi1>, vector<16xi1>, vector<16xi1>) -> (vector<16xi1>, vector<16xi1>, vector<16xi1>, vector<16xi1>, vector<16xi1>, vector<16xi1>, vector<16xi1>, vector<16xi1>) {
            %or3A = arith.ori %while3A_303, %while3A_304 : vector<16xi1>
            %or3A_311 = arith.ori %or3A, %while3A_305 : vector<16xi1>
            %or3A_312 = arith.ori %or3A_311, %while3A_306 : vector<16xi1>
            %or3A_313 = arith.ori %or3A_312, %while3A_307 : vector<16xi1>
            %or3A_314 = arith.ori %or3A_313, %while3A_308 : vector<16xi1>
            %or3A_315 = arith.ori %or3A_314, %while3A_309 : vector<16xi1>
            %or3A_316 = arith.ori %or3A_315, %while3A_310 : vector<16xi1>
            %reduce_or3A_317 = arith.constant 1.000000e+00 : f32
            %reduce_or3A_318 = arith.constant 0.000000e+00 : f32
            %reduce_or3A_319 = vector.broadcast %reduce_or3A_317 : f32 to vector<16xf32>
            %reduce_or3A_320 = vector.broadcast %reduce_or3A_318 : f32 to vector<16xf32>
            %reduce_or3A_321 = arith.select %or3A_316, %reduce_or3A_319, %reduce_or3A_320 : vector<16xi1>, vector<16xf32>
            %reduce_or3A_322 = arith.constant true
            %reduce_or3A_323 = vector.broadcast %reduce_or3A_322 : i1 to vector<16xi1>
            %reduce_or3A_324 = tpu.scan <max>, %reduce_or3A_321 masked %reduce_or3A_323 : vector<16xf32>, vector<16xi1> -> vector<16xf32>
            %reduce_or3A_325 = vector.extract %reduce_or3A_324[15] : f32 from vector<16xf32>
            %reduce_or3A_326 = arith.constant 0.000000e+00 : f32
            %reduce_or3A_327 = arith.cmpf ogt, %reduce_or3A_325, %reduce_or3A_326 : f32
            scf.condition(%reduce_or3A_327) %while3A_303, %while3A_304, %while3A_305, %while3A_306, %while3A_307, %while3A_308, %while3A_309, %while3A_310 : vector<16xi1>, vector<16xi1>, vector<16xi1>, vector<16xi1>, vector<16xi1>, vector<16xi1>, vector<16xi1>, vector<16xi1>
          } do {
          ^bb0(%while3A_303: vector<16xi1>, %while3A_304: vector<16xi1>, %while3A_305: vector<16xi1>, %while3A_306: vector<16xi1>, %while3A_307: vector<16xi1>, %while3A_308: vector<16xi1>, %while3A_309: vector<16xi1>, %while3A_310: vector<16xi1>):
            %gather3A_311 = tpu.vector_load_idx %arg9[%get3A_239] : memref<10000xf32, #tpu.memory_space<vmem>>[vector<16xi32>], vector<16xf32>,
            %gather3A_312 = tpu.vector_load_idx %arg10[%get3A_239] : memref<10000xf32, #tpu.memory_space<vmem>>[vector<16xi32>], vector<16xf32>,
            %gather3A_313 = tpu.vector_load_idx %arg11[%get3A_239] : memref<10000xf32, #tpu.memory_space<vmem>>[vector<16xi32>], vector<16xf32>,
            %gather3A_314 = tpu.vector_load_idx %arg12[%get3A_239] : memref<10000xf32, #tpu.memory_space<vmem>>[vector<16xi32>], vector<16xf32>,
            %gather3A_315 = tpu.vector_load_idx %arg13[%get3A_263] : memref<10000xf32, #tpu.memory_space<vmem>>[vector<16xi32>], vector<16xf32>,
            %gather3A_316 = tpu.vector_load_idx %arg14[%get3A_263] : memref<10000xf32, #tpu.memory_space<vmem>>[vector<16xi32>], vector<16xf32>,
            %gather3A_317 = tpu.vector_load_idx %arg15[%get3A_263] : memref<10000xf32, #tpu.memory_space<vmem>>[vector<16xi32>], vector<16xf32>,
            %gather3A_318 = tpu.vector_load_idx %arg16[%get3A_263] : memref<10000xf32, #tpu.memory_space<vmem>>[vector<16xi32>], vector<16xf32>,
            %max3A = arith.maximumf %gather3A_311, %gather3A_244 : vector<16xf32>
            %max3A_319 = arith.maximumf %gather3A_312, %gather3A_245 : vector<16xf32>
            %max3A_320 = arith.maximumf %gather3A_313, %gather3A_246 : vector<16xf32>
            %max3A_321 = arith.maximumf %gather3A_314, %gather3A_247 : vector<16xf32>
            %max3A_322 = arith.maximumf %gather3A_315, %gather3A_268 : vector<16xf32>
            %max3A_323 = arith.maximumf %gather3A_316, %gather3A_269 : vector<16xf32>
            %max3A_324 = arith.maximumf %gather3A_317, %gather3A_270 : vector<16xf32>
            %max3A_325 = arith.maximumf %gather3A_318, %gather3A_271 : vector<16xf32>
            tpu.vector_store_idx %arg9[%get3A_239], %max3A masked %while3A_303 : memref<10000xf32, #tpu.memory_space<vmem>>[vector<16xi32>], vector<16xf32>, vector<16xi1>
            tpu.vector_store_idx %arg13[%get3A_263], %max3A_322 masked %while3A_307 : memref<10000xf32, #tpu.memory_space<vmem>>[vector<16xi32>], vector<16xf32>, vector<16xi1>
            tpu.vector_store_idx %arg10[%get3A_239], %max3A_319 masked %while3A_304 : memref<10000xf32, #tpu.memory_space<vmem>>[vector<16xi32>], vector<16xf32>, vector<16xi1>
            tpu.vector_store_idx %arg14[%get3A_263], %max3A_323 masked %while3A_308 : memref<10000xf32, #tpu.memory_space<vmem>>[vector<16xi32>], vector<16xf32>, vector<16xi1>
            tpu.vector_store_idx %arg11[%get3A_239], %max3A_320 masked %while3A_305 : memref<10000xf32, #tpu.memory_space<vmem>>[vector<16xi32>], vector<16xf32>, vector<16xi1>
            tpu.vector_store_idx %arg15[%get3A_263], %max3A_324 masked %while3A_309 : memref<10000xf32, #tpu.memory_space<vmem>>[vector<16xi32>], vector<16xf32>, vector<16xi1>
            tpu.vector_store_idx %arg12[%get3A_239], %max3A_321 masked %while3A_306 : memref<10000xf32, #tpu.memory_space<vmem>>[vector<16xi32>], vector<16xf32>, vector<16xi1>
            tpu.vector_store_idx %arg16[%get3A_263], %max3A_325 masked %while3A_310 : memref<10000xf32, #tpu.memory_space<vmem>>[vector<16xi32>], vector<16xf32>, vector<16xi1>
            %gather3A_326 = tpu.vector_load_idx %arg9[%get3A_239] : memref<10000xf32, #tpu.memory_space<vmem>>[vector<16xi32>], vector<16xf32>,
            %gather3A_327 = tpu.vector_load_idx %arg10[%get3A_239] : memref<10000xf32, #tpu.memory_space<vmem>>[vector<16xi32>], vector<16xf32>,
            %gather3A_328 = tpu.vector_load_idx %arg11[%get3A_239] : memref<10000xf32, #tpu.memory_space<vmem>>[vector<16xi32>], vector<16xf32>,
            %gather3A_329 = tpu.vector_load_idx %arg12[%get3A_239] : memref<10000xf32, #tpu.memory_space<vmem>>[vector<16xi32>], vector<16xf32>,
            %gather3A_330 = tpu.vector_load_idx %arg13[%get3A_263] : memref<10000xf32, #tpu.memory_space<vmem>>[vector<16xi32>], vector<16xf32>,
            %gather3A_331 = tpu.vector_load_idx %arg14[%get3A_263] : memref<10000xf32, #tpu.memory_space<vmem>>[vector<16xi32>], vector<16xf32>,
            %gather3A_332 = tpu.vector_load_idx %arg15[%get3A_263] : memref<10000xf32, #tpu.memory_space<vmem>>[vector<16xi32>], vector<16xf32>,
            %gather3A_333 = tpu.vector_load_idx %arg16[%get3A_263] : memref<10000xf32, #tpu.memory_space<vmem>>[vector<16xi32>], vector<16xf32>,
            %lt3A_334 = arith.cmpf olt, %gather3A_326, %gather3A_244 : vector<16xf32>
            %and3A_335 = arith.andi %while3A_303, %lt3A_334 : vector<16xi1>
            %lt3A_336 = arith.cmpf olt, %gather3A_327, %gather3A_245 : vector<16xf32>
            %and3A_337 = arith.andi %while3A_304, %lt3A_336 : vector<16xi1>
            %lt3A_338 = arith.cmpf olt, %gather3A_328, %gather3A_246 : vector<16xf32>
            %and3A_339 = arith.andi %while3A_305, %lt3A_338 : vector<16xi1>
            %lt3A_340 = arith.cmpf olt, %gather3A_329, %gather3A_247 : vector<16xf32>
            %and3A_341 = arith.andi %while3A_306, %lt3A_340 : vector<16xi1>
            %lt3A_342 = arith.cmpf olt, %gather3A_330, %gather3A_268 : vector<16xf32>
            %and3A_343 = arith.andi %while3A_307, %lt3A_342 : vector<16xi1>
            %lt3A_344 = arith.cmpf olt, %gather3A_331, %gather3A_269 : vector<16xf32>
            %and3A_345 = arith.andi %while3A_308, %lt3A_344 : vector<16xi1>
            %lt3A_346 = arith.cmpf olt, %gather3A_332, %gather3A_270 : vector<16xf32>
            %and3A_347 = arith.andi %while3A_309, %lt3A_346 : vector<16xi1>
            %lt3A_348 = arith.cmpf olt, %gather3A_333, %gather3A_271 : vector<16xf32>
            %and3A_349 = arith.andi %while3A_310, %lt3A_348 : vector<16xi1>
            scf.yield %and3A_335, %and3A_337, %and3A_339, %and3A_341, %and3A_343, %and3A_345, %and3A_347, %and3A_349 : vector<16xi1>, vector<16xi1>, vector<16xi1>, vector<16xi1>, vector<16xi1>, vector<16xi1>, vector<16xi1>, vector<16xi1>
          }
        } else {
          %gather3A_292 = tpu.vector_load_idx %arg9[%get3A_97] : memref<10000xf32, #tpu.memory_space<vmem>>[vector<16xi32>], vector<16xf32>,
          %gather3A_293 = tpu.vector_load_idx %arg10[%get3A_97] : memref<10000xf32, #tpu.memory_space<vmem>>[vector<16xi32>], vector<16xf32>,
          %gather3A_294 = tpu.vector_load_idx %arg11[%get3A_97] : memref<10000xf32, #tpu.memory_space<vmem>>[vector<16xi32>], vector<16xf32>,
          %gather3A_295 = tpu.vector_load_idx %arg12[%get3A_97] : memref<10000xf32, #tpu.memory_space<vmem>>[vector<16xi32>], vector<16xf32>,
          %gather3A_296 = tpu.vector_load_idx %arg13[%get3A_119] : memref<10000xf32, #tpu.memory_space<vmem>>[vector<16xi32>], vector<16xf32>,
          %gather3A_297 = tpu.vector_load_idx %arg14[%get3A_119] : memref<10000xf32, #tpu.memory_space<vmem>>[vector<16xi32>], vector<16xf32>,
          %gather3A_298 = tpu.vector_load_idx %arg15[%get3A_119] : memref<10000xf32, #tpu.memory_space<vmem>>[vector<16xi32>], vector<16xf32>,
          %gather3A_299 = tpu.vector_load_idx %arg16[%get3A_119] : memref<10000xf32, #tpu.memory_space<vmem>>[vector<16xi32>], vector<16xf32>,
          %max3A = arith.maximumf %gather3A_292, %gather3A : vector<16xf32>
          %max3A_300 = arith.maximumf %gather3A_293, %gather3A_101 : vector<16xf32>
          %max3A_301 = arith.maximumf %gather3A_294, %gather3A_102 : vector<16xf32>
          %max3A_302 = arith.maximumf %gather3A_295, %gather3A_103 : vector<16xf32>
          %max3A_303 = arith.maximumf %gather3A_296, %gather3A_124 : vector<16xf32>
          %max3A_304 = arith.maximumf %gather3A_297, %gather3A_125 : vector<16xf32>
          %max3A_305 = arith.maximumf %gather3A_298, %gather3A_126 : vector<16xf32>
          %max3A_306 = arith.maximumf %gather3A_299, %gather3A_127 : vector<16xf32>
          tpu.vector_store_idx %arg9[%get3A_97], %max3A : memref<10000xf32, #tpu.memory_space<vmem>>[vector<16xi32>], vector<16xf32>,
          tpu.vector_store_idx %arg13[%get3A_119], %max3A_303 : memref<10000xf32, #tpu.memory_space<vmem>>[vector<16xi32>], vector<16xf32>,
          tpu.vector_store_idx %arg10[%get3A_97], %max3A_300 : memref<10000xf32, #tpu.memory_space<vmem>>[vector<16xi32>], vector<16xf32>,
          tpu.vector_store_idx %arg14[%get3A_119], %max3A_304 : memref<10000xf32, #tpu.memory_space<vmem>>[vector<16xi32>], vector<16xf32>,
          tpu.vector_store_idx %arg11[%get3A_97], %max3A_301 : memref<10000xf32, #tpu.memory_space<vmem>>[vector<16xi32>], vector<16xf32>,
          tpu.vector_store_idx %arg15[%get3A_119], %max3A_305 : memref<10000xf32, #tpu.memory_space<vmem>>[vector<16xi32>], vector<16xf32>,
          tpu.vector_store_idx %arg12[%get3A_97], %max3A_302 : memref<10000xf32, #tpu.memory_space<vmem>>[vector<16xi32>], vector<16xf32>,
          tpu.vector_store_idx %arg16[%get3A_119], %max3A_306 : memref<10000xf32, #tpu.memory_space<vmem>>[vector<16xi32>], vector<16xf32>,
          %gather3A_307 = tpu.vector_load_idx %arg9[%get3A_143] : memref<10000xf32, #tpu.memory_space<vmem>>[vector<16xi32>], vector<16xf32>,
          %gather3A_308 = tpu.vector_load_idx %arg10[%get3A_143] : memref<10000xf32, #tpu.memory_space<vmem>>[vector<16xi32>], vector<16xf32>,
          %gather3A_309 = tpu.vector_load_idx %arg11[%get3A_143] : memref<10000xf32, #tpu.memory_space<vmem>>[vector<16xi32>], vector<16xf32>,
          %gather3A_310 = tpu.vector_load_idx %arg12[%get3A_143] : memref<10000xf32, #tpu.memory_space<vmem>>[vector<16xi32>], vector<16xf32>,
          %gather3A_311 = tpu.vector_load_idx %arg13[%get3A_167] : memref<10000xf32, #tpu.memory_space<vmem>>[vector<16xi32>], vector<16xf32>,
          %gather3A_312 = tpu.vector_load_idx %arg14[%get3A_167] : memref<10000xf32, #tpu.memory_space<vmem>>[vector<16xi32>], vector<16xf32>,
          %gather3A_313 = tpu.vector_load_idx %arg15[%get3A_167] : memref<10000xf32, #tpu.memory_space<vmem>>[vector<16xi32>], vector<16xf32>,
          %gather3A_314 = tpu.vector_load_idx %arg16[%get3A_167] : memref<10000xf32, #tpu.memory_space<vmem>>[vector<16xi32>], vector<16xf32>,
          %max3A_315 = arith.maximumf %gather3A_307, %gather3A_148 : vector<16xf32>
          %max3A_316 = arith.maximumf %gather3A_308, %gather3A_149 : vector<16xf32>
          %max3A_317 = arith.maximumf %gather3A_309, %gather3A_150 : vector<16xf32>
          %max3A_318 = arith.maximumf %gather3A_310, %gather3A_151 : vector<16xf32>
          %max3A_319 = arith.maximumf %gather3A_311, %gather3A_172 : vector<16xf32>
          %max3A_320 = arith.maximumf %gather3A_312, %gather3A_173 : vector<16xf32>
          %max3A_321 = arith.maximumf %gather3A_313, %gather3A_174 : vector<16xf32>
          %max3A_322 = arith.maximumf %gather3A_314, %gather3A_175 : vector<16xf32>
          tpu.vector_store_idx %arg9[%get3A_143], %max3A_315 : memref<10000xf32, #tpu.memory_space<vmem>>[vector<16xi32>], vector<16xf32>,
          tpu.vector_store_idx %arg13[%get3A_167], %max3A_319 : memref<10000xf32, #tpu.memory_space<vmem>>[vector<16xi32>], vector<16xf32>,
          tpu.vector_store_idx %arg10[%get3A_143], %max3A_316 : memref<10000xf32, #tpu.memory_space<vmem>>[vector<16xi32>], vector<16xf32>,
          tpu.vector_store_idx %arg14[%get3A_167], %max3A_320 : memref<10000xf32, #tpu.memory_space<vmem>>[vector<16xi32>], vector<16xf32>,
          tpu.vector_store_idx %arg11[%get3A_143], %max3A_317 : memref<10000xf32, #tpu.memory_space<vmem>>[vector<16xi32>], vector<16xf32>,
          tpu.vector_store_idx %arg15[%get3A_167], %max3A_321 : memref<10000xf32, #tpu.memory_space<vmem>>[vector<16xi32>], vector<16xf32>,
          tpu.vector_store_idx %arg12[%get3A_143], %max3A_318 : memref<10000xf32, #tpu.memory_space<vmem>>[vector<16xi32>], vector<16xf32>,
          tpu.vector_store_idx %arg16[%get3A_167], %max3A_322 : memref<10000xf32, #tpu.memory_space<vmem>>[vector<16xi32>], vector<16xf32>,
          %gather3A_323 = tpu.vector_load_idx %arg9[%get3A_191] : memref<10000xf32, #tpu.memory_space<vmem>>[vector<16xi32>], vector<16xf32>,
          %gather3A_324 = tpu.vector_load_idx %arg10[%get3A_191] : memref<10000xf32, #tpu.memory_space<vmem>>[vector<16xi32>], vector<16xf32>,
          %gather3A_325 = tpu.vector_load_idx %arg11[%get3A_191] : memref<10000xf32, #tpu.memory_space<vmem>>[vector<16xi32>], vector<16xf32>,
          %gather3A_326 = tpu.vector_load_idx %arg12[%get3A_191] : memref<10000xf32, #tpu.memory_space<vmem>>[vector<16xi32>], vector<16xf32>,
          %gather3A_327 = tpu.vector_load_idx %arg13[%get3A_215] : memref<10000xf32, #tpu.memory_space<vmem>>[vector<16xi32>], vector<16xf32>,
          %gather3A_328 = tpu.vector_load_idx %arg14[%get3A_215] : memref<10000xf32, #tpu.memory_space<vmem>>[vector<16xi32>], vector<16xf32>,
          %gather3A_329 = tpu.vector_load_idx %arg15[%get3A_215] : memref<10000xf32, #tpu.memory_space<vmem>>[vector<16xi32>], vector<16xf32>,
          %gather3A_330 = tpu.vector_load_idx %arg16[%get3A_215] : memref<10000xf32, #tpu.memory_space<vmem>>[vector<16xi32>], vector<16xf32>,
          %max3A_331 = arith.maximumf %gather3A_323, %gather3A_196 : vector<16xf32>
          %max3A_332 = arith.maximumf %gather3A_324, %gather3A_197 : vector<16xf32>
          %max3A_333 = arith.maximumf %gather3A_325, %gather3A_198 : vector<16xf32>
          %max3A_334 = arith.maximumf %gather3A_326, %gather3A_199 : vector<16xf32>
          %max3A_335 = arith.maximumf %gather3A_327, %gather3A_220 : vector<16xf32>
          %max3A_336 = arith.maximumf %gather3A_328, %gather3A_221 : vector<16xf32>
          %max3A_337 = arith.maximumf %gather3A_329, %gather3A_222 : vector<16xf32>
          %max3A_338 = arith.maximumf %gather3A_330, %gather3A_223 : vector<16xf32>
          tpu.vector_store_idx %arg9[%get3A_191], %max3A_331 : memref<10000xf32, #tpu.memory_space<vmem>>[vector<16xi32>], vector<16xf32>,
          tpu.vector_store_idx %arg13[%get3A_215], %max3A_335 : memref<10000xf32, #tpu.memory_space<vmem>>[vector<16xi32>], vector<16xf32>,
          tpu.vector_store_idx %arg10[%get3A_191], %max3A_332 : memref<10000xf32, #tpu.memory_space<vmem>>[vector<16xi32>], vector<16xf32>,
          tpu.vector_store_idx %arg14[%get3A_215], %max3A_336 : memref<10000xf32, #tpu.memory_space<vmem>>[vector<16xi32>], vector<16xf32>,
          tpu.vector_store_idx %arg11[%get3A_191], %max3A_333 : memref<10000xf32, #tpu.memory_space<vmem>>[vector<16xi32>], vector<16xf32>,
          tpu.vector_store_idx %arg15[%get3A_215], %max3A_337 : memref<10000xf32, #tpu.memory_space<vmem>>[vector<16xi32>], vector<16xf32>,
          tpu.vector_store_idx %arg12[%get3A_191], %max3A_334 : memref<10000xf32, #tpu.memory_space<vmem>>[vector<16xi32>], vector<16xf32>,
          tpu.vector_store_idx %arg16[%get3A_215], %max3A_338 : memref<10000xf32, #tpu.memory_space<vmem>>[vector<16xi32>], vector<16xf32>,
          %gather3A_339 = tpu.vector_load_idx %arg9[%get3A_239] : memref<10000xf32, #tpu.memory_space<vmem>>[vector<16xi32>], vector<16xf32>,
          %gather3A_340 = tpu.vector_load_idx %arg10[%get3A_239] : memref<10000xf32, #tpu.memory_space<vmem>>[vector<16xi32>], vector<16xf32>,
          %gather3A_341 = tpu.vector_load_idx %arg11[%get3A_239] : memref<10000xf32, #tpu.memory_space<vmem>>[vector<16xi32>], vector<16xf32>,
          %gather3A_342 = tpu.vector_load_idx %arg12[%get3A_239] : memref<10000xf32, #tpu.memory_space<vmem>>[vector<16xi32>], vector<16xf32>,
          %gather3A_343 = tpu.vector_load_idx %arg13[%get3A_263] : memref<10000xf32, #tpu.memory_space<vmem>>[vector<16xi32>], vector<16xf32>,
          %gather3A_344 = tpu.vector_load_idx %arg14[%get3A_263] : memref<10000xf32, #tpu.memory_space<vmem>>[vector<16xi32>], vector<16xf32>,
          %gather3A_345 = tpu.vector_load_idx %arg15[%get3A_263] : memref<10000xf32, #tpu.memory_space<vmem>>[vector<16xi32>], vector<16xf32>,
          %gather3A_346 = tpu.vector_load_idx %arg16[%get3A_263] : memref<10000xf32, #tpu.memory_space<vmem>>[vector<16xi32>], vector<16xf32>,
          %max3A_347 = arith.maximumf %gather3A_339, %gather3A_244 : vector<16xf32>
          %max3A_348 = arith.maximumf %gather3A_340, %gather3A_245 : vector<16xf32>
          %max3A_349 = arith.maximumf %gather3A_341, %gather3A_246 : vector<16xf32>
          %max3A_350 = arith.maximumf %gather3A_342, %gather3A_247 : vector<16xf32>
          %max3A_351 = arith.maximumf %gather3A_343, %gather3A_268 : vector<16xf32>
          %max3A_352 = arith.maximumf %gather3A_344, %gather3A_269 : vector<16xf32>
          %max3A_353 = arith.maximumf %gather3A_345, %gather3A_270 : vector<16xf32>
          %max3A_354 = arith.maximumf %gather3A_346, %gather3A_271 : vector<16xf32>
          tpu.vector_store_idx %arg9[%get3A_239], %max3A_347 : memref<10000xf32, #tpu.memory_space<vmem>>[vector<16xi32>], vector<16xf32>,
          tpu.vector_store_idx %arg13[%get3A_263], %max3A_351 : memref<10000xf32, #tpu.memory_space<vmem>>[vector<16xi32>], vector<16xf32>,
          tpu.vector_store_idx %arg10[%get3A_239], %max3A_348 : memref<10000xf32, #tpu.memory_space<vmem>>[vector<16xi32>], vector<16xf32>,
          tpu.vector_store_idx %arg14[%get3A_263], %max3A_352 : memref<10000xf32, #tpu.memory_space<vmem>>[vector<16xi32>], vector<16xf32>,
          tpu.vector_store_idx %arg11[%get3A_239], %max3A_349 : memref<10000xf32, #tpu.memory_space<vmem>>[vector<16xi32>], vector<16xf32>,
          tpu.vector_store_idx %arg15[%get3A_263], %max3A_353 : memref<10000xf32, #tpu.memory_space<vmem>>[vector<16xi32>], vector<16xf32>,
          tpu.vector_store_idx %arg12[%get3A_239], %max3A_350 : memref<10000xf32, #tpu.memory_space<vmem>>[vector<16xi32>], vector<16xf32>,
          tpu.vector_store_idx %arg16[%get3A_263], %max3A_354 : memref<10000xf32, #tpu.memory_space<vmem>>[vector<16xi32>], vector<16xf32>,
        }
      }
      %scan3A_79 = arith.constant 10 : i32
    }
    %scan3A_27 = arith.constant 125 : i32
    %scan3A_28 = arith.constant 0 : i32
    %scan3A_29 = arith.constant 0 : i32
    %scan3A_30 = arith.constant 625 : i32
    %scan3A_31 = arith.addi %scan3A_29, %scan3A_30 : i32
    %scan3A_32 = arith.constant 1 : i32
    scf.for %scan3A_42 = %scan3A_29 to %scan3A_31 step %scan3A_32  : i32 {
      %mul3A_43 = arith.constant 16 : i32
      %mul3A_44 = arith.muli %scan3A_42, %mul3A_43 : i32
      %get3A = arith.index_cast %mul3A_44 : i32 to index
      %get3A_45 = tpu.vector_load %arg9[%get3A] {strides = array<i32>} : memref<10000xf32, #tpu.memory_space<vmem>>, vector<16xf32>,
      %get3A_46 = arith.index_cast %mul3A_44 : i32 to index
      %get3A_47 = tpu.vector_load %arg13[%get3A_46] {strides = array<i32>} : memref<10000xf32, #tpu.memory_space<vmem>>, vector<16xf32>,
      %max3A = arith.maximumf %get3A_45, %get3A_47 : vector<16xf32>
      %swap3A = arith.index_cast %mul3A_44 : i32 to index
      %swap3A_48 = tpu.vector_load %arg9[%swap3A] {strides = array<i32>} : memref<10000xf32, #tpu.memory_space<vmem>>, vector<16xf32>,
      tpu.vector_store %arg9[%swap3A], %max3A {strides = array<i32>} : memref<10000xf32, #tpu.memory_space<vmem>>, vector<16xf32>,
      %get3A_49 = arith.index_cast %mul3A_44 : i32 to index
      %get3A_50 = tpu.vector_load %arg10[%get3A_49] {strides = array<i32>} : memref<10000xf32, #tpu.memory_space<vmem>>, vector<16xf32>,
      %get3A_51 = arith.index_cast %mul3A_44 : i32 to index
      %get3A_52 = tpu.vector_load %arg14[%get3A_51] {strides = array<i32>} : memref<10000xf32, #tpu.memory_space<vmem>>, vector<16xf32>,
      %max3A_53 = arith.maximumf %get3A_50, %get3A_52 : vector<16xf32>
      %swap3A_54 = arith.index_cast %mul3A_44 : i32 to index
      %swap3A_55 = tpu.vector_load %arg10[%swap3A_54] {strides = array<i32>} : memref<10000xf32, #tpu.memory_space<vmem>>, vector<16xf32>,
      tpu.vector_store %arg10[%swap3A_54], %max3A_53 {strides = array<i32>} : memref<10000xf32, #tpu.memory_space<vmem>>, vector<16xf32>,
      %get3A_56 = arith.index_cast %mul3A_44 : i32 to index
      %get3A_57 = tpu.vector_load %arg11[%get3A_56] {strides = array<i32>} : memref<10000xf32, #tpu.memory_space<vmem>>, vector<16xf32>,
      %get3A_58 = arith.index_cast %mul3A_44 : i32 to index
      %get3A_59 = tpu.vector_load %arg15[%get3A_58] {strides = array<i32>} : memref<10000xf32, #tpu.memory_space<vmem>>, vector<16xf32>,
      %max3A_60 = arith.maximumf %get3A_57, %get3A_59 : vector<16xf32>
      %swap3A_61 = arith.index_cast %mul3A_44 : i32 to index
      %swap3A_62 = tpu.vector_load %arg11[%swap3A_61] {strides = array<i32>} : memref<10000xf32, #tpu.memory_space<vmem>>, vector<16xf32>,
      tpu.vector_store %arg11[%swap3A_61], %max3A_60 {strides = array<i32>} : memref<10000xf32, #tpu.memory_space<vmem>>, vector<16xf32>,
      %get3A_63 = arith.index_cast %mul3A_44 : i32 to index
      %get3A_64 = tpu.vector_load %arg12[%get3A_63] {strides = array<i32>} : memref<10000xf32, #tpu.memory_space<vmem>>, vector<16xf32>,
      %get3A_65 = arith.index_cast %mul3A_44 : i32 to index
      %get3A_66 = tpu.vector_load %arg16[%get3A_65] {strides = array<i32>} : memref<10000xf32, #tpu.memory_space<vmem>>, vector<16xf32>,
      %max3A_67 = arith.maximumf %get3A_64, %get3A_66 : vector<16xf32>
      %swap3A_68 = arith.index_cast %mul3A_44 : i32 to index
      %swap3A_69 = tpu.vector_load %arg12[%swap3A_68] {strides = array<i32>} : memref<10000xf32, #tpu.memory_space<vmem>>, vector<16xf32>,
      tpu.vector_store %arg12[%swap3A_68], %max3A_67 {strides = array<i32>} : memref<10000xf32, #tpu.memory_space<vmem>>, vector<16xf32>,
    }
    %scan3A_33 = arith.constant 625 : i32
    %add3A_34 = arith.constant 0 : i32
    %add3A_35 = arith.addi %mul3A_2, %add3A_34 : i32
    "tpu.region"() ({
      %run_scoped3A = tpu.sem_alloc : memref<!tpu.dma_semaphore, #tpu.memory_space<semaphore_mem>>
      %dma_start3A_42 = arith.constant 0 : i32
      %dma_start3A_43 = tpu.memref_slice %arg4[%add3A_35, %dma_start3A_42] : memref<128x10000xf32, #tpu.memory_space<hbm>> -> memref<1x10000xf32, #tpu.memory_space<hbm>>
      %dma_start3A_44 = tpu.memref_squeeze %dma_start3A_43 : memref<1x10000xf32, #tpu.memory_space<hbm>> -> memref<10000xf32, #tpu.memory_space<hbm>>
      %dma_start3A_45 = arith.constant 0 : i32
      %dma_start3A_46 = tpu.memref_slice %arg4[%add3A_35, %dma_start3A_45] : memref<128x10000xf32, #tpu.memory_space<hbm>> -> memref<1x10000xf32, #tpu.memory_space<hbm>>
      %dma_start3A_47 = tpu.memref_squeeze %dma_start3A_46 : memref<1x10000xf32, #tpu.memory_space<hbm>> -> memref<10000xf32, #tpu.memory_space<hbm>>
      tpu.enqueue_dma source(%arg9 : memref<10000xf32, #tpu.memory_space<vmem>>) target(%dma_start3A_47 : memref<10000xf32, #tpu.memory_space<hbm>>) target_semaphore(%run_scoped3A : memref<!tpu.dma_semaphore, #tpu.memory_space<semaphore_mem>>)
      %dma_wait3A = arith.constant 0 : i32
      %dma_wait3A_48 = tpu.memref_slice %arg4[%add3A_35, %dma_wait3A] : memref<128x10000xf32, #tpu.memory_space<hbm>> -> memref<1x10000xf32, #tpu.memory_space<hbm>>
      %dma_wait3A_49 = tpu.memref_squeeze %dma_wait3A_48 : memref<1x10000xf32, #tpu.memory_space<hbm>> -> memref<10000xf32, #tpu.memory_space<hbm>>
      %dma_wait3A_50 = arith.constant 0 : i32
      %dma_wait3A_51 = tpu.memref_slice %arg4[%add3A_35, %dma_wait3A_50] : memref<128x10000xf32, #tpu.memory_space<hbm>> -> memref<1x10000xf32, #tpu.memory_space<hbm>>
      %dma_wait3A_52 = tpu.memref_squeeze %dma_wait3A_51 : memref<1x10000xf32, #tpu.memory_space<hbm>> -> memref<10000xf32, #tpu.memory_space<hbm>>
      tpu.wait_dma2 semaphore(%run_scoped3A : memref<!tpu.dma_semaphore, #tpu.memory_space<semaphore_mem>>) src(%arg9 : memref<10000xf32, #tpu.memory_space<vmem>>) dst(%dma_wait3A_52 : memref<10000xf32, #tpu.memory_space<hbm>>)
      tpu.yield
    }) : () -> ()
    %add3A_36 = arith.constant 1 : i32
    %add3A_37 = arith.addi %mul3A_2, %add3A_36 : i32
    "tpu.region"() ({
      %run_scoped3A = tpu.sem_alloc : memref<!tpu.dma_semaphore, #tpu.memory_space<semaphore_mem>>
      %dma_start3A_42 = arith.constant 0 : i32
      %dma_start3A_43 = tpu.memref_slice %arg4[%add3A_37, %dma_start3A_42] : memref<128x10000xf32, #tpu.memory_space<hbm>> -> memref<1x10000xf32, #tpu.memory_space<hbm>>
      %dma_start3A_44 = tpu.memref_squeeze %dma_start3A_43 : memref<1x10000xf32, #tpu.memory_space<hbm>> -> memref<10000xf32, #tpu.memory_space<hbm>>
      %dma_start3A_45 = arith.constant 0 : i32
      %dma_start3A_46 = tpu.memref_slice %arg4[%add3A_37, %dma_start3A_45] : memref<128x10000xf32, #tpu.memory_space<hbm>> -> memref<1x10000xf32, #tpu.memory_space<hbm>>
      %dma_start3A_47 = tpu.memref_squeeze %dma_start3A_46 : memref<1x10000xf32, #tpu.memory_space<hbm>> -> memref<10000xf32, #tpu.memory_space<hbm>>
      tpu.enqueue_dma source(%arg10 : memref<10000xf32, #tpu.memory_space<vmem>>) target(%dma_start3A_47 : memref<10000xf32, #tpu.memory_space<hbm>>) target_semaphore(%run_scoped3A : memref<!tpu.dma_semaphore, #tpu.memory_space<semaphore_mem>>)
      %dma_wait3A = arith.constant 0 : i32
      %dma_wait3A_48 = tpu.memref_slice %arg4[%add3A_37, %dma_wait3A] : memref<128x10000xf32, #tpu.memory_space<hbm>> -> memref<1x10000xf32, #tpu.memory_space<hbm>>
      %dma_wait3A_49 = tpu.memref_squeeze %dma_wait3A_48 : memref<1x10000xf32, #tpu.memory_space<hbm>> -> memref<10000xf32, #tpu.memory_space<hbm>>
      %dma_wait3A_50 = arith.constant 0 : i32
      %dma_wait3A_51 = tpu.memref_slice %arg4[%add3A_37, %dma_wait3A_50] : memref<128x10000xf32, #tpu.memory_space<hbm>> -> memref<1x10000xf32, #tpu.memory_space<hbm>>
      %dma_wait3A_52 = tpu.memref_squeeze %dma_wait3A_51 : memref<1x10000xf32, #tpu.memory_space<hbm>> -> memref<10000xf32, #tpu.memory_space<hbm>>
      tpu.wait_dma2 semaphore(%run_scoped3A : memref<!tpu.dma_semaphore, #tpu.memory_space<semaphore_mem>>) src(%arg10 : memref<10000xf32, #tpu.memory_space<vmem>>) dst(%dma_wait3A_52 : memref<10000xf32, #tpu.memory_space<hbm>>)
      tpu.yield
    }) : () -> ()
    %add3A_38 = arith.constant 2 : i32
    %add3A_39 = arith.addi %mul3A_2, %add3A_38 : i32
    "tpu.region"() ({
      %run_scoped3A = tpu.sem_alloc : memref<!tpu.dma_semaphore, #tpu.memory_space<semaphore_mem>>
      %dma_start3A_42 = arith.constant 0 : i32
      %dma_start3A_43 = tpu.memref_slice %arg4[%add3A_39, %dma_start3A_42] : memref<128x10000xf32, #tpu.memory_space<hbm>> -> memref<1x10000xf32, #tpu.memory_space<hbm>>
      %dma_start3A_44 = tpu.memref_squeeze %dma_start3A_43 : memref<1x10000xf32, #tpu.memory_space<hbm>> -> memref<10000xf32, #tpu.memory_space<hbm>>
      %dma_start3A_45 = arith.constant 0 : i32
      %dma_start3A_46 = tpu.memref_slice %arg4[%add3A_39, %dma_start3A_45] : memref<128x10000xf32, #tpu.memory_space<hbm>> -> memref<1x10000xf32, #tpu.memory_space<hbm>>
      %dma_start3A_47 = tpu.memref_squeeze %dma_start3A_46 : memref<1x10000xf32, #tpu.memory_space<hbm>> -> memref<10000xf32, #tpu.memory_space<hbm>>
      tpu.enqueue_dma source(%arg11 : memref<10000xf32, #tpu.memory_space<vmem>>) target(%dma_start3A_47 : memref<10000xf32, #tpu.memory_space<hbm>>) target_semaphore(%run_scoped3A : memref<!tpu.dma_semaphore, #tpu.memory_space<semaphore_mem>>)
      %dma_wait3A = arith.constant 0 : i32
      %dma_wait3A_48 = tpu.memref_slice %arg4[%add3A_39, %dma_wait3A] : memref<128x10000xf32, #tpu.memory_space<hbm>> -> memref<1x10000xf32, #tpu.memory_space<hbm>>
      %dma_wait3A_49 = tpu.memref_squeeze %dma_wait3A_48 : memref<1x10000xf32, #tpu.memory_space<hbm>> -> memref<10000xf32, #tpu.memory_space<hbm>>
      %dma_wait3A_50 = arith.constant 0 : i32
      %dma_wait3A_51 = tpu.memref_slice %arg4[%add3A_39, %dma_wait3A_50] : memref<128x10000xf32, #tpu.memory_space<hbm>> -> memref<1x10000xf32, #tpu.memory_space<hbm>>
      %dma_wait3A_52 = tpu.memref_squeeze %dma_wait3A_51 : memref<1x10000xf32, #tpu.memory_space<hbm>> -> memref<10000xf32, #tpu.memory_space<hbm>>
      tpu.wait_dma2 semaphore(%run_scoped3A : memref<!tpu.dma_semaphore, #tpu.memory_space<semaphore_mem>>) src(%arg11 : memref<10000xf32, #tpu.memory_space<vmem>>) dst(%dma_wait3A_52 : memref<10000xf32, #tpu.memory_space<hbm>>)
      tpu.yield
    }) : () -> ()
    %add3A_40 = arith.constant 3 : i32
    %add3A_41 = arith.addi %mul3A_2, %add3A_40 : i32
    "tpu.region"() ({
      %run_scoped3A = tpu.sem_alloc : memref<!tpu.dma_semaphore, #tpu.memory_space<semaphore_mem>>
      %dma_start3A_42 = arith.constant 0 : i32
      %dma_start3A_43 = tpu.memref_slice %arg4[%add3A_41, %dma_start3A_42] : memref<128x10000xf32, #tpu.memory_space<hbm>> -> memref<1x10000xf32, #tpu.memory_space<hbm>>
      %dma_start3A_44 = tpu.memref_squeeze %dma_start3A_43 : memref<1x10000xf32, #tpu.memory_space<hbm>> -> memref<10000xf32, #tpu.memory_space<hbm>>
      %dma_start3A_45 = arith.constant 0 : i32
      %dma_start3A_46 = tpu.memref_slice %arg4[%add3A_41, %dma_start3A_45] : memref<128x10000xf32, #tpu.memory_space<hbm>> -> memref<1x10000xf32, #tpu.memory_space<hbm>>
      %dma_start3A_47 = tpu.memref_squeeze %dma_start3A_46 : memref<1x10000xf32, #tpu.memory_space<hbm>> -> memref<10000xf32, #tpu.memory_space<hbm>>
      tpu.enqueue_dma source(%arg12 : memref<10000xf32, #tpu.memory_space<vmem>>) target(%dma_start3A_47 : memref<10000xf32, #tpu.memory_space<hbm>>) target_semaphore(%run_scoped3A : memref<!tpu.dma_semaphore, #tpu.memory_space<semaphore_mem>>)
      %dma_wait3A = arith.constant 0 : i32
      %dma_wait3A_48 = tpu.memref_slice %arg4[%add3A_41, %dma_wait3A] : memref<128x10000xf32, #tpu.memory_space<hbm>> -> memref<1x10000xf32, #tpu.memory_space<hbm>>
      %dma_wait3A_49 = tpu.memref_squeeze %dma_wait3A_48 : memref<1x10000xf32, #tpu.memory_space<hbm>> -> memref<10000xf32, #tpu.memory_space<hbm>>
      %dma_wait3A_50 = arith.constant 0 : i32
      %dma_wait3A_51 = tpu.memref_slice %arg4[%add3A_41, %dma_wait3A_50] : memref<128x10000xf32, #tpu.memory_space<hbm>> -> memref<1x10000xf32, #tpu.memory_space<hbm>>
      %dma_wait3A_52 = tpu.memref_squeeze %dma_wait3A_51 : memref<1x10000xf32, #tpu.memory_space<hbm>> -> memref<10000xf32, #tpu.memory_space<hbm>>
      tpu.wait_dma2 semaphore(%run_scoped3A : memref<!tpu.dma_semaphore, #tpu.memory_space<semaphore_mem>>) src(%arg12 : memref<10000xf32, #tpu.memory_space<vmem>>) dst(%dma_wait3A_52 : memref<10000xf32, #tpu.memory_space<hbm>>)
      tpu.yield
    }) : () -> ()
    return
  }
}

module attributes {stable_mosaic.version = 14 : i64} {
  func.func @_tc_mlp_body(%arg0: memref<128x10000xf32, #tpu.memory_space<vmem>>, %arg1: memref<128x10000xf32, #tpu.memory_space<vmem>>, %arg2: memref<128x128xf32, #tpu.memory_space<vmem>>, %arg3: memref<128x128xf32, #tpu.memory_space<vmem>>, %arg4: memref<1x128xf32, #tpu.memory_space<vmem>>, %arg5: memref<10000x128xf32, #tpu.memory_space<vmem>>) attributes {dimension_semantics = [], scalar_prefetch = 0 : i64, scratch_operands = 0 : i64, tpu.core_type = #tpu.core_type<tc>} {
    %get3A = arith.constant 0 : index
    %get3A_0 = arith.constant 0 : index
    %get3A_1 = vector.load %arg0[%get3A, %get3A_0] : memref<128x10000xf32, #tpu.memory_space<vmem>>, vector<128x10000xf32>
    %get3A_2 = arith.constant 0 : index
    %get3A_3 = arith.constant 0 : index
    %get3A_4 = vector.load %arg1[%get3A_2, %get3A_3] : memref<128x10000xf32, #tpu.memory_space<vmem>>, vector<128x10000xf32>
    %sub3A = arith.subf %get3A_4, %get3A_1 : vector<128x10000xf32>
    %lt3A = arith.constant -1.000000e+04 : f32
    %lt3A_5 = vector.broadcast %lt3A : f32 to vector<128x10000xf32>
    %lt3A_6 = arith.cmpf olt, %sub3A, %lt3A_5 : vector<128x10000xf32>
    %jit3A = arith.constant 0.000000e+00 : f32
    %broadcast_in_dim3A = vector.broadcast %jit3A : f32 to vector<128x10000xf32>
    %select_n3A = arith.select %lt3A_6, %broadcast_in_dim3A, %sub3A : vector<128x10000xi1>, vector<128x10000xf32>
    %get3A_7 = arith.constant 0 : index
    %get3A_8 = arith.constant 0 : index
    %get3A_9 = vector.load %arg2[%get3A_7, %get3A_8] : memref<128x128xf32, #tpu.memory_space<vmem>>, vector<128x128xf32>
    %dot_general3A = arith.constant dense<0.000000e+00> : vector<10000x128xf32>
    %dot_general3A_10 = tpu.matmul %get3A_1, %get3A_9, %dot_general3A {dimension_numbers = #tpu.dot_dimension_numbers<[0], [1], [1], [0], [0, 1, 1, 0], [], []>, transpose_lhs_hint = false} : vector<128x10000xf32>, vector<128x128xf32>, vector<10000x128xf32> -> vector<10000x128xf32>
    %get3A_11 = arith.constant 0 : index
    %get3A_12 = arith.constant 0 : index
    %get3A_13 = vector.load %arg3[%get3A_11, %get3A_12] : memref<128x128xf32, #tpu.memory_space<vmem>>, vector<128x128xf32>
    %dot_general3A_14 = arith.constant dense<0.000000e+00> : vector<10000x128xf32>
    %dot_general3A_15 = tpu.matmul %select_n3A, %get3A_13, %dot_general3A_14 {dimension_numbers = #tpu.dot_dimension_numbers<[0], [1], [1], [0], [0, 1, 1, 0], [], []>, transpose_lhs_hint = false} : vector<128x10000xf32>, vector<128x128xf32>, vector<10000x128xf32> -> vector<10000x128xf32>
    %add3A = arith.addf %dot_general3A_10, %dot_general3A_15 : vector<10000x128xf32>
    %get3A_16 = arith.constant 0 : index
    %get3A_17 = arith.constant 0 : index
    %get3A_18 = vector.load %arg4[%get3A_16, %get3A_17] : memref<1x128xf32, #tpu.memory_space<vmem>>, vector<1x128xf32>
    %add3A_19 = vector.broadcast %get3A_18 : vector<1x128xf32> to vector<10000x128xf32>
    %add3A_20 = arith.addf %add3A, %add3A_19 : vector<10000x128xf32>
    %max3A = arith.constant 0.000000e+00 : f32
    %max3A_21 = vector.broadcast %max3A : f32 to vector<10000x128xf32>
    %max3A_22 = arith.maximumf %add3A_20, %max3A_21 : vector<10000x128xf32>
    %swap3A = arith.constant 0 : index
    %swap3A_23 = arith.constant 0 : index
    %swap3A_24 = vector.load %arg5[%swap3A, %swap3A_23] : memref<10000x128xf32, #tpu.memory_space<vmem>>, vector<10000x128xf32>
    tpu.vector_store %arg5[%swap3A, %swap3A_23], %max3A_22 {strides = array<i32>} : memref<10000x128xf32, #tpu.memory_space<vmem>>, vector<10000x128xf32>,
    return
  }
}

</mosaic_0001>

<sc_bundles>
// kernel: kernel.4.cloned.1.call-start
scs
__scs_entry_jumppad:
0x0: {  	(pc) =	sbr.rel $0x88, $3  }
0x1: {  	(tag) =	ssettag $0x0;
	lr =	simm.s32 $0x1  }
0x2: {  	[smem:$0x3F9D] =	sst lr;
	_ =	strace $0xD0000000  }
0x3: {  	_ = 	snop  }
0x4: {  	_ = 	snop  }
0x5: {  	_ = 	snop  }
0x6: {  	_ = 	snop  }
0x7: {  	_ = 	snop  }
__scs_overlays_trampoline_lowered:
0x8: {  	[smem:$0x3FAC] =	sst s0  }
0x9: {  	[smem:$0x3FAD] =	sst s1  }
0xa: {  	[smem:$0x3FAE] =	sst s2  }
0xb: {  	[smem:$0x3FAF] =	sst s3  }
0xc: {  	[smem:$0x3FB0] =	sst s4  }
0xd: {  	[smem:$0x3FB1] =	sst s5  }
0xe: {  	[smem:$0x3FB2] =	sst s6  }
0xf: {  	[smem:$0x3FB3] =	sst s7  }
0x10: {  	[smem:$0x3FB4] =	sst s8  }
0x11: {  	[smem:$0x3FB5] =	sst s9;
	s0 =	simm.s32 @!p0 $0x0  }
0x12: {  	s1 =	sld [smem:$0x3F9B];
	s0 =	simm.s32 @p0 $0x1  }
0x13: {  	[smem:$0x3FB6] =	sst s0;
	s0 =	simm.s32 @!p1 $0x0  }
0x14: {  	s2 =	sld [smem:$0x3F9A];
	s0 =	simm.s32 @p1 $0x1  }
0x15: {  	[smem:$0x3FB7] =	sst s0;
	s0 =	simm.s32 @!p2 $0x0  }
0x16: {  	s3 =	sld [smem:$0x3FDB];
	s0 =	simm.s32 @p2 $0x1  }
0x17: {  	s4 =	simm.s32 $0x1BF5;
	[smem:$0x3FB9] =	sst s0  }
0x18: {  	s0 =	sld [smem:$0x3F9C];
	_ =	swait.ge [sflag:s4], $0x0  }
0x19: {  	s7 =	sld [smem:$0x3F9D]  }
0x1a: {  	s8 =	sadd.s32 $0xFFFFE003, lr  }
0x1b: {  	s9 =	sadd.s32 $0xFFFFFEF7, lr;
	s5 =	simm.s32 $0xFFFFFFFF;
	p2 =	slt.u32 s8, $0xFFFFF086  }
0x1c: {  	p1 =	slt.u32 s9, $0xF7A;
	s5 =	simm.s32 @!p2 $0x0  }
0x1d: {  	s5 =	simm.s32 @p1 $0x1;
	p0 =	seq.s32 s7, s2  }
0x1e: {  	s7 =	smul.u32 @!p0 $0xF7A, s2;
	p2 =	seq.s32 @!p0 s5, $0x0  }
0x1f: {  	s9 =	smul.u32 $0xF7A, s1;
	s8 =	simm.s32 @!p0 $0x1BF5;
	p2 =	por !p2, p0  }
0x20: {  	[sflag:s8] =	ssyncset.s32 @!p0 $0xFFFFF086;
	s6 =	sadd.s32 @!p0 s3, s7;
	s7 =	simm.s32 @!p0 $0x108  }
0x21: {  	s3 =	sadd.s32 s3, s9;
	s6 =	sadd.s32 @!p0 $0x88, s6;
	s7 =	simm.s32 @p2 $0x1082  }
0x22: {  	[simem:s7], [sflag:s8] =	dma.local @!p0 [hbm:s6], $0xF7A  }
0x23: {  	s9 =	sor.u32 $0xD0000000, s2;
	s6 =	simm.s32 $0x108;
	_ =	swait.ge @!p0 [sflag:s8], $0x0  }
0x24: {  	s3 =	sadd.s32 $0x88, s3;
	s6 =	simm.s32 @!p1 $0x1082;
	[sflag:s4] =	ssyncset.s32 $0xFFFFF086  }
0x25: {  	[simem:s6], [sflag:s4] =	dma.local [hbm:s3], $0xF7A  }
0x26: {  	[smem:$0x3F9D] =	sst s1;
	(tag) =	ssettag s2;
	_ =	strace s9  }
0x27: {  	s1 =	sld [smem:$0x3FAD]  }
0x28: {  	s2 =	sld [smem:$0x3FAE]  }
0x29: {  	s4 =	sld [smem:$0x3FB0]  }
0x2a: {  	p0 =	seq.s32 s5, $0x0;
	s5 =	sld [smem:$0x3FB1]  }
0x2b: {  	s6 =	sld [smem:$0x3FB2]  }
0x2c: {  	s7 =	sld [smem:$0x3FB3]  }
0x2d: {  	s3 =	simm.s32 $0x108;
	s8 =	sld [smem:$0x3FB4]  }
0x2e: {  	s3 =	simm.s32 @!p0 $0x1082;
	s9 =	sld [smem:$0x3FB5]  }
0x2f: {  	lr =	sadd.s32 s0, s3;
	s0 =	sld [smem:$0x3FAC]  }
0x30: {  	s3 =	sld [smem:$0x3FAF]  }
0x31: {  	[smem:$0x3FB8] =	sst s10  }
0x32: {  	s10 =	sld [smem:$0x3FB6];
	_ =	sdelay $0x3  }
0x33: {  	p0 =	seq.s32 s10, $0x1;
	s10 =	sld [smem:$0x3FB8];
	_ =	sdelay $0x3  }
0x34: {  	[smem:$0x3FB8] =	sst s10  }
0x35: {  	s10 =	sld [smem:$0x3FB7];
	_ =	sdelay $0x3  }
0x36: {  	p1 =	seq.s32 s10, $0x1;
	s10 =	sld [smem:$0x3FB8];
	_ =	sdelay $0x3  }
0x37: {  	[smem:$0x3FB8] =	sst s10  }
0x38: {  	s10 =	sld [smem:$0x3FB9]  }
0x39: {  	_ = 	snop;
	(pc) =	sbr.ind lr, $3  }
0x3a: {  	_ = 	snop  }
0x3b: {  	_ = 	snop  }
0x3c: {  	p2 =	seq.s32 s10, $0x1;
	s10 =	sld [smem:$0x3FB8]  }
0x3d: {  	_ =	shalt  }
0x3e: {  	_ =	shalt  }
0x3f: {  	_ =	shalt  }
0x40: {  	_ =	shalt  }
0x41: {  	_ =	shalt  }
0x42: {  	_ =	shalt  }
0x43: {  	_ =	shalt  }
0x44: {  	_ =	shalt  }
0x45: {  	_ =	shalt  }
0x46: {  	_ =	shalt  }
0x47: {  	_ =	shalt  }
0x48: {  	_ =	shalt  }
0x49: {  	_ =	shalt  }
0x4a: {  	_ =	shalt  }
0x4b: {  	_ =	shalt  }
0x4c: {  	_ =	shalt  }
0x4d: {  	_ =	shalt  }
0x4e: {  	_ =	shalt  }
0x4f: {  	_ =	shalt  }
0x50: {  	_ =	shalt  }
0x51: {  	_ =	shalt  }
0x52: {  	_ =	shalt  }
0x53: {  	_ =	shalt  }
0x54: {  	_ =	shalt  }
0x55: {  	_ =	shalt  }
0x56: {  	_ =	shalt  }
0x57: {  	_ =	shalt  }
0x58: {  	_ =	shalt  }
0x59: {  	_ =	shalt  }
0x5a: {  	_ =	shalt  }
0x5b: {  	_ =	shalt  }
0x5c: {  	_ =	shalt  }
0x5d: {  	_ =	shalt  }
0x5e: {  	_ =	shalt  }
0x5f: {  	_ =	shalt  }
0x60: {  	_ =	shalt  }
0x61: {  	_ =	shalt  }
0x62: {  	_ =	shalt  }
0x63: {  	_ =	shalt  }
0x64: {  	_ =	shalt  }
0x65: {  	_ =	shalt  }
0x66: {  	_ =	shalt  }
0x67: {  	_ =	shalt  }
0x68: {  	_ =	shalt  }
0x69: {  	_ =	shalt  }
0x6a: {  	_ =	shalt  }
0x6b: {  	_ =	shalt  }
0x6c: {  	_ =	shalt  }
0x6d: {  	_ =	shalt  }
0x6e: {  	_ =	shalt  }
0x6f: {  	_ =	shalt  }
0x70: {  	_ =	shalt  }
0x71: {  	_ =	shalt  }
0x72: {  	_ =	shalt  }
0x73: {  	_ =	shalt  }
0x74: {  	_ =	shalt  }
0x75: {  	_ =	shalt  }
0x76: {  	_ =	shalt  }
0x77: {  	_ =	shalt  }
0x78: {  	_ =	shalt  }
0x79: {  	_ =	shalt  }
0x7a: {  	_ =	shalt  }
0x7b: {  	_ =	shalt  }
0x7c: {  	_ =	shalt  }
0x7d: {  	_ =	shalt  }
0x7e: {  	_ =	shalt  }
0x7f: {  	_ =	shalt  }
0x80: {  	_ =	shalt  }
0x81: {  	_ =	shalt  }
0x82: {  	_ =	shalt  }
0x83: {  	_ =	shalt  }
0x84: {  	_ =	shalt  }
0x85: {  	_ =	shalt  }
0x86: {  	_ =	shalt  }
0x87: {  	_ =	shalt  }
.Lfunc_end0:
.L_simem_size_0:
called_computation_lowered:
.L_overlay_start_0:
0x88: {  	s2 =	sld [smem:$0x3FD9]  }
0x89: {  	s3 =	sld [smem:$0x3FFE];
	_ =	sdelay $0x1  }
0x8a: {  	s1 =	srdreg.scid  }
0x8b: {  	s0 =	sand.u32 $0x1, s1  }
0x8c: {  	s17 =	sshll.u32 s0, $0xA;
	s2 =	sadd.s32 s3, s2  }
0x8d: {  	s2 =	sadd.s32 s2, s17  }
0x8e: {  	[smem:$0x3FC4] =	sst s2  }
0x8f: {  	_ = 	snop  }
0x90: {  	s2 =	sld [smem:$0x3FC8];
	(tm) =	ssettm $0x1  }
0x91: {  	s18 =	sld [smem:$0x3FFB];
	_ =	sdelay $0x3  }
0x92: {  	_ =	strace s18  }
0x93: {  	s3 =	sld [smem:$0x3FFC];
	_ =	sdelay $0x3  }
0x94: {  	_ =	strace s3  }
0x95: {  	s3 =	sld [smem:$0x3FFD];
	_ =	sdelay $0x3  }
0x96: {  	_ =	strace s3  }
0x97: {  	_ =	strace $0x8FFFFFFF  }
0x98: {  	s19 =	sld [smem:$0x3FDB];
	_ =	sdelay $0x1  }
0x99: {  	s4 =	simm.s32 $_scs_section_size  }
0x9a: {  	s5 =	simm.s32 $_size__tile_overlayer_lowered;
	s6 =	simm.s32 $_tile_overlayer_lowered  }
0x9b: {  	s22 =	simm.s32 $0x1BFF;
	s21 =	sshll.u32 s6, $0x1;
	s3 =	sadd.s32 s4, s19  }
0x9c: {  	s7 =	simm.s32 $0x0;
	s20 =	sshll.u32 s5, $0x1;
	s5 =	sadd.s32 s21, s3  }
0x9d: {  	[timem:s7], [sflag:s22] =	dma.local [hbm:s5], s20  }
0x9e: {  	_ =	swait.ge [sflag:s22], s20  }
0x9f: {  	s4 =	ssub.s32 $0x0, s20;
	[sflag:s22] =	ssyncset.done $0x0  }
0xa0: {  	[sflag:s22] =	ssyncadd.s32 s4;
	_ =	sdelay $0x1  }
0xa1: {  	s23 =	simm.s32 $0x1B8B  }
0xa2: {  	_ =	swait.ge [sflag:s23], $0x1  }
0xa3: {  	[sflag:s23] =	ssyncset.done $0x0  }
0xa4: {  	s25 =	simm.s32 $0x1B8E;
	s24 =	sld [smem:$0x3FFE];
	[sflag:s23] =	ssyncadd.s32 $0xFFFFFFFF  }
0xa5: {  	s26 =	simm.s32 $execute0_lowered;
	[smem:$0x3FD2] =	sst s25  }
0xa6: {  	s5 =	sshll.u32 s26, $0x1;
	_ =	strace $0x80000046;
	[dreg:$0x1] =	wrdreg $0xFFFFFFFF  }
0xa7: {  	s28 =	simm.s32 $_size_execute0_lowered;
	s3 =	sadd.s32 s3, s5;
	[dreg:$0x0] =	wrdreg $0x0  }
0xa8: {  	s5 =	sshll.u32 s28, $0x1;
	[dreg:$0x2] =	wrdreg s3  }
0xa9: {  	[dreg:$0x3] =	wrdreg s5  }
0xaa: {  	[dreg:$0x4] =	wrdreg $0xC0  }
0xab: {  	_ =	task [dreg:s7], $0x5FFFF  }
0xac: {  	[dreg:$0x1] =	wrdreg $0xFFFFFFFF  }
0xad: {  	[dreg:$0x0] =	wrdreg $0x60  }
0xae: {  	[dreg:$0x2] =	wrdreg s24  }
0xaf: {  	[dreg:$0x3] =	wrdreg s2  }
0xb0: {  	[dreg:$0x4] =	wrdreg $0x9  }
0xb1: {  	_ =	task.clear_ibuf [dreg:s7], $0x5FFFF;
	_ =	strace $0x90000046  }
0xb2: {  	s29 =	simm.s32 $0x9;
	_ =	strace $0x80000048  }
0xb3: {  	_ =	swait.ge [sflag:s29], $0x1  }
0xb4: {  	[sflag:s29] =	ssyncadd.s32 $0xFFFFFFFF  }
0xb5: {  	_ =	strace $0x90000048  }
0xb6: {  	_ =	sfence  }
0xb7: {  	s30 =	sld [smem:$0x0];
	_ =	sdelay $0x2  }
0xb8: {  	s31 =	sshll.u32 s1, $0xD;
	s1 =	sshrl.u32 s1, $0x2  }
0xb9: {  	s3 =	sand.u32 $0x4000, s31;
	s1 =	sadd.s32 s1, s30  }
0xba: {  	s0 =	sor.u32 s3, s0;
	s1 =	sshll.u32 s1, $0x11  }
0xbb: {  	s0 =	sor.u32 s1, s0  }
0xbc: {  	s0 =	sadd.s32 $0x8F2B, s0  }
0xbd: {  	[sflag:s0] =	ssyncadd.remote.s32 $0x1  }
0xbe: {  	_ =	sfence.sel $0xFFFF  }
0xbf: {  	[dreg:$0x0] =	wrdreg $0xFFFFFFFF;
	(pc) =	sbr.abs _section_cstart, $3  }
0xc0: {  	[dreg:$0x1] =	wrdreg $0xFFFFFFFF  }
0xc1: {  	_ =	task.clear_ibuf [dreg:s7], $0x2FFFF;
	_ =	strace $0x9FFFFFFF  }
0xc2: {  	(tm) =	ssettm $0x7FFFFFFF  }
0xc3: {  	_ =	shalt  }
tec
execute0_lowered:
.L_overlay_start_1:
0x0: {  	(tag) =	ssettag $0x1  }
0x1: {  	s0 =	rddreg [dreg:$0x0];
	s2 =	simm.s32 $0x0  }
0x2: {  	[smem:$0x7FF] =	sst s2  }
0x3: {  	s1 =	rddreg [dreg:$0x1];
	v0 =	vimm.f32 $1.000000000e+00;
	_ =	strace $0x80000047  }
0x4: {  	(xrf0) =	vmax.scan.msk.f32 $0xffff, v0;
	_ =	sdelay $0x5  }
0x5: {  	v1, _, _ =	vpop (xrf0)  }
0x6: {  	(v2sf) =	vpush v1, $0xF  }
0x7: {  	s3 =	srdreg.scid;
	s4 =	stileid.u32  }
0x8: {  	s13 =	simm.s32 $0x80;
	s14 =	simm.s32 $0x400;
	s15 =	simm.s32 $0x3  }
0x9: {  	s16 =	simm.s32 $0x2780;
	s17 =	simm.s32 $0x4F00;
	s18 =	simm.s32 $0x7680  }
0xa: {  	s20 =	simm.s32 $0x1E400;
	s28 =	simm.s32 $0x16380;
	s29 =	simm.s32 $0x18B00  }
0xb: {  	s30 =	simm.s32 $0x1B280;
	s3 =	sand.u32 $0x1, s3;
	s4 =	smul.u32 $0x13C00, s4  }
0xc: {  	s31 =	simm.s32 $0x2;
	s5 =	ssub.s32 $0x2, s3;
	s3 =	sshll.u32 s3, $0x9  }
0xd: {  	s6 =	sadd.s32 $0xE00, s0;
	s7 =	sshrl.u32 s5, $0x1;
	s3 =	sor.u32 s3, s4  }
0xe: {  	s0 =	sadd.s32 $0x28600, s0;
	s21 =	ssub.s32 s5, s7;
	s3 =	sshrl.u32 s3, $0x3  }
0xf: {  	s22 =	sadd.s32 s6, s3;
	s23 =	sor.u32 $0x10, s3;
	s10 =	sor.u32 $0x20, s3  }
0x10: {  	s11 =	sor.u32 $0x30, s3;
	s8 =	sadd.s32 s0, s3;
	s12 =	smax.u32 s21, $0x1  }
0x11: {  	s21 =	simm.s32 $0x1;
	[dreg:$0x3] =	wrdreg s22;
	s24 =	sadd.s32 s6, s23  }
0x12: {  	s25 =	sadd.s32 s6, s10;
	s7 =	sadd.s32 s6, s11;
	s9 =	sadd.s32 s0, s23  }
0x13: {  	s10 =	sadd.s32 s0, s10;
	s11 =	sadd.s32 s0, s11;
	s22 =	simm.s32 $0x9E00  }
0x14: {  	s23 =	simm.s32 $0xC580;
	s0 =	simm.s32 $0x0;
	[dreg:$0x4] =	wrdreg s24  }
0x15: {  	[dreg:$0x5] =	wrdreg s25;
	s24 =	simm.s32 $0xED00;
	s26 =	spop (v2sf)  }
0x16: {  	vm0 =	vmmov $0xffff;
	v2 =	vimm.f32 $0.0e+00;
	s25 =	simm.s32 $0x11480;
	v1 =	vimm.f32 $-Inf;
	p0 =	sgt.f32 s26, $0.0e+00;
	s26 =	simm.s32 $0x13C00  }
.LBB2_1:
0x17: {  	s3 =	rddreg [dreg:$0x3]  }
0x18: {  	[tilespmem:s2], [sflag:$0x3] =	stream.strided.gather [hbm4b:s3+s13], $0x2780, s14, s13, $0x38;
	[tilespmem:$0x1EE00] =	vst v63  }
0x19: {  	_ =	swait.ge [sflag:s15], $0x2780  }
0x1a: {  	[sflag:s15] =	ssyncset.done $0x0  }
0x1b: {  	s6 =	rddreg [dreg:$0x4];
	[sflag:s15] =	ssyncadd.s32 $0xFFFFD880  }
0x1c: {  	[tilespmem:s16], [sflag:$0x3] =	stream.strided.gather [hbm4b:s6+s13], $0x2780, s14, s13, $0x38;
	[tilespmem:$0x1EE00] =	vst v63  }
0x1d: {  	_ =	swait.ge [sflag:s15], $0x2780  }
0x1e: {  	[sflag:s15] =	ssyncset.done $0x0  }
0x1f: {  	s19 =	rddreg [dreg:$0x5];
	[sflag:s15] =	ssyncadd.s32 $0xFFFFD880  }
0x20: {  	[tilespmem:s17], [sflag:$0x3] =	stream.strided.gather [hbm4b:s19+s13], $0x2780, s14, s13, $0x38;
	[tilespmem:$0x1EE00] =	vst v63  }
0x21: {  	_ =	swait.ge [sflag:s15], $0x2780  }
0x22: {  	[sflag:s15] =	ssyncset.done $0x0  }
0x23: {  	[sflag:s15] =	ssyncadd.s32 $0xFFFFD880  }
0x24: {  	[tilespmem:s18], [sflag:$0x3] =	stream.strided.gather [hbm4b:s7+s13], $0x2780, s14, s13, $0x38;
	[tilespmem:$0x1EE00] =	vst v63  }
0x25: {  	_ =	swait.ge [sflag:s15], $0x2780  }
0x26: {  	[sflag:s15] =	ssyncset.done $0x0  }
0x27: {  	s4 =	simm.s32 $0x40;
	s3 =	simm.s32 $0x0;
	[sflag:s15] =	ssyncadd.s32 $0xFFFFD880  }
.LBB2_2:
0x28: {  	p1 =	sne.s32 s4, $0x9C00;
	[tilespmem:s3+$0x1B280] =	vst v1  }
0x29: {  	[tilespmem:s3+$0x9E00] =	vst v1  }
0x2a: {  	[tilespmem:s3+$0xC580] =	vst v1  }
.Ltmp0:
0x2b: {  	[tilespmem:s3+$0xED00] =	vst v1;
	(pc) =	sbr.rel @p1 .LBB2_2-.Ltmp0, $4  }
0x2c: {  	[tilespmem:s3+$0x11480] =	vst v1  }
0x2d: {  	[tilespmem:s3+$0x13C00] =	vst v1  }
0x2e: {  	[tilespmem:s3+$0x16380] =	vst v1  }
0x2f: {  	[tilespmem:s3+$0x18B00] =	vst v1;
	s3 =	sshra.s32 s4, $0x2;
	s4 =	sadd.s32 $0x40, s4  }
0x30: {  	[tilespmem:s3+$0x1B280] =	vst v1  }
0x31: {  	[tilespmem:s3+$0x9E00] =	vst v1  }
0x32: {  	[tilespmem:s3+$0xC580] =	vst v1  }
0x33: {  	[tilespmem:s3+$0xED00] =	vst v1  }
.Ltmp1:
0x34: {  	[tilespmem:s3+$0x11480] =	vst v1;
	(pc) =	sbr.rel .LBB2_4-.Ltmp1, $4  }
0x35: {  	[tilespmem:s3+$0x13C00] =	vst v1  }
0x36: {  	[tilespmem:s3+$0x16380] =	vst v1  }
0x37: {  	[tilespmem:s3+$0x18B00] =	vst v1;
	s3 =	simm.s32 $0x0;
	s4 =	simm.s32 $0x1DA00;
	s19 =	simm.s32 $0x0  }
0x38: {  	[tilespmem:s4], [sflag:$0x1] =	stream.linear.gather [hbm4b:s1+s3], $0xA00, $0x38;
	[tilespmem:$0x1EE00] =	vst v63  }
.LBB2_28:
0x39: {  	s19 =	sadd.s32 $0x1, s19  }
0x3a: {  	p1 =	sne.s32 s19, $0x7D  }
.Ltmp2:
0x3b: {  	_ = 	snop;
	(pc) =	sbr.rel @!p1 .LBB2_29-.Ltmp2, $1  }
0x3c: {  	_ =	sdelay $0x3  }
.LBB2_4:
0x3d: {  	s4 =	smul.u32 $0x1400, s19;
	_ =	sdelay $0x1  }
0x3e: {  	s5 =	sshrl.u32 s4, $0x3  }
0x3f: {  	s5 =	sadd.s32 s1, s5  }
.Ltmp3:
0x40: {  	s5 =	sadd.s32 $0x140, s5;
	(pc) =	sbr.rel .LBB2_5-.Ltmp3, $4  }
0x41: {  	[tilespmem:s20], [sflag:$0x2] =	stream.linear.gather [hbm4b:s5+s3], $0xA00, $0x38;
	[tilespmem:$0x1EE00] =	vst v63  }
0x42: {  	_ =	swait.ge [sflag:s21], $0xA00  }
0x43: {  	[sflag:s21] =	ssyncset.done $0x0  }
0x44: {  	s5 =	simm.s32 $0x0;
	[sflag:s21] =	ssyncadd.s32 $0xFFFFF600  }
.LBB2_14:
0x45: {  	_ =	sdelay $0x3  }
0x46: {  	v43 =	vld.idx.msk [tilespmem:v33+s22+$0x0], $0xffff  }
0x47: {  	v44 =	vld.idx.msk [tilespmem:v33+s23+$0x0], $0xffff  }
0x48: {  	v46 =	vld.idx.msk [tilespmem:v34+s26+$0x0], $0xffff  }
0x49: {  	v45 =	vld.idx.msk [tilespmem:v33+s24+$0x0], $0xffff  }
0x4a: {  	v48 =	vld.idx.msk [tilespmem:v34+s28+$0x0], $0xffff  }
0x4b: {  	v47 =	vld.idx.msk [tilespmem:v33+s25+$0x0], $0xffff  }
0x4c: {  	v49 =	vld.idx.msk [tilespmem:v34+s29+$0x0], $0xffff;
	v38 =	vmax.f32 v43, v38  }
0x4d: {  	v50 =	vld.idx.msk [tilespmem:v34+s30+$0x0], $0xffff;
	v41 =	vmax.f32 v46, v41;
	[tilespmem:v33+s22+$0x0] =	vst.idx.msk $0xffff, v38  }
0x4e: {  	v36 =	vmax.f32 v44, v36;
	[tilespmem:v34+s26+$0x0] =	vst.idx.msk $0xffff, v41  }
0x4f: {  	v44 =	vmax.f32 v48, v39;
	[tilespmem:v33+s23+$0x0] =	vst.idx.msk $0xffff, v36  }
0x50: {  	v45 =	vmax.f32 v45, v37;
	[tilespmem:v34+s28+$0x0] =	vst.idx.msk $0xffff, v44  }
0x51: {  	v46 =	vmax.f32 v49, v42;
	[tilespmem:v33+s24+$0x0] =	vst.idx.msk $0xffff, v45  }
0x52: {  	v35 =	vmax.f32 v47, v35;
	[tilespmem:v34+s29+$0x0] =	vst.idx.msk $0xffff, v46  }
0x53: {  	v47 =	vmax.f32 v50, v40;
	[tilespmem:v33+s25+$0x0] =	vst.idx.msk $0xffff, v35  }
0x54: {  	[tilespmem:v34+s30+$0x0] =	vst.idx.msk $0xffff, v47  }
0x55: {  	v33 =	vld.idx.msk [tilespmem:v23+s22+$0x0], $0xffff  }
0x56: {  	v34 =	vld.idx.msk [tilespmem:v23+s23+$0x0], $0xffff  }
0x57: {  	v36 =	vld.idx.msk [tilespmem:v24+s26+$0x0], $0xffff  }
0x58: {  	v35 =	vld.idx.msk [tilespmem:v23+s24+$0x0], $0xffff  }
0x59: {  	v38 =	vld.idx.msk [tilespmem:v24+s28+$0x0], $0xffff  }
0x5a: {  	v37 =	vld.idx.msk [tilespmem:v23+s25+$0x0], $0xffff  }
0x5b: {  	v48 =	vld.idx.msk [tilespmem:v24+s29+$0x0], $0xffff;
	v28 =	vmax.f32 v33, v28  }
0x5c: {  	v49 =	vld.idx.msk [tilespmem:v24+s30+$0x0], $0xffff;
	v32 =	vmax.f32 v36, v32;
	[tilespmem:v23+s22+$0x0] =	vst.idx.msk $0xffff, v28  }
0x5d: {  	v26 =	vmax.f32 v34, v26;
	[tilespmem:v24+s26+$0x0] =	vst.idx.msk $0xffff, v32  }
0x5e: {  	v50 =	vmax.f32 v38, v31;
	[tilespmem:v23+s23+$0x0] =	vst.idx.msk $0xffff, v26  }
0x5f: {  	v51 =	vmax.f32 v35, v27;
	[tilespmem:v24+s28+$0x0] =	vst.idx.msk $0xffff, v50  }
0x60: {  	v52 =	vmax.f32 v48, v30;
	[tilespmem:v23+s24+$0x0] =	vst.idx.msk $0xffff, v51  }
0x61: {  	v25 =	vmax.f32 v37, v25;
	[tilespmem:v24+s29+$0x0] =	vst.idx.msk $0xffff, v52  }
0x62: {  	v53 =	vmax.f32 v49, v29;
	[tilespmem:v23+s25+$0x0] =	vst.idx.msk $0xffff, v25  }
0x63: {  	[tilespmem:v24+s30+$0x0] =	vst.idx.msk $0xffff, v53  }
0x64: {  	v23 =	vld.idx.msk [tilespmem:v13+s22+$0x0], $0xffff  }
0x65: {  	v24 =	vld.idx.msk [tilespmem:v13+s23+$0x0], $0xffff  }
0x66: {  	v26 =	vld.idx.msk [tilespmem:v14+s26+$0x0], $0xffff  }
0x67: {  	v25 =	vld.idx.msk [tilespmem:v13+s24+$0x0], $0xffff  }
0x68: {  	v28 =	vld.idx.msk [tilespmem:v14+s28+$0x0], $0xffff  }
0x69: {  	v27 =	vld.idx.msk [tilespmem:v13+s25+$0x0], $0xffff  }
0x6a: {  	v54 =	vld.idx.msk [tilespmem:v14+s29+$0x0], $0xffff;
	v20 =	vmax.f32 v23, v20  }
0x6b: {  	v55 =	vld.idx.msk [tilespmem:v14+s30+$0x0], $0xffff;
	v22 =	vmax.f32 v26, v22;
	[tilespmem:v13+s22+$0x0] =	vst.idx.msk $0xffff, v20  }
0x6c: {  	v18 =	vmax.f32 v24, v18;
	[tilespmem:v14+s26+$0x0] =	vst.idx.msk $0xffff, v22  }
0x6d: {  	v56 =	vmax.f32 v28, v21;
	[tilespmem:v13+s23+$0x0] =	vst.idx.msk $0xffff, v18  }
0x6e: {  	v16 =	vmax.f32 v25, v16;
	[tilespmem:v14+s28+$0x0] =	vst.idx.msk $0xffff, v56  }
0x6f: {  	v57 =	vmax.f32 v54, v19;
	[tilespmem:v13+s24+$0x0] =	vst.idx.msk $0xffff, v16  }
0x70: {  	v15 =	vmax.f32 v27, v15;
	[tilespmem:v14+s29+$0x0] =	vst.idx.msk $0xffff, v57  }
0x71: {  	v58 =	vmax.f32 v55, v17;
	[tilespmem:v13+s25+$0x0] =	vst.idx.msk $0xffff, v15  }
0x72: {  	[tilespmem:v14+s30+$0x0] =	vst.idx.msk $0xffff, v58  }
0x73: {  	v13 =	vld.idx.msk [tilespmem:v3+s22+$0x0], $0xffff  }
0x74: {  	v14 =	vld.idx.msk [tilespmem:v3+s23+$0x0], $0xffff  }
0x75: {  	v16 =	vld.idx.msk [tilespmem:v4+s26+$0x0], $0xffff  }
0x76: {  	v15 =	vld.idx.msk [tilespmem:v3+s24+$0x0], $0xffff  }
0x77: {  	v18 =	vld.idx.msk [tilespmem:v4+s28+$0x0], $0xffff  }
0x78: {  	v59 =	vld.idx.msk [tilespmem:v3+s25+$0x0], $0xffff  }
0x79: {  	v60 =	vld.idx.msk [tilespmem:v4+s29+$0x0], $0xffff;
	v10 =	vmax.f32 v13, v10  }
0x7a: {  	v20 =	vld.idx.msk [tilespmem:v4+s30+$0x0], $0xffff;
	v12 =	vmax.f32 v16, v12;
	[tilespmem:v3+s22+$0x0] =	vst.idx.msk $0xffff, v10  }
0x7b: {  	v8 =	vmax.f32 v14, v8;
	[tilespmem:v4+s26+$0x0] =	vst.idx.msk $0xffff, v12  }
0x7c: {  	v61 =	vmax.f32 v18, v11;
	[tilespmem:v3+s23+$0x0] =	vst.idx.msk $0xffff, v8  }
0x7d: {  	v6 =	vmax.f32 v15, v6;
	[tilespmem:v4+s28+$0x0] =	vst.idx.msk $0xffff, v61  }
0x7e: {  	v62 =	vmax.f32 v60, v9;
	[tilespmem:v3+s24+$0x0] =	vst.idx.msk $0xffff, v6  }
0x7f: {  	v5 =	vmax.f32 v59, v5;
	[tilespmem:v4+s29+$0x0] =	vst.idx.msk $0xffff, v62  }
0x80: {  	v63 =	vmax.f32 v20, v7;
	[tilespmem:v3+s25+$0x0] =	vst.idx.msk $0xffff, v5  }
0x81: {  	[tilespmem:v4+s30+$0x0] =	vst.idx.msk $0xffff, v63  }
.LBB2_15:
0x82: {  	s5 =	sadd.s32 $0x1, s5  }
0x83: {  	p1 =	sne.s32 s5, $0xA  }
.Ltmp4:
0x84: {  	_ = 	snop;
	(pc) =	sbr.rel @!p1 .LBB2_16-.Ltmp4, $1  }
0x85: {  	_ =	sdelay $0x3  }
.LBB2_5:
0x86: {  	s6 =	sshll.u32 s5, $0x8  }
0x87: {  	s6 =	sand.u32 $0x3FFFFF00, s6  }
0x88: {  	v33 =	vld [tilespmem:s6+$0x1DA80]  }
0x89: {  	v34 =	vld [tilespmem:s6+$0x1DA90]  }
0x8a: {  	v23 =	vld [tilespmem:s6+$0x1DAA0]  }
0x8b: {  	v24 =	vld [tilespmem:s6+$0x1DAB0]  }
0x8c: {  	v13 =	vld [tilespmem:s6+$0x1DAC0]  }
0x8d: {  	v14 =	vld [tilespmem:s6+$0x1DAD0];
	(xrf1) =	vunique.msk.u32 $0xffff, v33  }
0x8e: {  	v3 =	vld [tilespmem:s6+$0x1DAE0];
	(xrf1) =	vunique.msk.u32 $0xffff, v34  }
0x8f: {  	v4 =	vld [tilespmem:s6+$0x1DAF0];
	(xrf1) =	vunique.msk.u32 $0xffff, v23  }
0x90: {  	(xrf1) =	vunique.msk.u32 $0xffff, v24  }
0x91: {  	(xrf1) =	vunique.msk.u32 $0xffff, v13  }
0x92: {  	v5 =	vld [tilespmem:s6+$0x1DA00];
	(xrf1) =	vunique.msk.u32 $0xffff, v14  }
0x93: {  	(xrf1) =	vunique.msk.u32 $0xffff, v3  }
0x94: {  	(xrf1) =	vunique.msk.u32 $0xffff, v4;
	_ =	sdelay $0x1  }
0x95: {  	v6 =	vld [tilespmem:s6+$0x1DA10];
	_ =	sdelay $0x3  }
0x96: {  	v38 =	vld.idx.msk [tilespmem:v5+s2+$0x0], $0xffff  }
0x97: {  	v36 =	vld.idx.msk [tilespmem:v5+s16+$0x0], $0xffff;
	_, v7, vm1 =	vpop (xrf1)  }
0x98: {  	v37 =	vld.idx.msk [tilespmem:v5+s17+$0x0], $0xffff;
	_, v8, vm2 =	vpop (xrf1)  }
0x99: {  	v35 =	vld.idx.msk [tilespmem:v5+s18+$0x0], $0xffff;
	_, v8, vm3 =	vpop (xrf1);
	vm1 =	vmand vm1, vm2  }
0x9a: {  	v41 =	vld.idx.msk [tilespmem:v6+s2+$0x0], $0xffff;
	_, v5, vm2 =	vpop (xrf1);
	vm1 =	vmand vm1, vm3  }
0x9b: {  	v7 =	vld [tilespmem:s6+$0x1DA20];
	_, v5, vm3 =	vpop (xrf1);
	vm1 =	vmand vm1, vm2  }
0x9c: {  	v39 =	vld.idx.msk [tilespmem:v6+s16+$0x0], $0xffff;
	_, v5, vm2 =	vpop (xrf1);
	vm1 =	vmand vm1, vm3  }
0x9d: {  	v42 =	vld.idx.msk [tilespmem:v6+s17+$0x0], $0xffff;
	_, v8, vm3 =	vpop (xrf1);
	vm1 =	vmand vm1, vm2  }
0x9e: {  	v40 =	vld.idx.msk [tilespmem:v6+s18+$0x0], $0xffff;
	_, v6, vm2 =	vpop (xrf1);
	vm1 =	vmand vm1, vm3  }
0x9f: {  	vm1 =	vmand vm1, vm2  }
0xa0: {  	v5 =	vld [tilespmem:s6+$0x1DA30];
	v6 =	vsel vm1, $0x0, v0  }
0xa1: {  	(xrf0) =	vmax.scan.msk.f32 $0xffff, v6  }
0xa2: {  	v8 =	vld [tilespmem:s6+$0x1DA40]  }
0xa3: {  	v28 =	vld.idx.msk [tilespmem:v7+s2+$0x0], $0xffff  }
0xa4: {  	v26 =	vld.idx.msk [tilespmem:v7+s16+$0x0], $0xffff  }
0xa5: {  	v27 =	vld.idx.msk [tilespmem:v7+s17+$0x0], $0xffff  }
0xa6: {  	v25 =	vld.idx.msk [tilespmem:v7+s18+$0x0], $0xffff  }
0xa7: {  	v6 =	vld [tilespmem:s6+$0x1DA50];
	v7, _, _ =	vpop (xrf0)  }
0xa8: {  	v32 =	vld.idx.msk [tilespmem:v5+s2+$0x0], $0xffff;
	(v2sf) =	vpush v7, $0xF  }
0xa9: {  	v31 =	vld.idx.msk [tilespmem:v5+s16+$0x0], $0xffff  }
0xaa: {  	v30 =	vld.idx.msk [tilespmem:v5+s17+$0x0], $0xffff  }
0xab: {  	v29 =	vld.idx.msk [tilespmem:v5+s18+$0x0], $0xffff  }
0xac: {  	v5 =	vld [tilespmem:s6+$0x1DA60]  }
0xad: {  	v20 =	vld.idx.msk [tilespmem:v8+s2+$0x0], $0xffff  }
0xae: {  	v18 =	vld.idx.msk [tilespmem:v8+s16+$0x0], $0xffff  }
0xaf: {  	v16 =	vld.idx.msk [tilespmem:v8+s17+$0x0], $0xffff  }
0xb0: {  	v15 =	vld.idx.msk [tilespmem:v8+s18+$0x0], $0xffff  }
0xb1: {  	v7 =	vld [tilespmem:s6+$0x1DA70]  }
0xb2: {  	v22 =	vld.idx.msk [tilespmem:v6+s2+$0x0], $0xffff  }
0xb3: {  	v21 =	vld.idx.msk [tilespmem:v6+s16+$0x0], $0xffff  }
0xb4: {  	v19 =	vld.idx.msk [tilespmem:v6+s17+$0x0], $0xffff  }
0xb5: {  	v17 =	vld.idx.msk [tilespmem:v6+s18+$0x0], $0xffff  }
0xb6: {  	v10 =	vld.idx.msk [tilespmem:v5+s2+$0x0], $0xffff  }
0xb7: {  	v8 =	vld.idx.msk [tilespmem:v5+s16+$0x0], $0xffff;
	s6 =	spop (v2sf)  }
0xb8: {  	v6 =	vld.idx.msk [tilespmem:v5+s17+$0x0], $0xffff;
	p1 =	sgt.f32 s6, $0.0e+00  }
.Ltmp5:
0xb9: {  	v5 =	vld.idx.msk [tilespmem:v5+s18+$0x0], $0xffff;
	(pc) =	sbr.rel @!p1 .LBB2_14-.Ltmp5, $4  }
0xba: {  	v12 =	vld.idx.msk [tilespmem:v7+s2+$0x0], $0xffff  }
0xbb: {  	v11 =	vld.idx.msk [tilespmem:v7+s16+$0x0], $0xffff  }
0xbc: {  	v9 =	vld.idx.msk [tilespmem:v7+s17+$0x0], $0xffff  }
0xbd: {  	v7 =	vld.idx.msk [tilespmem:v7+s18+$0x0], $0xffff  }
.Ltmp6:
0xbe: {  	(pc) =	sbr.rel @!p0 .LBB2_15-.Ltmp6, $4  }
0xbf: {  	_ = 	snop  }
0xc0: {  	vm1 =	vmmov vm0;
	vm2 =	vmmov vm0  }
0xc1: {  	vm3 =	vmmov vm0;
	vm4 =	vmmov vm0;
	vm5 =	vmmov vm0  }
0xc2: {  	vm6 =	vmmov vm0;
	vm7 =	vmmov vm0;
	vm8 =	vmmov vm0  }
.LBB2_7:
0xc3: {  	v43 =	vld.idx.msk [tilespmem:v33+s22+$0x0], $0xffff  }
0xc4: {  	v44 =	vld.idx.msk [tilespmem:v33+s23+$0x0], $0xffff  }
0xc5: {  	v46 =	vld.idx.msk [tilespmem:v34+s26+$0x0], $0xffff  }
0xc6: {  	v45 =	vld.idx.msk [tilespmem:v33+s24+$0x0], $0xffff  }
0xc7: {  	v48 =	vld.idx.msk [tilespmem:v34+s28+$0x0], $0xffff  }
0xc8: {  	v47 =	vld.idx.msk [tilespmem:v33+s25+$0x0], $0xffff  }
0xc9: {  	v49 =	vld.idx.msk [tilespmem:v34+s29+$0x0], $0xffff;
	v43 =	vmax.f32 v43, v38  }
0xca: {  	v50 =	vld.idx.msk [tilespmem:v34+s30+$0x0], $0xffff;
	v46 =	vmax.f32 v46, v41;
	[tilespmem:v33+s22+$0x0] =	vst.idx.msk vm8, v43  }
0xcb: {  	v52 =	vmax.f32 v44, v36;
	[tilespmem:v34+s26+$0x0] =	vst.idx.msk vm4, v46  }
0xcc: {  	v53 =	vmax.f32 v48, v39;
	[tilespmem:v33+s23+$0x0] =	vst.idx.msk vm7, v52  }
0xcd: {  	v54 =	vmax.f32 v45, v37;
	[tilespmem:v34+s28+$0x0] =	vst.idx.msk vm3, v53  }
0xce: {  	v55 =	vmax.f32 v49, v42;
	[tilespmem:v33+s24+$0x0] =	vst.idx.msk vm6, v54  }
0xcf: {  	v56 =	vmax.f32 v47, v35;
	[tilespmem:v34+s29+$0x0] =	vst.idx.msk vm2, v55  }
0xd0: {  	v57 =	vmax.f32 v50, v40;
	[tilespmem:v33+s25+$0x0] =	vst.idx.msk vm5, v56  }
0xd1: {  	[tilespmem:v34+s30+$0x0] =	vst.idx.msk vm1, v57  }
0xd2: {  	v43 =	vld.idx.msk [tilespmem:v33+s22+$0x0], $0xffff  }
0xd3: {  	v44 =	vld.idx.msk [tilespmem:v33+s23+$0x0], $0xffff  }
0xd4: {  	v58 =	vld.idx.msk [tilespmem:v33+s24+$0x0], $0xffff  }
0xd5: {  	v46 =	vld.idx.msk [tilespmem:v33+s25+$0x0], $0xffff  }
0xd6: {  	v59 =	vld.idx.msk [tilespmem:v34+s26+$0x0], $0xffff  }
0xd7: {  	v60 =	vld.idx.msk [tilespmem:v34+s28+$0x0], $0xffff  }
0xd8: {  	v61 =	vld.idx.msk [tilespmem:v34+s29+$0x0], $0xffff;
	vm9 =	vlt.f32 v43, v38;
	vm10 =	vlt.f32 v44, v36  }
0xd9: {  	v62 =	vld.idx.msk [tilespmem:v34+s30+$0x0], $0xffff;
	vm8 =	vmand vm8, vm9;
	vm7 =	vmand vm7, vm10;
	vm9 =	vlt.f32 v58, v37  }
0xda: {  	vm6 =	vmand vm6, vm9;
	vm9 =	vlt.f32 v46, v35;
	vm10 =	vmor vm8, vm7  }
0xdb: {  	vm5 =	vmand vm5, vm9;
	vm9 =	vlt.f32 v59, v41;
	vm10 =	vmor vm10, vm6  }
0xdc: {  	vm4 =	vmand vm4, vm9;
	vm9 =	vlt.f32 v60, v39;
	vm10 =	vmor vm10, vm5  }
0xdd: {  	vm3 =	vmand vm3, vm9;
	vm9 =	vlt.f32 v61, v42;
	vm10 =	vmor vm10, vm4  }
0xde: {  	vm2 =	vmand vm2, vm9;
	vm9 =	vlt.f32 v62, v40;
	vm10 =	vmor vm10, vm3  }
0xdf: {  	vm1 =	vmand vm1, vm9;
	vm9 =	vmor vm10, vm2  }
0xe0: {  	vm9 =	vmor vm9, vm1  }
0xe1: {  	v63 =	vsel vm9, $0x3F800000, v2  }
0xe2: {  	(xrf0) =	vmax.scan.msk.f32 $0xffff, v63;
	_ =	sdelay $0x5  }
0xe3: {  	v43, _, _ =	vpop (xrf0)  }
0xe4: {  	(v2sf) =	vpush v43, $0xF;
	_ =	sdelay $0xe  }
0xe5: {  	s6 =	spop (v2sf)  }
0xe6: {  	p1 =	sgt.f32 s6, $0.0e+00  }
.Ltmp7:
0xe7: {  	_ = 	snop;
	(pc) =	sbr.rel @p1 .LBB2_7-.Ltmp7, $1  }
0xe8: {  	_ =	sdelay $0x3  }
0xe9: {  	vm1 =	vmmov vm0;
	vm2 =	vmmov vm0  }
0xea: {  	vm3 =	vmmov vm0;
	vm4 =	vmmov vm0;
	vm5 =	vmmov vm0  }
0xeb: {  	vm6 =	vmmov vm0;
	vm7 =	vmmov vm0;
	vm8 =	vmmov vm0  }
.LBB2_9:
0xec: {  	v33 =	vld.idx.msk [tilespmem:v23+s22+$0x0], $0xffff  }
0xed: {  	v34 =	vld.idx.msk [tilespmem:v23+s23+$0x0], $0xffff  }
0xee: {  	v36 =	vld.idx.msk [tilespmem:v24+s26+$0x0], $0xffff  }
0xef: {  	v35 =	vld.idx.msk [tilespmem:v23+s24+$0x0], $0xffff  }
0xf0: {  	v38 =	vld.idx.msk [tilespmem:v24+s28+$0x0], $0xffff  }
0xf1: {  	v37 =	vld.idx.msk [tilespmem:v23+s25+$0x0], $0xffff  }
0xf2: {  	v39 =	vld.idx.msk [tilespmem:v24+s29+$0x0], $0xffff;
	v33 =	vmax.f32 v33, v28  }
0xf3: {  	v40 =	vld.idx.msk [tilespmem:v24+s30+$0x0], $0xffff;
	v36 =	vmax.f32 v36, v32;
	[tilespmem:v23+s22+$0x0] =	vst.idx.msk vm8, v33  }
0xf4: {  	v52 =	vmax.f32 v34, v26;
	[tilespmem:v24+s26+$0x0] =	vst.idx.msk vm4, v36  }
0xf5: {  	v53 =	vmax.f32 v38, v31;
	[tilespmem:v23+s23+$0x0] =	vst.idx.msk vm7, v52  }
0xf6: {  	v54 =	vmax.f32 v35, v27;
	[tilespmem:v24+s28+$0x0] =	vst.idx.msk vm3, v53  }
0xf7: {  	v55 =	vmax.f32 v39, v30;
	[tilespmem:v23+s24+$0x0] =	vst.idx.msk vm6, v54  }
0xf8: {  	v56 =	vmax.f32 v37, v25;
	[tilespmem:v24+s29+$0x0] =	vst.idx.msk vm2, v55  }
0xf9: {  	v57 =	vmax.f32 v40, v29;
	[tilespmem:v23+s25+$0x0] =	vst.idx.msk vm5, v56  }
0xfa: {  	[tilespmem:v24+s30+$0x0] =	vst.idx.msk vm1, v57  }
0xfb: {  	v33 =	vld.idx.msk [tilespmem:v23+s22+$0x0], $0xffff  }
0xfc: {  	v34 =	vld.idx.msk [tilespmem:v23+s23+$0x0], $0xffff  }
0xfd: {  	v58 =	vld.idx.msk [tilespmem:v23+s24+$0x0], $0xffff  }
0xfe: {  	v36 =	vld.idx.msk [tilespmem:v23+s25+$0x0], $0xffff  }
0xff: {  	v59 =	vld.idx.msk [tilespmem:v24+s26+$0x0], $0xffff  }
0x100: {  	v60 =	vld.idx.msk [tilespmem:v24+s28+$0x0], $0xffff  }
0x101: {  	v61 =	vld.idx.msk [tilespmem:v24+s29+$0x0], $0xffff;
	vm9 =	vlt.f32 v33, v28;
	vm10 =	vlt.f32 v34, v26  }
0x102: {  	v62 =	vld.idx.msk [tilespmem:v24+s30+$0x0], $0xffff;
	vm8 =	vmand vm8, vm9;
	vm7 =	vmand vm7, vm10;
	vm9 =	vlt.f32 v58, v27  }
0x103: {  	vm6 =	vmand vm6, vm9;
	vm9 =	vlt.f32 v36, v25;
	vm10 =	vmor vm8, vm7  }
0x104: {  	vm5 =	vmand vm5, vm9;
	vm9 =	vlt.f32 v59, v32;
	vm10 =	vmor vm10, vm6  }
0x105: {  	vm4 =	vmand vm4, vm9;
	vm9 =	vlt.f32 v60, v31;
	vm10 =	vmor vm10, vm5  }
0x106: {  	vm3 =	vmand vm3, vm9;
	vm9 =	vlt.f32 v61, v30;
	vm10 =	vmor vm10, vm4  }
0x107: {  	vm2 =	vmand vm2, vm9;
	vm9 =	vlt.f32 v62, v29;
	vm10 =	vmor vm10, vm3  }
0x108: {  	vm1 =	vmand vm1, vm9;
	vm9 =	vmor vm10, vm2  }
0x109: {  	vm9 =	vmor vm9, vm1  }
0x10a: {  	v63 =	vsel vm9, $0x3F800000, v2  }
0x10b: {  	(xrf0) =	vmax.scan.msk.f32 $0xffff, v63;
	_ =	sdelay $0x5  }
0x10c: {  	v33, _, _ =	vpop (xrf0)  }
0x10d: {  	(v2sf) =	vpush v33, $0xF;
	_ =	sdelay $0xe  }
0x10e: {  	s6 =	spop (v2sf)  }
0x10f: {  	p1 =	sgt.f32 s6, $0.0e+00  }
.Ltmp8:
0x110: {  	_ = 	snop;
	(pc) =	sbr.rel @p1 .LBB2_9-.Ltmp8, $1  }
0x111: {  	_ =	sdelay $0x3  }
0x112: {  	vm1 =	vmmov vm0;
	vm2 =	vmmov vm0  }
0x113: {  	vm3 =	vmmov vm0;
	vm4 =	vmmov vm0;
	vm5 =	vmmov vm0  }
0x114: {  	vm6 =	vmmov vm0;
	vm7 =	vmmov vm0;
	vm8 =	vmmov vm0  }
.LBB2_11:
0x115: {  	v23 =	vld.idx.msk [tilespmem:v13+s22+$0x0], $0xffff  }
0x116: {  	v24 =	vld.idx.msk [tilespmem:v13+s23+$0x0], $0xffff  }
0x117: {  	v26 =	vld.idx.msk [tilespmem:v14+s26+$0x0], $0xffff  }
0x118: {  	v25 =	vld.idx.msk [tilespmem:v13+s24+$0x0], $0xffff  }
0x119: {  	v28 =	vld.idx.msk [tilespmem:v14+s28+$0x0], $0xffff  }
0x11a: {  	v27 =	vld.idx.msk [tilespmem:v13+s25+$0x0], $0xffff  }
0x11b: {  	v29 =	vld.idx.msk [tilespmem:v14+s29+$0x0], $0xffff;
	v23 =	vmax.f32 v23, v20  }
0x11c: {  	v30 =	vld.idx.msk [tilespmem:v14+s30+$0x0], $0xffff;
	v26 =	vmax.f32 v26, v22;
	[tilespmem:v13+s22+$0x0] =	vst.idx.msk vm8, v23  }
0x11d: {  	v23 =	vmax.f32 v24, v18;
	[tilespmem:v14+s26+$0x0] =	vst.idx.msk vm4, v26  }
0x11e: {  	v57 =	vmax.f32 v28, v21;
	[tilespmem:v13+s23+$0x0] =	vst.idx.msk vm7, v23  }
0x11f: {  	v23 =	vmax.f32 v25, v16;
	[tilespmem:v14+s28+$0x0] =	vst.idx.msk vm3, v57  }
0x120: {  	v58 =	vmax.f32 v29, v19;
	[tilespmem:v13+s24+$0x0] =	vst.idx.msk vm6, v23  }
0x121: {  	v23 =	vmax.f32 v27, v15;
	[tilespmem:v14+s29+$0x0] =	vst.idx.msk vm2, v58  }
0x122: {  	v59 =	vmax.f32 v30, v17;
	[tilespmem:v13+s25+$0x0] =	vst.idx.msk vm5, v23  }
0x123: {  	[tilespmem:v14+s30+$0x0] =	vst.idx.msk vm1, v59  }
0x124: {  	v23 =	vld.idx.msk [tilespmem:v13+s22+$0x0], $0xffff  }
0x125: {  	v24 =	vld.idx.msk [tilespmem:v13+s23+$0x0], $0xffff  }
0x126: {  	v60 =	vld.idx.msk [tilespmem:v13+s24+$0x0], $0xffff  }
0x127: {  	v26 =	vld.idx.msk [tilespmem:v13+s25+$0x0], $0xffff  }
0x128: {  	v61 =	vld.idx.msk [tilespmem:v14+s26+$0x0], $0xffff  }
0x129: {  	v62 =	vld.idx.msk [tilespmem:v14+s28+$0x0], $0xffff  }
0x12a: {  	v63 =	vld.idx.msk [tilespmem:v14+s29+$0x0], $0xffff;
	vm9 =	vlt.f32 v23, v20;
	vm10 =	vlt.f32 v24, v18  }
0x12b: {  	v23 =	vld.idx.msk [tilespmem:v14+s30+$0x0], $0xffff;
	vm8 =	vmand vm8, vm9;
	vm7 =	vmand vm7, vm10;
	vm9 =	vlt.f32 v60, v16  }
0x12c: {  	vm6 =	vmand vm6, vm9;
	vm9 =	vlt.f32 v26, v15;
	vm10 =	vmor vm8, vm7  }
0x12d: {  	vm5 =	vmand vm5, vm9;
	vm9 =	vlt.f32 v61, v22;
	vm10 =	vmor vm10, vm6  }
0x12e: {  	vm4 =	vmand vm4, vm9;
	vm9 =	vlt.f32 v62, v21;
	vm10 =	vmor vm10, vm5  }
0x12f: {  	vm3 =	vmand vm3, vm9;
	vm9 =	vlt.f32 v63, v19;
	vm10 =	vmor vm10, vm4  }
0x130: {  	vm2 =	vmand vm2, vm9;
	vm9 =	vlt.f32 v23, v17;
	vm10 =	vmor vm10, vm3  }
0x131: {  	vm1 =	vmand vm1, vm9;
	vm9 =	vmor vm10, vm2  }
0x132: {  	vm9 =	vmor vm9, vm1  }
0x133: {  	v23 =	vsel vm9, $0x3F800000, v2  }
0x134: {  	(xrf0) =	vmax.scan.msk.f32 $0xffff, v23;
	_ =	sdelay $0x5  }
0x135: {  	v23, _, _ =	vpop (xrf0)  }
0x136: {  	(v2sf) =	vpush v23, $0xF;
	_ =	sdelay $0xe  }
0x137: {  	s6 =	spop (v2sf)  }
0x138: {  	p1 =	sgt.f32 s6, $0.0e+00  }
.Ltmp9:
0x139: {  	_ = 	snop;
	(pc) =	sbr.rel @p1 .LBB2_11-.Ltmp9, $1  }
0x13a: {  	_ =	sdelay $0x3  }
0x13b: {  	vm1 =	vmmov vm0;
	vm2 =	vmmov vm0  }
0x13c: {  	vm3 =	vmmov vm0;
	vm4 =	vmmov vm0;
	vm5 =	vmmov vm0  }
0x13d: {  	vm6 =	vmmov vm0;
	vm7 =	vmmov vm0;
	vm8 =	vmmov vm0  }
.LBB2_13:
0x13e: {  	v13 =	vld.idx.msk [tilespmem:v3+s22+$0x0], $0xffff  }
0x13f: {  	v14 =	vld.idx.msk [tilespmem:v3+s23+$0x0], $0xffff  }
0x140: {  	v16 =	vld.idx.msk [tilespmem:v4+s26+$0x0], $0xffff  }
0x141: {  	v15 =	vld.idx.msk [tilespmem:v3+s24+$0x0], $0xffff  }
0x142: {  	v18 =	vld.idx.msk [tilespmem:v4+s28+$0x0], $0xffff  }
0x143: {  	v17 =	vld.idx.msk [tilespmem:v3+s25+$0x0], $0xffff  }
0x144: {  	v19 =	vld.idx.msk [tilespmem:v4+s29+$0x0], $0xffff;
	v13 =	vmax.f32 v13, v10  }
0x145: {  	v20 =	vld.idx.msk [tilespmem:v4+s30+$0x0], $0xffff;
	v16 =	vmax.f32 v16, v12;
	[tilespmem:v3+s22+$0x0] =	vst.idx.msk vm8, v13  }
0x146: {  	v13 =	vmax.f32 v14, v8;
	[tilespmem:v4+s26+$0x0] =	vst.idx.msk vm4, v16  }
0x147: {  	v14 =	vmax.f32 v18, v11;
	[tilespmem:v3+s23+$0x0] =	vst.idx.msk vm7, v13  }
0x148: {  	v13 =	vmax.f32 v15, v6;
	[tilespmem:v4+s28+$0x0] =	vst.idx.msk vm3, v14  }
0x149: {  	v14 =	vmax.f32 v19, v9;
	[tilespmem:v3+s24+$0x0] =	vst.idx.msk vm6, v13  }
0x14a: {  	v13 =	vmax.f32 v17, v5;
	[tilespmem:v4+s29+$0x0] =	vst.idx.msk vm2, v14  }
0x14b: {  	v14 =	vmax.f32 v20, v7;
	[tilespmem:v3+s25+$0x0] =	vst.idx.msk vm5, v13  }
0x14c: {  	[tilespmem:v4+s30+$0x0] =	vst.idx.msk vm1, v14  }
0x14d: {  	v13 =	vld.idx.msk [tilespmem:v3+s22+$0x0], $0xffff  }
0x14e: {  	v14 =	vld.idx.msk [tilespmem:v3+s23+$0x0], $0xffff  }
0x14f: {  	v15 =	vld.idx.msk [tilespmem:v3+s24+$0x0], $0xffff  }
0x150: {  	v16 =	vld.idx.msk [tilespmem:v3+s25+$0x0], $0xffff  }
0x151: {  	v61 =	vld.idx.msk [tilespmem:v4+s26+$0x0], $0xffff  }
0x152: {  	v62 =	vld.idx.msk [tilespmem:v4+s28+$0x0], $0xffff  }
0x153: {  	v63 =	vld.idx.msk [tilespmem:v4+s29+$0x0], $0xffff;
	vm9 =	vlt.f32 v13, v10;
	vm10 =	vlt.f32 v14, v8  }
0x154: {  	v13 =	vld.idx.msk [tilespmem:v4+s30+$0x0], $0xffff;
	vm8 =	vmand vm8, vm9;
	vm7 =	vmand vm7, vm10;
	vm9 =	vlt.f32 v15, v6  }
0x155: {  	vm6 =	vmand vm6, vm9;
	vm9 =	vlt.f32 v16, v5;
	vm10 =	vmor vm8, vm7  }
0x156: {  	vm5 =	vmand vm5, vm9;
	vm9 =	vlt.f32 v61, v12;
	vm10 =	vmor vm10, vm6  }
0x157: {  	vm4 =	vmand vm4, vm9;
	vm9 =	vlt.f32 v62, v11;
	vm10 =	vmor vm10, vm5  }
0x158: {  	vm3 =	vmand vm3, vm9;
	vm9 =	vlt.f32 v63, v9;
	vm10 =	vmor vm10, vm4  }
0x159: {  	vm2 =	vmand vm2, vm9;
	vm9 =	vlt.f32 v13, v7;
	vm10 =	vmor vm10, vm3  }
0x15a: {  	vm1 =	vmand vm1, vm9;
	vm9 =	vmor vm10, vm2  }
0x15b: {  	vm9 =	vmor vm9, vm1  }
0x15c: {  	v13 =	vsel vm9, $0x3F800000, v2  }
0x15d: {  	(xrf0) =	vmax.scan.msk.f32 $0xffff, v13;
	_ =	sdelay $0x5  }
0x15e: {  	v13, _, _ =	vpop (xrf0)  }
0x15f: {  	(v2sf) =	vpush v13, $0xF;
	_ =	sdelay $0xe  }
0x160: {  	s6 =	spop (v2sf)  }
0x161: {  	p1 =	sgt.f32 s6, $0.0e+00  }
.Ltmp10:
0x162: {  	_ = 	snop;
	(pc) =	sbr.rel @p1 .LBB2_13-.Ltmp10, $1  }
0x163: {  	_ =	sdelay $0x3  }
.Ltmp11:
0x164: {  	_ = 	snop;
	(pc) =	sbr.rel .LBB2_15-.Ltmp11, $1  }
0x165: {  	_ =	sdelay $0x3  }
.LBB2_16:
0x166: {  	p1 =	seq.s32 s19, $0x7C  }
0x167: {  	s4 =	sshrl.u32 @!p1 s4, $0x3  }
0x168: {  	s5 =	simm.s32 @!p1 $0x0;
	s4 =	sadd.s32 @!p1 s1, s4  }
.Ltmp12:
0x169: {  	s6 =	simm.s32 @!p1 $0x1DA00;
	s4 =	sadd.s32 @!p1 $0x280, s4;
	(pc) =	sbr.rel .LBB2_17-.Ltmp12, $4  }
0x16a: {  	[tilespmem:s6], [sflag:$0x1] =	stream.linear.gather @!p1 [hbm4b:s4+s5], $0xA00, $0x38;
	[tilespmem:$0x1EE00] =	vst v63  }
0x16b: {  	_ =	swait.ge [sflag:s31], $0xA00  }
0x16c: {  	[sflag:s31] =	ssyncset.done $0x0  }
0x16d: {  	s4 =	simm.s32 $0x0;
	[sflag:s31] =	ssyncadd.s32 $0xFFFFF600  }
.LBB2_26:
0x16e: {  	_ =	sdelay $0x3  }
0x16f: {  	v43 =	vld.idx.msk [tilespmem:v33+s22+$0x0], $0xffff  }
0x170: {  	v44 =	vld.idx.msk [tilespmem:v33+s23+$0x0], $0xffff  }
0x171: {  	v46 =	vld.idx.msk [tilespmem:v34+s26+$0x0], $0xffff  }
0x172: {  	v45 =	vld.idx.msk [tilespmem:v33+s24+$0x0], $0xffff  }
0x173: {  	v48 =	vld.idx.msk [tilespmem:v34+s28+$0x0], $0xffff  }
0x174: {  	v47 =	vld.idx.msk [tilespmem:v33+s25+$0x0], $0xffff  }
0x175: {  	v49 =	vld.idx.msk [tilespmem:v34+s29+$0x0], $0xffff;
	v38 =	vmax.f32 v43, v38  }
0x176: {  	v50 =	vld.idx.msk [tilespmem:v34+s30+$0x0], $0xffff;
	v41 =	vmax.f32 v46, v41;
	[tilespmem:v33+s22+$0x0] =	vst.idx.msk $0xffff, v38  }
0x177: {  	v36 =	vmax.f32 v44, v36;
	[tilespmem:v34+s26+$0x0] =	vst.idx.msk $0xffff, v41  }
0x178: {  	v44 =	vmax.f32 v48, v39;
	[tilespmem:v33+s23+$0x0] =	vst.idx.msk $0xffff, v36  }
0x179: {  	v45 =	vmax.f32 v45, v37;
	[tilespmem:v34+s28+$0x0] =	vst.idx.msk $0xffff, v44  }
0x17a: {  	v46 =	vmax.f32 v49, v42;
	[tilespmem:v33+s24+$0x0] =	vst.idx.msk $0xffff, v45  }
0x17b: {  	v35 =	vmax.f32 v47, v35;
	[tilespmem:v34+s29+$0x0] =	vst.idx.msk $0xffff, v46  }
0x17c: {  	v47 =	vmax.f32 v50, v40;
	[tilespmem:v33+s25+$0x0] =	vst.idx.msk $0xffff, v35  }
0x17d: {  	[tilespmem:v34+s30+$0x0] =	vst.idx.msk $0xffff, v47  }
0x17e: {  	v33 =	vld.idx.msk [tilespmem:v23+s22+$0x0], $0xffff  }
0x17f: {  	v34 =	vld.idx.msk [tilespmem:v23+s23+$0x0], $0xffff  }
0x180: {  	v36 =	vld.idx.msk [tilespmem:v24+s26+$0x0], $0xffff  }
0x181: {  	v35 =	vld.idx.msk [tilespmem:v23+s24+$0x0], $0xffff  }
0x182: {  	v38 =	vld.idx.msk [tilespmem:v24+s28+$0x0], $0xffff  }
0x183: {  	v37 =	vld.idx.msk [tilespmem:v23+s25+$0x0], $0xffff  }
0x184: {  	v48 =	vld.idx.msk [tilespmem:v24+s29+$0x0], $0xffff;
	v28 =	vmax.f32 v33, v28  }
0x185: {  	v49 =	vld.idx.msk [tilespmem:v24+s30+$0x0], $0xffff;
	v32 =	vmax.f32 v36, v32;
	[tilespmem:v23+s22+$0x0] =	vst.idx.msk $0xffff, v28  }
0x186: {  	v26 =	vmax.f32 v34, v26;
	[tilespmem:v24+s26+$0x0] =	vst.idx.msk $0xffff, v32  }
0x187: {  	v50 =	vmax.f32 v38, v31;
	[tilespmem:v23+s23+$0x0] =	vst.idx.msk $0xffff, v26  }
0x188: {  	v51 =	vmax.f32 v35, v27;
	[tilespmem:v24+s28+$0x0] =	vst.idx.msk $0xffff, v50  }
0x189: {  	v52 =	vmax.f32 v48, v30;
	[tilespmem:v23+s24+$0x0] =	vst.idx.msk $0xffff, v51  }
0x18a: {  	v25 =	vmax.f32 v37, v25;
	[tilespmem:v24+s29+$0x0] =	vst.idx.msk $0xffff, v52  }
0x18b: {  	v53 =	vmax.f32 v49, v29;
	[tilespmem:v23+s25+$0x0] =	vst.idx.msk $0xffff, v25  }
0x18c: {  	[tilespmem:v24+s30+$0x0] =	vst.idx.msk $0xffff, v53  }
0x18d: {  	v23 =	vld.idx.msk [tilespmem:v13+s22+$0x0], $0xffff  }
0x18e: {  	v24 =	vld.idx.msk [tilespmem:v13+s23+$0x0], $0xffff  }
0x18f: {  	v26 =	vld.idx.msk [tilespmem:v14+s26+$0x0], $0xffff  }
0x190: {  	v25 =	vld.idx.msk [tilespmem:v13+s24+$0x0], $0xffff  }
0x191: {  	v28 =	vld.idx.msk [tilespmem:v14+s28+$0x0], $0xffff  }
0x192: {  	v27 =	vld.idx.msk [tilespmem:v13+s25+$0x0], $0xffff  }
0x193: {  	v54 =	vld.idx.msk [tilespmem:v14+s29+$0x0], $0xffff;
	v20 =	vmax.f32 v23, v20  }
0x194: {  	v55 =	vld.idx.msk [tilespmem:v14+s30+$0x0], $0xffff;
	v22 =	vmax.f32 v26, v22;
	[tilespmem:v13+s22+$0x0] =	vst.idx.msk $0xffff, v20  }
0x195: {  	v18 =	vmax.f32 v24, v18;
	[tilespmem:v14+s26+$0x0] =	vst.idx.msk $0xffff, v22  }
0x196: {  	v56 =	vmax.f32 v28, v21;
	[tilespmem:v13+s23+$0x0] =	vst.idx.msk $0xffff, v18  }
0x197: {  	v16 =	vmax.f32 v25, v16;
	[tilespmem:v14+s28+$0x0] =	vst.idx.msk $0xffff, v56  }
0x198: {  	v57 =	vmax.f32 v54, v19;
	[tilespmem:v13+s24+$0x0] =	vst.idx.msk $0xffff, v16  }
0x199: {  	v15 =	vmax.f32 v27, v15;
	[tilespmem:v14+s29+$0x0] =	vst.idx.msk $0xffff, v57  }
0x19a: {  	v58 =	vmax.f32 v55, v17;
	[tilespmem:v13+s25+$0x0] =	vst.idx.msk $0xffff, v15  }
0x19b: {  	[tilespmem:v14+s30+$0x0] =	vst.idx.msk $0xffff, v58  }
0x19c: {  	v13 =	vld.idx.msk [tilespmem:v3+s22+$0x0], $0xffff  }
0x19d: {  	v14 =	vld.idx.msk [tilespmem:v3+s23+$0x0], $0xffff  }
0x19e: {  	v16 =	vld.idx.msk [tilespmem:v4+s26+$0x0], $0xffff  }
0x19f: {  	v15 =	vld.idx.msk [tilespmem:v3+s24+$0x0], $0xffff  }
0x1a0: {  	v18 =	vld.idx.msk [tilespmem:v4+s28+$0x0], $0xffff  }
0x1a1: {  	v59 =	vld.idx.msk [tilespmem:v3+s25+$0x0], $0xffff  }
0x1a2: {  	v60 =	vld.idx.msk [tilespmem:v4+s29+$0x0], $0xffff;
	v10 =	vmax.f32 v13, v10  }
0x1a3: {  	v20 =	vld.idx.msk [tilespmem:v4+s30+$0x0], $0xffff;
	v12 =	vmax.f32 v16, v12;
	[tilespmem:v3+s22+$0x0] =	vst.idx.msk $0xffff, v10  }
0x1a4: {  	v8 =	vmax.f32 v14, v8;
	[tilespmem:v4+s26+$0x0] =	vst.idx.msk $0xffff, v12  }
0x1a5: {  	v61 =	vmax.f32 v18, v11;
	[tilespmem:v3+s23+$0x0] =	vst.idx.msk $0xffff, v8  }
0x1a6: {  	v6 =	vmax.f32 v15, v6;
	[tilespmem:v4+s28+$0x0] =	vst.idx.msk $0xffff, v61  }
0x1a7: {  	v62 =	vmax.f32 v60, v9;
	[tilespmem:v3+s24+$0x0] =	vst.idx.msk $0xffff, v6  }
0x1a8: {  	v5 =	vmax.f32 v59, v5;
	[tilespmem:v4+s29+$0x0] =	vst.idx.msk $0xffff, v62  }
0x1a9: {  	v63 =	vmax.f32 v20, v7;
	[tilespmem:v3+s25+$0x0] =	vst.idx.msk $0xffff, v5  }
0x1aa: {  	[tilespmem:v4+s30+$0x0] =	vst.idx.msk $0xffff, v63  }
.LBB2_27:
0x1ab: {  	s4 =	sadd.s32 $0x1, s4  }
0x1ac: {  	p1 =	sne.s32 s4, $0xA  }
.Ltmp13:
0x1ad: {  	_ = 	snop;
	(pc) =	sbr.rel @!p1 .LBB2_28-.Ltmp13, $1  }
0x1ae: {  	_ =	sdelay $0x3  }
.LBB2_17:
0x1af: {  	s5 =	sshll.u32 s4, $0x8  }
0x1b0: {  	s5 =	sand.u32 $0x3FFFFF00, s5  }
0x1b1: {  	v33 =	vld [tilespmem:s5+$0x1E480]  }
0x1b2: {  	v34 =	vld [tilespmem:s5+$0x1E490]  }
0x1b3: {  	v23 =	vld [tilespmem:s5+$0x1E4A0]  }
0x1b4: {  	v24 =	vld [tilespmem:s5+$0x1E4B0]  }
0x1b5: {  	v13 =	vld [tilespmem:s5+$0x1E4C0]  }
0x1b6: {  	v14 =	vld [tilespmem:s5+$0x1E4D0];
	(xrf1) =	vunique.msk.u32 $0xffff, v33  }
0x1b7: {  	v3 =	vld [tilespmem:s5+$0x1E4E0];
	(xrf1) =	vunique.msk.u32 $0xffff, v34  }
0x1b8: {  	v4 =	vld [tilespmem:s5+$0x1E4F0];
	(xrf1) =	vunique.msk.u32 $0xffff, v23  }
0x1b9: {  	(xrf1) =	vunique.msk.u32 $0xffff, v24  }
0x1ba: {  	(xrf1) =	vunique.msk.u32 $0xffff, v13  }
0x1bb: {  	v5 =	vld [tilespmem:s5+$0x1E400];
	(xrf1) =	vunique.msk.u32 $0xffff, v14  }
0x1bc: {  	(xrf1) =	vunique.msk.u32 $0xffff, v3  }
0x1bd: {  	(xrf1) =	vunique.msk.u32 $0xffff, v4;
	_ =	sdelay $0x1  }
0x1be: {  	v6 =	vld [tilespmem:s5+$0x1E410];
	_ =	sdelay $0x3  }
0x1bf: {  	v38 =	vld.idx.msk [tilespmem:v5+s2+$0x0], $0xffff  }
0x1c0: {  	v36 =	vld.idx.msk [tilespmem:v5+s16+$0x0], $0xffff;
	_, v7, vm1 =	vpop (xrf1)  }
0x1c1: {  	v37 =	vld.idx.msk [tilespmem:v5+s17+$0x0], $0xffff;
	_, v8, vm2 =	vpop (xrf1)  }
0x1c2: {  	v35 =	vld.idx.msk [tilespmem:v5+s18+$0x0], $0xffff;
	_, v8, vm3 =	vpop (xrf1);
	vm1 =	vmand vm1, vm2  }
0x1c3: {  	v41 =	vld.idx.msk [tilespmem:v6+s2+$0x0], $0xffff;
	_, v5, vm2 =	vpop (xrf1);
	vm1 =	vmand vm1, vm3  }
0x1c4: {  	v7 =	vld [tilespmem:s5+$0x1E420];
	_, v5, vm3 =	vpop (xrf1);
	vm1 =	vmand vm1, vm2  }
0x1c5: {  	v39 =	vld.idx.msk [tilespmem:v6+s16+$0x0], $0xffff;
	_, v5, vm2 =	vpop (xrf1);
	vm1 =	vmand vm1, vm3  }
0x1c6: {  	v42 =	vld.idx.msk [tilespmem:v6+s17+$0x0], $0xffff;
	_, v8, vm3 =	vpop (xrf1);
	vm1 =	vmand vm1, vm2  }
0x1c7: {  	v40 =	vld.idx.msk [tilespmem:v6+s18+$0x0], $0xffff;
	_, v6, vm2 =	vpop (xrf1);
	vm1 =	vmand vm1, vm3  }
0x1c8: {  	vm1 =	vmand vm1, vm2  }
0x1c9: {  	v5 =	vld [tilespmem:s5+$0x1E430];
	v6 =	vsel vm1, $0x0, v0  }
0x1ca: {  	(xrf0) =	vmax.scan.msk.f32 $0xffff, v6  }
0x1cb: {  	v8 =	vld [tilespmem:s5+$0x1E440]  }
0x1cc: {  	v28 =	vld.idx.msk [tilespmem:v7+s2+$0x0], $0xffff  }
0x1cd: {  	v26 =	vld.idx.msk [tilespmem:v7+s16+$0x0], $0xffff  }
0x1ce: {  	v27 =	vld.idx.msk [tilespmem:v7+s17+$0x0], $0xffff  }
0x1cf: {  	v25 =	vld.idx.msk [tilespmem:v7+s18+$0x0], $0xffff  }
0x1d0: {  	v6 =	vld [tilespmem:s5+$0x1E450];
	v7, _, _ =	vpop (xrf0)  }
0x1d1: {  	v32 =	vld.idx.msk [tilespmem:v5+s2+$0x0], $0xffff;
	(v2sf) =	vpush v7, $0xF  }
0x1d2: {  	v31 =	vld.idx.msk [tilespmem:v5+s16+$0x0], $0xffff  }
0x1d3: {  	v30 =	vld.idx.msk [tilespmem:v5+s17+$0x0], $0xffff  }
0x1d4: {  	v29 =	vld.idx.msk [tilespmem:v5+s18+$0x0], $0xffff  }
0x1d5: {  	v5 =	vld [tilespmem:s5+$0x1E460]  }
0x1d6: {  	v20 =	vld.idx.msk [tilespmem:v8+s2+$0x0], $0xffff  }
0x1d7: {  	v18 =	vld.idx.msk [tilespmem:v8+s16+$0x0], $0xffff  }
0x1d8: {  	v16 =	vld.idx.msk [tilespmem:v8+s17+$0x0], $0xffff  }
0x1d9: {  	v15 =	vld.idx.msk [tilespmem:v8+s18+$0x0], $0xffff  }
0x1da: {  	v7 =	vld [tilespmem:s5+$0x1E470]  }
0x1db: {  	v22 =	vld.idx.msk [tilespmem:v6+s2+$0x0], $0xffff  }
0x1dc: {  	v21 =	vld.idx.msk [tilespmem:v6+s16+$0x0], $0xffff  }
0x1dd: {  	v19 =	vld.idx.msk [tilespmem:v6+s17+$0x0], $0xffff  }
0x1de: {  	v17 =	vld.idx.msk [tilespmem:v6+s18+$0x0], $0xffff  }
0x1df: {  	v10 =	vld.idx.msk [tilespmem:v5+s2+$0x0], $0xffff  }
0x1e0: {  	v8 =	vld.idx.msk [tilespmem:v5+s16+$0x0], $0xffff;
	s6 =	spop (v2sf)  }
0x1e1: {  	v6 =	vld.idx.msk [tilespmem:v5+s17+$0x0], $0xffff;
	p1 =	sgt.f32 s6, $0.0e+00  }
.Ltmp14:
0x1e2: {  	v5 =	vld.idx.msk [tilespmem:v5+s18+$0x0], $0xffff;
	(pc) =	sbr.rel @!p1 .LBB2_26-.Ltmp14, $4  }
0x1e3: {  	v12 =	vld.idx.msk [tilespmem:v7+s2+$0x0], $0xffff  }
0x1e4: {  	v11 =	vld.idx.msk [tilespmem:v7+s16+$0x0], $0xffff  }
0x1e5: {  	v9 =	vld.idx.msk [tilespmem:v7+s17+$0x0], $0xffff  }
0x1e6: {  	v7 =	vld.idx.msk [tilespmem:v7+s18+$0x0], $0xffff  }
.Ltmp15:
0x1e7: {  	(pc) =	sbr.rel @!p0 .LBB2_27-.Ltmp15, $4  }
0x1e8: {  	vm1 =	vmmov $0xffff  }
0x1e9: {  	vm2 =	vmmov vm1;
	vm3 =	vmmov vm1  }
0x1ea: {  	vm4 =	vmmov vm1;
	vm5 =	vmmov vm1;
	vm6 =	vmmov vm1  }
0x1eb: {  	vm7 =	vmmov vm1;
	vm8 =	vmmov vm1;
	vm9 =	vmmov vm1  }
.LBB2_19:
0x1ec: {  	v43 =	vld.idx.msk [tilespmem:v33+s22+$0x0], $0xffff  }
0x1ed: {  	v44 =	vld.idx.msk [tilespmem:v33+s23+$0x0], $0xffff  }
0x1ee: {  	v46 =	vld.idx.msk [tilespmem:v34+s26+$0x0], $0xffff  }
0x1ef: {  	v45 =	vld.idx.msk [tilespmem:v33+s24+$0x0], $0xffff  }
0x1f0: {  	v48 =	vld.idx.msk [tilespmem:v34+s28+$0x0], $0xffff  }
0x1f1: {  	v47 =	vld.idx.msk [tilespmem:v33+s25+$0x0], $0xffff  }
0x1f2: {  	v49 =	vld.idx.msk [tilespmem:v34+s29+$0x0], $0xffff;
	v43 =	vmax.f32 v43, v38  }
0x1f3: {  	v50 =	vld.idx.msk [tilespmem:v34+s30+$0x0], $0xffff;
	v46 =	vmax.f32 v46, v41;
	[tilespmem:v33+s22+$0x0] =	vst.idx.msk vm9, v43  }
0x1f4: {  	v52 =	vmax.f32 v44, v36;
	[tilespmem:v34+s26+$0x0] =	vst.idx.msk vm5, v46  }
0x1f5: {  	v53 =	vmax.f32 v48, v39;
	[tilespmem:v33+s23+$0x0] =	vst.idx.msk vm8, v52  }
0x1f6: {  	v54 =	vmax.f32 v45, v37;
	[tilespmem:v34+s28+$0x0] =	vst.idx.msk vm4, v53  }
0x1f7: {  	v55 =	vmax.f32 v49, v42;
	[tilespmem:v33+s24+$0x0] =	vst.idx.msk vm7, v54  }
0x1f8: {  	v56 =	vmax.f32 v47, v35;
	[tilespmem:v34+s29+$0x0] =	vst.idx.msk vm3, v55  }
0x1f9: {  	v57 =	vmax.f32 v50, v40;
	[tilespmem:v33+s25+$0x0] =	vst.idx.msk vm6, v56  }
0x1fa: {  	[tilespmem:v34+s30+$0x0] =	vst.idx.msk vm2, v57  }
0x1fb: {  	v43 =	vld.idx.msk [tilespmem:v33+s22+$0x0], $0xffff  }
0x1fc: {  	v44 =	vld.idx.msk [tilespmem:v33+s23+$0x0], $0xffff  }
0x1fd: {  	v58 =	vld.idx.msk [tilespmem:v33+s24+$0x0], $0xffff  }
0x1fe: {  	v46 =	vld.idx.msk [tilespmem:v33+s25+$0x0], $0xffff  }
0x1ff: {  	v59 =	vld.idx.msk [tilespmem:v34+s26+$0x0], $0xffff  }
0x200: {  	v60 =	vld.idx.msk [tilespmem:v34+s28+$0x0], $0xffff  }
0x201: {  	v61 =	vld.idx.msk [tilespmem:v34+s29+$0x0], $0xffff;
	vm10 =	vlt.f32 v43, v38;
	vm11 =	vlt.f32 v44, v36  }
0x202: {  	v62 =	vld.idx.msk [tilespmem:v34+s30+$0x0], $0xffff;
	vm9 =	vmand vm9, vm10;
	vm8 =	vmand vm8, vm11;
	vm10 =	vlt.f32 v58, v37  }
0x203: {  	vm7 =	vmand vm7, vm10;
	vm10 =	vlt.f32 v46, v35;
	vm11 =	vmor vm9, vm8  }
0x204: {  	vm6 =	vmand vm6, vm10;
	vm10 =	vlt.f32 v59, v41;
	vm11 =	vmor vm11, vm7  }
0x205: {  	vm5 =	vmand vm5, vm10;
	vm10 =	vlt.f32 v60, v39;
	vm11 =	vmor vm11, vm6  }
0x206: {  	vm4 =	vmand vm4, vm10;
	vm10 =	vlt.f32 v61, v42;
	vm11 =	vmor vm11, vm5  }
0x207: {  	vm3 =	vmand vm3, vm10;
	vm10 =	vlt.f32 v62, v40;
	vm11 =	vmor vm11, vm4  }
0x208: {  	vm2 =	vmand vm2, vm10;
	vm10 =	vmor vm11, vm3  }
0x209: {  	vm10 =	vmor vm10, vm2  }
0x20a: {  	v63 =	vsel vm10, $0x3F800000, v2  }
0x20b: {  	(xrf0) =	vmax.scan.msk.f32 $0xffff, v63;
	_ =	sdelay $0x5  }
0x20c: {  	v43, _, _ =	vpop (xrf0)  }
0x20d: {  	(v2sf) =	vpush v43, $0xF;
	_ =	sdelay $0xe  }
0x20e: {  	s5 =	spop (v2sf)  }
0x20f: {  	p1 =	sgt.f32 s5, $0.0e+00  }
.Ltmp16:
0x210: {  	_ = 	snop;
	(pc) =	sbr.rel @p1 .LBB2_19-.Ltmp16, $1  }
0x211: {  	_ =	sdelay $0x3  }
0x212: {  	vm2 =	vmmov vm1;
	vm3 =	vmmov vm1  }
0x213: {  	vm4 =	vmmov vm1;
	vm5 =	vmmov vm1;
	vm6 =	vmmov vm1  }
0x214: {  	vm7 =	vmmov vm1;
	vm8 =	vmmov vm1;
	vm9 =	vmmov vm1  }
.LBB2_21:
0x215: {  	v33 =	vld.idx.msk [tilespmem:v23+s22+$0x0], $0xffff  }
0x216: {  	v34 =	vld.idx.msk [tilespmem:v23+s23+$0x0], $0xffff  }
0x217: {  	v36 =	vld.idx.msk [tilespmem:v24+s26+$0x0], $0xffff  }
0x218: {  	v35 =	vld.idx.msk [tilespmem:v23+s24+$0x0], $0xffff  }
0x219: {  	v38 =	vld.idx.msk [tilespmem:v24+s28+$0x0], $0xffff  }
0x21a: {  	v37 =	vld.idx.msk [tilespmem:v23+s25+$0x0], $0xffff  }
0x21b: {  	v39 =	vld.idx.msk [tilespmem:v24+s29+$0x0], $0xffff;
	v33 =	vmax.f32 v33, v28  }
0x21c: {  	v40 =	vld.idx.msk [tilespmem:v24+s30+$0x0], $0xffff;
	v36 =	vmax.f32 v36, v32;
	[tilespmem:v23+s22+$0x0] =	vst.idx.msk vm9, v33  }
0x21d: {  	v52 =	vmax.f32 v34, v26;
	[tilespmem:v24+s26+$0x0] =	vst.idx.msk vm5, v36  }
0x21e: {  	v53 =	vmax.f32 v38, v31;
	[tilespmem:v23+s23+$0x0] =	vst.idx.msk vm8, v52  }
0x21f: {  	v54 =	vmax.f32 v35, v27;
	[tilespmem:v24+s28+$0x0] =	vst.idx.msk vm4, v53  }
0x220: {  	v55 =	vmax.f32 v39, v30;
	[tilespmem:v23+s24+$0x0] =	vst.idx.msk vm7, v54  }
0x221: {  	v56 =	vmax.f32 v37, v25;
	[tilespmem:v24+s29+$0x0] =	vst.idx.msk vm3, v55  }
0x222: {  	v57 =	vmax.f32 v40, v29;
	[tilespmem:v23+s25+$0x0] =	vst.idx.msk vm6, v56  }
0x223: {  	[tilespmem:v24+s30+$0x0] =	vst.idx.msk vm2, v57  }
0x224: {  	v33 =	vld.idx.msk [tilespmem:v23+s22+$0x0], $0xffff  }
0x225: {  	v34 =	vld.idx.msk [tilespmem:v23+s23+$0x0], $0xffff  }
0x226: {  	v58 =	vld.idx.msk [tilespmem:v23+s24+$0x0], $0xffff  }
0x227: {  	v36 =	vld.idx.msk [tilespmem:v23+s25+$0x0], $0xffff  }
0x228: {  	v59 =	vld.idx.msk [tilespmem:v24+s26+$0x0], $0xffff  }
0x229: {  	v60 =	vld.idx.msk [tilespmem:v24+s28+$0x0], $0xffff  }
0x22a: {  	v61 =	vld.idx.msk [tilespmem:v24+s29+$0x0], $0xffff;
	vm10 =	vlt.f32 v33, v28;
	vm11 =	vlt.f32 v34, v26  }
0x22b: {  	v62 =	vld.idx.msk [tilespmem:v24+s30+$0x0], $0xffff;
	vm9 =	vmand vm9, vm10;
	vm8 =	vmand vm8, vm11;
	vm10 =	vlt.f32 v58, v27  }
0x22c: {  	vm7 =	vmand vm7, vm10;
	vm10 =	vlt.f32 v36, v25;
	vm11 =	vmor vm9, vm8  }
0x22d: {  	vm6 =	vmand vm6, vm10;
	vm10 =	vlt.f32 v59, v32;
	vm11 =	vmor vm11, vm7  }
0x22e: {  	vm5 =	vmand vm5, vm10;
	vm10 =	vlt.f32 v60, v31;
	vm11 =	vmor vm11, vm6  }
0x22f: {  	vm4 =	vmand vm4, vm10;
	vm10 =	vlt.f32 v61, v30;
	vm11 =	vmor vm11, vm5  }
0x230: {  	vm3 =	vmand vm3, vm10;
	vm10 =	vlt.f32 v62, v29;
	vm11 =	vmor vm11, vm4  }
0x231: {  	vm2 =	vmand vm2, vm10;
	vm10 =	vmor vm11, vm3  }
0x232: {  	vm10 =	vmor vm10, vm2  }
0x233: {  	v63 =	vsel vm10, $0x3F800000, v2  }
0x234: {  	(xrf0) =	vmax.scan.msk.f32 $0xffff, v63;
	_ =	sdelay $0x5  }
0x235: {  	v33, _, _ =	vpop (xrf0)  }
0x236: {  	(v2sf) =	vpush v33, $0xF;
	_ =	sdelay $0xe  }
0x237: {  	s5 =	spop (v2sf)  }
0x238: {  	p1 =	sgt.f32 s5, $0.0e+00  }
.Ltmp17:
0x239: {  	_ = 	snop;
	(pc) =	sbr.rel @p1 .LBB2_21-.Ltmp17, $1  }
0x23a: {  	_ =	sdelay $0x3  }
0x23b: {  	vm2 =	vmmov vm1;
	vm3 =	vmmov vm1  }
0x23c: {  	vm4 =	vmmov vm1;
	vm5 =	vmmov vm1;
	vm6 =	vmmov vm1  }
0x23d: {  	vm7 =	vmmov vm1;
	vm8 =	vmmov vm1;
	vm9 =	vmmov vm1  }
.LBB2_23:
0x23e: {  	v23 =	vld.idx.msk [tilespmem:v13+s22+$0x0], $0xffff  }
0x23f: {  	v24 =	vld.idx.msk [tilespmem:v13+s23+$0x0], $0xffff  }
0x240: {  	v26 =	vld.idx.msk [tilespmem:v14+s26+$0x0], $0xffff  }
0x241: {  	v25 =	vld.idx.msk [tilespmem:v13+s24+$0x0], $0xffff  }
0x242: {  	v28 =	vld.idx.msk [tilespmem:v14+s28+$0x0], $0xffff  }
0x243: {  	v27 =	vld.idx.msk [tilespmem:v13+s25+$0x0], $0xffff  }
0x244: {  	v29 =	vld.idx.msk [tilespmem:v14+s29+$0x0], $0xffff;
	v23 =	vmax.f32 v23, v20  }
0x245: {  	v30 =	vld.idx.msk [tilespmem:v14+s30+$0x0], $0xffff;
	v26 =	vmax.f32 v26, v22;
	[tilespmem:v13+s22+$0x0] =	vst.idx.msk vm9, v23  }
0x246: {  	v23 =	vmax.f32 v24, v18;
	[tilespmem:v14+s26+$0x0] =	vst.idx.msk vm5, v26  }
0x247: {  	v57 =	vmax.f32 v28, v21;
	[tilespmem:v13+s23+$0x0] =	vst.idx.msk vm8, v23  }
0x248: {  	v23 =	vmax.f32 v25, v16;
	[tilespmem:v14+s28+$0x0] =	vst.idx.msk vm4, v57  }
0x249: {  	v58 =	vmax.f32 v29, v19;
	[tilespmem:v13+s24+$0x0] =	vst.idx.msk vm7, v23  }
0x24a: {  	v23 =	vmax.f32 v27, v15;
	[tilespmem:v14+s29+$0x0] =	vst.idx.msk vm3, v58  }
0x24b: {  	v59 =	vmax.f32 v30, v17;
	[tilespmem:v13+s25+$0x0] =	vst.idx.msk vm6, v23  }
0x24c: {  	[tilespmem:v14+s30+$0x0] =	vst.idx.msk vm2, v59  }
0x24d: {  	v23 =	vld.idx.msk [tilespmem:v13+s22+$0x0], $0xffff  }
0x24e: {  	v24 =	vld.idx.msk [tilespmem:v13+s23+$0x0], $0xffff  }
0x24f: {  	v60 =	vld.idx.msk [tilespmem:v13+s24+$0x0], $0xffff  }
0x250: {  	v26 =	vld.idx.msk [tilespmem:v13+s25+$0x0], $0xffff  }
0x251: {  	v61 =	vld.idx.msk [tilespmem:v14+s26+$0x0], $0xffff  }
0x252: {  	v62 =	vld.idx.msk [tilespmem:v14+s28+$0x0], $0xffff  }
0x253: {  	v63 =	vld.idx.msk [tilespmem:v14+s29+$0x0], $0xffff;
	vm10 =	vlt.f32 v23, v20;
	vm11 =	vlt.f32 v24, v18  }
0x254: {  	v23 =	vld.idx.msk [tilespmem:v14+s30+$0x0], $0xffff;
	vm9 =	vmand vm9, vm10;
	vm8 =	vmand vm8, vm11;
	vm10 =	vlt.f32 v60, v16  }
0x255: {  	vm7 =	vmand vm7, vm10;
	vm10 =	vlt.f32 v26, v15;
	vm11 =	vmor vm9, vm8  }
0x256: {  	vm6 =	vmand vm6, vm10;
	vm10 =	vlt.f32 v61, v22;
	vm11 =	vmor vm11, vm7  }
0x257: {  	vm5 =	vmand vm5, vm10;
	vm10 =	vlt.f32 v62, v21;
	vm11 =	vmor vm11, vm6  }
0x258: {  	vm4 =	vmand vm4, vm10;
	vm10 =	vlt.f32 v63, v19;
	vm11 =	vmor vm11, vm5  }
0x259: {  	vm3 =	vmand vm3, vm10;
	vm10 =	vlt.f32 v23, v17;
	vm11 =	vmor vm11, vm4  }
0x25a: {  	vm2 =	vmand vm2, vm10;
	vm10 =	vmor vm11, vm3  }
0x25b: {  	vm10 =	vmor vm10, vm2  }
0x25c: {  	v23 =	vsel vm10, $0x3F800000, v2  }
0x25d: {  	(xrf0) =	vmax.scan.msk.f32 $0xffff, v23;
	_ =	sdelay $0x5  }
0x25e: {  	v23, _, _ =	vpop (xrf0)  }
0x25f: {  	(v2sf) =	vpush v23, $0xF;
	_ =	sdelay $0xe  }
0x260: {  	s5 =	spop (v2sf)  }
0x261: {  	p1 =	sgt.f32 s5, $0.0e+00  }
.Ltmp18:
0x262: {  	_ = 	snop;
	(pc) =	sbr.rel @p1 .LBB2_23-.Ltmp18, $1  }
0x263: {  	_ =	sdelay $0x3  }
0x264: {  	vm2 =	vmmov vm1  }
0x265: {  	vm3 =	vmmov vm1;
	vm4 =	vmmov vm1;
	vm5 =	vmmov vm1  }
0x266: {  	vm6 =	vmmov vm1;
	vm7 =	vmmov vm1;
	vm8 =	vmmov vm1  }
.LBB2_25:
0x267: {  	v13 =	vld.idx.msk [tilespmem:v3+s22+$0x0], $0xffff  }
0x268: {  	v14 =	vld.idx.msk [tilespmem:v3+s23+$0x0], $0xffff  }
0x269: {  	v16 =	vld.idx.msk [tilespmem:v4+s26+$0x0], $0xffff  }
0x26a: {  	v15 =	vld.idx.msk [tilespmem:v3+s24+$0x0], $0xffff  }
0x26b: {  	v18 =	vld.idx.msk [tilespmem:v4+s28+$0x0], $0xffff  }
0x26c: {  	v17 =	vld.idx.msk [tilespmem:v3+s25+$0x0], $0xffff  }
0x26d: {  	v19 =	vld.idx.msk [tilespmem:v4+s29+$0x0], $0xffff;
	v13 =	vmax.f32 v13, v10  }
0x26e: {  	v20 =	vld.idx.msk [tilespmem:v4+s30+$0x0], $0xffff;
	v16 =	vmax.f32 v16, v12;
	[tilespmem:v3+s22+$0x0] =	vst.idx.msk vm8, v13  }
0x26f: {  	v13 =	vmax.f32 v14, v8;
	[tilespmem:v4+s26+$0x0] =	vst.idx.msk vm4, v16  }
0x270: {  	v14 =	vmax.f32 v18, v11;
	[tilespmem:v3+s23+$0x0] =	vst.idx.msk vm7, v13  }
0x271: {  	v13 =	vmax.f32 v15, v6;
	[tilespmem:v4+s28+$0x0] =	vst.idx.msk vm3, v14  }
0x272: {  	v14 =	vmax.f32 v19, v9;
	[tilespmem:v3+s24+$0x0] =	vst.idx.msk vm6, v13  }
0x273: {  	v13 =	vmax.f32 v17, v5;
	[tilespmem:v4+s29+$0x0] =	vst.idx.msk vm2, v14  }
0x274: {  	v14 =	vmax.f32 v20, v7;
	[tilespmem:v3+s25+$0x0] =	vst.idx.msk vm5, v13  }
0x275: {  	[tilespmem:v4+s30+$0x0] =	vst.idx.msk vm1, v14  }
0x276: {  	v13 =	vld.idx.msk [tilespmem:v3+s22+$0x0], $0xffff  }
0x277: {  	v14 =	vld.idx.msk [tilespmem:v3+s23+$0x0], $0xffff  }
0x278: {  	v15 =	vld.idx.msk [tilespmem:v3+s24+$0x0], $0xffff  }
0x279: {  	v16 =	vld.idx.msk [tilespmem:v3+s25+$0x0], $0xffff  }
0x27a: {  	v61 =	vld.idx.msk [tilespmem:v4+s26+$0x0], $0xffff  }
0x27b: {  	v62 =	vld.idx.msk [tilespmem:v4+s28+$0x0], $0xffff  }
0x27c: {  	v63 =	vld.idx.msk [tilespmem:v4+s29+$0x0], $0xffff;
	vm9 =	vlt.f32 v13, v10;
	vm10 =	vlt.f32 v14, v8  }
0x27d: {  	v13 =	vld.idx.msk [tilespmem:v4+s30+$0x0], $0xffff;
	vm8 =	vmand vm8, vm9;
	vm7 =	vmand vm7, vm10;
	vm9 =	vlt.f32 v15, v6  }
0x27e: {  	vm6 =	vmand vm6, vm9;
	vm9 =	vlt.f32 v16, v5;
	vm10 =	vmor vm8, vm7  }
0x27f: {  	vm5 =	vmand vm5, vm9;
	vm9 =	vlt.f32 v61, v12;
	vm10 =	vmor vm10, vm6  }
0x280: {  	vm4 =	vmand vm4, vm9;
	vm9 =	vlt.f32 v62, v11;
	vm10 =	vmor vm10, vm5  }
0x281: {  	vm3 =	vmand vm3, vm9;
	vm9 =	vlt.f32 v63, v9;
	vm10 =	vmor vm10, vm4  }
0x282: {  	vm2 =	vmand vm2, vm9;
	vm9 =	vlt.f32 v13, v7;
	vm10 =	vmor vm10, vm3  }
0x283: {  	vm1 =	vmand vm1, vm9;
	vm9 =	vmor vm10, vm2  }
0x284: {  	vm9 =	vmor vm9, vm1  }
0x285: {  	v13 =	vsel vm9, $0x3F800000, v2  }
0x286: {  	(xrf0) =	vmax.scan.msk.f32 $0xffff, v13;
	_ =	sdelay $0x5  }
0x287: {  	v13, _, _ =	vpop (xrf0)  }
0x288: {  	(v2sf) =	vpush v13, $0xF;
	_ =	sdelay $0xe  }
0x289: {  	s5 =	spop (v2sf)  }
0x28a: {  	p1 =	sgt.f32 s5, $0.0e+00  }
.Ltmp19:
0x28b: {  	_ = 	snop;
	(pc) =	sbr.rel @p1 .LBB2_25-.Ltmp19, $1  }
0x28c: {  	_ =	sdelay $0x3  }
.Ltmp20:
0x28d: {  	_ = 	snop;
	(pc) =	sbr.rel .LBB2_27-.Ltmp20, $1  }
0x28e: {  	_ =	sdelay $0x3  }
.LBB2_29:
0x28f: {  	s3 =	simm.s32 $0x0  }
0x290: {  	v8 =	vld [tilespmem:s3+$0x13C00]  }
0x291: {  	v9 =	vld [tilespmem:s3+$0x16380]  }
0x292: {  	v3 =	vld [tilespmem:s3+$0x18B00]  }
0x293: {  	v4 =	vld [tilespmem:s3+$0x1B280]  }
0x294: {  	v7 =	vld [tilespmem:s3+$0x9E00]  }
0x295: {  	v5 =	vld [tilespmem:s3+$0xC580]  }
0x296: {  	s4 =	simm.s32 $0x40;
	v6 =	vld [tilespmem:s3+$0xED00]  }
.LBB2_30:
0x297: {  	s5 =	sshra.s32 s4, $0x2;
	p1 =	sne.s32 s4, $0x9C00;
	v10 =	vld [tilespmem:s3+$0x11480];
	v11 =	vmov v3  }
0x298: {  	v12 =	vld [tilespmem:s5+$0x13C00];
	v13 =	vmov v4  }
0x299: {  	v14 =	vld [tilespmem:s5+$0x16380];
	v4 =	vmax.f32 v7, v8  }
.Ltmp21:
0x29a: {  	v3 =	vld [tilespmem:s5+$0x18B00];
	[tilespmem:s3+$0x9E00] =	vst v4;
	v5 =	vmax.f32 v5, v9;
	(pc) =	sbr.rel @p1 .LBB2_30-.Ltmp21, $4  }
0x29b: {  	v4 =	vld [tilespmem:s5+$0x1B280];
	[tilespmem:s3+$0xC580] =	vst v5;
	v5 =	vmax.f32 v6, v11  }
0x29c: {  	v7 =	vld [tilespmem:s5+$0x9E00];
	[tilespmem:s3+$0xED00] =	vst v5;
	v6 =	vmax.f32 v10, v13  }
0x29d: {  	v5 =	vld [tilespmem:s5+$0xC580];
	[tilespmem:s3+$0x11480] =	vst v6;
	v8 =	vmov v12;
	s3 =	smov.u32 s5  }
0x29e: {  	s4 =	sadd.s32 $0x40, s4;
	v6 =	vld [tilespmem:s3+$0xED00];
	v9 =	vmov v14  }
0x29f: {  	v10 =	vld [tilespmem:s3+$0x11480];
	_ =	sdelay $0x1  }
0x2a0: {  	v7 =	vmax.f32 v7, v8  }
0x2a1: {  	[tilespmem:s3+$0x9E00] =	vst v7;
	v5 =	vmax.f32 v5, v9  }
0x2a2: {  	[tilespmem:s3+$0xC580] =	vst v5;
	v3 =	vmax.f32 v6, v3  }
0x2a3: {  	[tilespmem:s3+$0xED00] =	vst v3;
	v3 =	vmax.f32 v10, v4  }
0x2a4: {  	[tilespmem:s3+$0x11480] =	vst v3  }
0x2a5: {  	[hbm4b:s8+s13] =	stream.strided.scatter [tilespmem:s22], [sflag:$0x3], $0x2780, s14, s13, $0x38;
	[tilespmem:$0x1EE00] =	vst v63  }
0x2a6: {  	_ =	swait.ge [sflag:s15], $0x2780  }
0x2a7: {  	[sflag:s15] =	ssyncset.done $0x0  }
0x2a8: {  	[sflag:s15] =	ssyncadd.s32 $0xFFFFD880  }
0x2a9: {  	[hbm4b:s9+s13] =	stream.strided.scatter [tilespmem:s23], [sflag:$0x3], $0x2780, s14, s13, $0x38;
	[tilespmem:$0x1EE00] =	vst v63  }
0x2aa: {  	_ =	swait.ge [sflag:s15], $0x2780  }
0x2ab: {  	[sflag:s15] =	ssyncset.done $0x0  }
0x2ac: {  	[sflag:s15] =	ssyncadd.s32 $0xFFFFD880  }
0x2ad: {  	[hbm4b:s10+s13] =	stream.strided.scatter [tilespmem:s24], [sflag:$0x3], $0x2780, s14, s13, $0x38;
	[tilespmem:$0x1EE00] =	vst v63  }
0x2ae: {  	s0 =	sadd.s32 $0x1, s0;
	_ =	swait.ge [sflag:s15], $0x2780  }
0x2af: {  	p1 =	sne.s32 s0, s12;
	[sflag:s15] =	ssyncset.done $0x0  }
.Ltmp22:
0x2b0: {  	[sflag:s15] =	ssyncadd.s32 $0xFFFFD880;
	(pc) =	sbr.rel @p1 .LBB2_1-.Ltmp22, $4  }
0x2b1: {  	[hbm4b:s11+s13] =	stream.strided.scatter [tilespmem:s25], [sflag:$0x3], $0x2780, s14, s13, $0x38;
	[tilespmem:$0x1EE00] =	vst v63  }
0x2b2: {  	_ =	swait.ge [sflag:s15], $0x2780  }
0x2b3: {  	[sflag:s15] =	ssyncset.done $0x0  }
0x2b4: {  	[sflag:s15] =	ssyncadd.s32 $0xFFFFD880  }
0x2b5: {  	_ =	sfence.sel $0x180000  }
0x2b6: {  	[bflag:$0x0] =	sbarrier.arrive $0xFFFF  }
0x2b7: {  	_ =	strace $0x90000047  }
0x2b8: {  	s0 =	stileid.u32;
	[bflag:$0x2] =	sbarrier.arrive $0xFFFF  }
0x2b9: {  	p0 =	sne.s32 s0, $0x0;
	s0 =	rddreg [dreg:$0x2]  }
0x2ba: {  	s0 =	sadd.s32 @!p0 $0x100000, s0  }
0x2bb: {  	[sflag:s0] =	ssyncadd.tile.s32 @!p0 $0x1;
	_ =	shalt  }
.Lfunc_end2:
_tile_overlayer_lowered:
.L_overlay_start_2:
0x2bc: {  	(tag) =	ssettag $0x2  }
0x2bd: {  	s0 =	rddreg [dreg:$0x0];
	s2 =	stileid.u32  }
0x2be: {  	s1 =	rddreg [dreg:$0x1];
	p0 =	sne.s32 s2, $0x0  }
0x2bf: {  	s3 =	rddreg [dreg:$0x2];
	[bflag:$0x3] =	sbarrier.arrive $0xFFFF;
	s2 =	simm.s32 @!p0 $0x1C03  }
0x2c0: {  	[timem:s3], [sflag:s2] =	dma.local @!p0 [hbm:s0], s1  }
0x2c1: {  	s0 =	simm.s32 @!p0 $0x3  }
0x2c2: {  	_ =	swait.ge @!p0 [sflag:s0], s1  }
0x2c3: {  	s1 =	ssub.s32 @!p0 $0x0, s1;
	[sflag:s0] =	ssyncset.done @!p0 $0x0  }
0x2c4: {  	[sflag:s0] =	ssyncadd.s32 @!p0 s1  }
0x2c5: {  	[bflag:$0x3] =	sbarrier.arrive $0xFFFF  }
0x2c6: {  	_ =	shalt  }

</sc_bundles>
